<compile_context>
chip_gen: v7x
topology: tpu7x:2x2x1
jax: 0.10.2.dev20260603
libtpu: 0.0.44.dev20260713+nightly
codegen_flags: <defaults>
</compile_context>

<pallas_src>
import functools

import jax
import jax.numpy as jnp
import numpy as np
from jax import lax
from jax.experimental import pallas as pl
from jax.experimental.pallas import tpu as pltpu
from jax.experimental.pallas import tpu_sc as plsc

N = 10000
NP = 10240
F = 128
F2 = F // 2
E = 320000
ETOT = E + N
NC, NS = 2, 16
NW = NC * NS
CHB = 128
CHD = 81
CH = 162
EP = NS * CH * CHB
PAD_E = EP - ETOT
ZONE = NP // NS
NBUF = 6
ROWBLK = 2000
GRID = N // ROWBLK

_PAD = np.arange(PAD_E)
_TAIL_SRC = np.concatenate([np.arange(N), _PAD % N]).astype(np.int32)
_TAIL_DST = np.concatenate([np.arange(N), N + _PAD % (NP - N)]).astype(np.int32)


def _deg_body(dst_hbm, deg_hbm, dst_v, ones_v, zb_v, acc, dsem):
    c = lax.axis_index("c")
    s = lax.axis_index("s")
    wid = c * NS + s
    pltpu.sync_copy(dst_hbm.at[wid], dst_v)
    one16 = jnp.ones((16,), jnp.float32)
    zero16 = jnp.zeros((16,), jnp.float32)
    for j in range(CHB // 16):
        ones_v[pl.ds(j * 16, 16)] = one16
    for j in range(ZONE // 16):
        zb_v[pl.ds(j * 16, 16)] = zero16
    pltpu.sync_copy(zb_v, acc.at[pl.ds(s * ZONE, ZONE)])
    plsc.subcore_barrier()

    def chunk(g, carry):
        pltpu.async_copy(ones_v, acc.at[dst_v.at[g]], dsem, add=True)
        return carry

    lax.fori_loop(0, CHD, chunk, 0)

    def chunk_wait(g, carry):
        pltpu.make_async_copy(ones_v, acc.at[dst_v.at[g]], dsem).wait()
        return carry

    lax.fori_loop(0, CHD, chunk_wait, 0)
    plsc.subcore_barrier()
    pltpu.sync_copy(acc.at[pl.ds(s * ZONE, ZONE)], deg_hbm.at[c, pl.ds(s * ZONE, ZONE)])


def _agg_body(h_hbm, src_hbm, dst_hbm, zeros_hbm, out_hbm, src_v, dst_v,
              *scr):
    c = lax.axis_index("c")
    s = lax.axis_index("s")
    bufs = scr[:NBUF]
    acc = scr[NBUF]
    sems = scr[NBUF + 1:]
    hc = h_hbm.at[c]
    pltpu.sync_copy(src_hbm.at[s], src_v)
    pltpu.sync_copy(dst_hbm.at[s], dst_v)
    pltpu.sync_copy(zeros_hbm, acc.at[pl.ds(s * ZONE, ZONE)])
    plsc.subcore_barrier()

    for b in range(NBUF):
        pltpu.async_copy(hc.at[src_v.at[b]], bufs[b], sems[b])

    def outer(o, carry):
        for b in range(NBUF):
            g = o * NBUF + b
            pltpu.make_async_copy(hc.at[src_v.at[g]], bufs[b], sems[b]).wait()
            pltpu.sync_copy(bufs[b], acc.at[dst_v.at[g]], add=True)

            @pl.when(g + NBUF < CH)
            def _issue():
                pltpu.async_copy(hc.at[src_v.at[g + NBUF]], bufs[b], sems[b])
        return carry

    lax.fori_loop(0, CH // NBUF, outer, 0)
    plsc.subcore_barrier()
    pltpu.sync_copy(acc.at[pl.ds(s * ZONE, ZONE)],
                    out_hbm.at[c, pl.ds(s * ZONE, ZONE)])


@functools.lru_cache(maxsize=None)
def _sc_kernels():
    mesh = plsc.VectorSubcoreMesh(
        core_axis_name="c", subcore_axis_name="s", num_cores=NC, num_subcores=NS
    )
    deg_kernel = pl.kernel(
        _deg_body,
        out_type=jax.ShapeDtypeStruct((NC, NP), jnp.float32),
        mesh=mesh,
        scratch_types=[
            pltpu.VMEM((CHD, CHB), jnp.int32),
            pltpu.VMEM((CHB,), jnp.float32),
            pltpu.VMEM((ZONE,), jnp.float32),
            pltpu.VMEM_SHARED((NP,), jnp.float32),
            pltpu.SemaphoreType.DMA,
        ],
    )
    agg_kernel = pl.kernel(
        _agg_body,
        out_type=jax.ShapeDtypeStruct((NC, NP, F2), jnp.bfloat16),
        mesh=mesh,
        scratch_types=(
            [pltpu.VMEM((CH, CHB), jnp.int32),
             pltpu.VMEM((CH, CHB), jnp.int32)]
            + [pltpu.VMEM((CHB, F2), jnp.bfloat16)] * NBUF
            + [pltpu.VMEM_SHARED((NP, F2), jnp.bfloat16)]
            + [pltpu.SemaphoreType.DMA] * NBUF
        ),
        compiler_params=pltpu.CompilerParams(use_tc_tiling_on_sc=False),
    )
    return deg_kernel, agg_kernel


def _dinv_of(deg_ref):
    deg = deg_ref[0] + deg_ref[1]
    return lax.rsqrt(jnp.maximum(deg, 1.0))


def _mma_body(x_ref, w_ref, o_ref):
    o_ref[...] = jnp.dot(x_ref[...], w_ref[...],
                         preferred_element_type=jnp.float32)


def _scale_body(h_ref, deg_ref, o_ref):
    dinv = _dinv_of(deg_ref)
    hb = (h_ref[...] * dinv).astype(jnp.bfloat16)
    o_ref[0] = hb[:, :F2]
    o_ref[1] = hb[:, F2:]


def _mm2_body(a_ref, deg_ref, b_ref, w_ref, o_ref):
    dinv = _dinv_of(deg_ref)
    a = jnp.concatenate([a_ref[0], a_ref[1]], axis=1).astype(jnp.float32)
    z = jnp.maximum(a * dinv + b_ref[...], 0.0)
    h = jnp.dot(z, w_ref[...], preferred_element_type=jnp.float32) * dinv
    hb = h.astype(jnp.bfloat16)
    o_ref[0] = hb[:, :F2]
    o_ref[1] = hb[:, F2:]


def _fin_body(a_ref, deg_ref, b_ref, o_ref):
    dinv = _dinv_of(deg_ref)
    a = jnp.concatenate([a_ref[0], a_ref[1]], axis=1).astype(jnp.float32)
    o_ref[...] = jnp.maximum(a * dinv + b_ref[...], 0.0)


_rows_spec = pl.BlockSpec((ROWBLK, F), lambda i: (i, 0))
_half_spec = pl.BlockSpec((NC, ROWBLK, F2), lambda i: (0, i, 0))
_deg_spec = pl.BlockSpec((NC, ROWBLK, 1), lambda i: (0, i, 0))
_w_spec = pl.BlockSpec((F, F), lambda i: (0, 0))
_b_spec = pl.BlockSpec((1, F), lambda i: (0, 0))
_out_rows = jax.ShapeDtypeStruct((N, F), jnp.float32)
_out_half = jax.ShapeDtypeStruct((NC, N, F2), jnp.bfloat16)

_mma = pl.pallas_call(
    _mma_body, grid=(GRID,),
    in_specs=[_rows_spec, _w_spec],
    out_specs=_rows_spec, out_shape=_out_rows)

_scale = pl.pallas_call(
    _scale_body, grid=(GRID,),
    in_specs=[_rows_spec, _deg_spec],
    out_specs=_half_spec, out_shape=_out_half)

_mm2 = pl.pallas_call(
    _mm2_body, grid=(GRID,),
    in_specs=[_half_spec, _deg_spec, _b_spec, _w_spec],
    out_specs=_half_spec, out_shape=_out_half)

_fin = pl.pallas_call(
    _fin_body, grid=(GRID,),
    in_specs=[_half_spec, _deg_spec, _b_spec],
    out_specs=_rows_spec, out_shape=_out_rows)


def kernel(x, edge_index, W1, b1, W2, b2):
    srcf = jnp.concatenate([edge_index[0], _TAIL_SRC])
    dstf = jnp.concatenate([edge_index[1], _TAIL_DST])
    src_a = srcf.reshape(NS, CH, CHB)
    dst_a = dstf.reshape(NS, CH, CHB)
    dst_d = dstf.reshape(NW, CHD, CHB)
    zeros = jnp.zeros((ZONE, F2), jnp.bfloat16)

    deg_kernel, agg_kernel = _sc_kernels()
    xw1 = _mma(x, W1)
    deg = deg_kernel(dst_d).reshape(NC, NP, 1)[:, :N]
    h1 = _scale(xw1, deg)
    agg1 = agg_kernel(h1, src_a, dst_a, zeros)
    h2 = _mm2(agg1, deg, b1.reshape(1, F), W2)
    agg2 = agg_kernel(h2, src_a, dst_a, zeros)
    return _fin(agg2, deg, b2.reshape(1, F))

# --- scband reference (transcript-rebuilt; emitter-appended) ---
"""Pipeline reference for scband-dgi-86998857548311 (READ-ONLY COPY).

The authoritative reference and input builder live on the scoring server;
editing this copy changes nothing except your own understanding.
"""

import jax, jax.numpy as jnp
import numpy as np

N = 10000
E = 320000
NFEAT = 128
NHID = 128


def setup_inputs(seed: int = 0) -> dict:
    key = jax.random.key(seed)
    ks = jax.random.split(key, 6)
    x = jax.random.normal(ks[0], (N, NFEAT), dtype=jnp.float32)
    edge_index = jax.random.randint(ks[1], (2, E), 0, N, dtype=jnp.int32)
    # GCNConv weights (glorot-style scaling) and biases for 2-layer GCN_body
    W1 = jax.random.normal(ks[2], (NFEAT, NHID), dtype=jnp.float32) * (1.0 / np.sqrt(NFEAT))
    b1 = jnp.zeros((NHID,), dtype=jnp.float32)
    W2 = jax.random.normal(ks[3], (NHID, NHID), dtype=jnp.float32) * (1.0 / np.sqrt(NHID))
    b2 = jnp.zeros((NHID,), dtype=jnp.float32)
    return {"x": x, "edge_index": edge_index, "W1": W1, "b1": b1, "W2": W2, "b2": b2}


def _gcn_conv(x, src, dst, W, b, num_nodes):
    # PyG GCNConv with self-loops already appended to (src, dst):
    # deg computed over dst, symmetric normalization deg^-1/2[src]*deg^-1/2[dst]
    h = x @ W
    deg = jnp.zeros((num_nodes,), dtype=x.dtype).at[dst].add(1.0)
    dinv = jax.lax.rsqrt(jnp.maximum(deg, 1.0))
    norm = dinv[src] * dinv[dst]
    msg = h[src] * norm[:, None]
    out = jnp.zeros((num_nodes, h.shape[1]), dtype=x.dtype).at[dst].add(msg)
    return out + b


def reference(x, edge_index, W1, b1, W2, b2):
    # DGI.forward -> encoder_model(x, edge_index) -> z (g, zn discarded)
    # GCN_body: 2x [GCNConv -> relu], dropout p=0 (DGI sets self.dropout=0),
    # layer_norm_first=False, use_ln=False.
    loops = jnp.arange(N, dtype=edge_index.dtype)
    src = jnp.concatenate([edge_index[0], loops])
    dst = jnp.concatenate([edge_index[1], loops])
    h = jax.nn.relu(_gcn_conv(x, src, dst, W1, b1, N))
    z = jax.nn.relu(_gcn_conv(h, src, dst, W2, b2, N))
    return z

if __name__ == "__main__":
    import jax
    _d = setup_inputs()
    print(jax.jit(kernel)(*tuple(_d.values())))

</pallas_src>

<mosaic_0001>
#map = affine_map<(d0, d1) -> (0, 0, 0)>
#map1 = affine_map<(d0, d1) -> (0, 0)>
module attributes {stable_mosaic.version = 14 : i64} {
  func.func @_agg_body(%arg0: i32, %arg1: i32, %arg2: memref<2x10000x64xbf16, #tpu.memory_space<hbm>>, %arg3: memref<16x162x128xi32, #tpu.memory_space<hbm>>, %arg4: memref<16x162x128xi32, #tpu.memory_space<hbm>>, %arg5: memref<640x64xbf16, #tpu.memory_space<hbm>>, %arg6: memref<2x10240x64xbf16, #tpu.memory_space<hbm>>, %arg7: memref<162x128xi32, #tpu.memory_space<vmem>>, %arg8: memref<162x128xi32, #tpu.memory_space<vmem>>, %arg9: memref<128x64xbf16, #tpu.memory_space<vmem>>, %arg10: memref<128x64xbf16, #tpu.memory_space<vmem>>, %arg11: memref<128x64xbf16, #tpu.memory_space<vmem>>, %arg12: memref<128x64xbf16, #tpu.memory_space<vmem>>, %arg13: memref<128x64xbf16, #tpu.memory_space<vmem>>, %arg14: memref<128x64xbf16, #tpu.memory_space<vmem>>, %arg15: memref<10240x64xbf16, #tpu.memory_space<vmem_shared>>, %arg16: memref<!tpu.dma_semaphore, #tpu.memory_space<semaphore_mem>>, %arg17: memref<!tpu.dma_semaphore, #tpu.memory_space<semaphore_mem>>, %arg18: memref<!tpu.dma_semaphore, #tpu.memory_space<semaphore_mem>>, %arg19: memref<!tpu.dma_semaphore, #tpu.memory_space<semaphore_mem>>, %arg20: memref<!tpu.dma_semaphore, #tpu.memory_space<semaphore_mem>>, %arg21: memref<!tpu.dma_semaphore, #tpu.memory_space<semaphore_mem>>) attributes {dimension_semantics = [#tpu.dimension_semantics<core_parallel>, #tpu.dimension_semantics<subcore_parallel>], iteration_bounds = array<i64: 2, 16>, scalar_prefetch = 0 : i64, scratch_operands = 15 : i64, tpu.core_type = #tpu.core_type<sc_vector_subcore>, window_params = [{transform_indices = #map}, {transform_indices = #map}, {transform_indices = #map}, {transform_indices = #map1}, {transform_indices = #map}]} {
    "tpu.region"() ({
      %run_scoped3A = tpu.sem_alloc : memref<!tpu.dma_semaphore, #tpu.memory_space<semaphore_mem>>
      %dma_start3A_76 = arith.constant 0 : i32
      %dma_start3A_77 = arith.constant 0 : i32
      %dma_start3A_78 = tpu.memref_slice %arg3[%arg1, %dma_start3A_76, %dma_start3A_77] : memref<16x162x128xi32, #tpu.memory_space<hbm>> -> memref<1x162x128xi32, #tpu.memory_space<hbm>>
      %dma_start3A_79 = tpu.memref_squeeze %dma_start3A_78 : memref<1x162x128xi32, #tpu.memory_space<hbm>> -> memref<162x128xi32, #tpu.memory_space<hbm>>
      %dma_start3A_80 = arith.constant 0 : i32
      %dma_start3A_81 = arith.constant 0 : i32
      %dma_start3A_82 = tpu.memref_slice %arg3[%arg1, %dma_start3A_80, %dma_start3A_81] : memref<16x162x128xi32, #tpu.memory_space<hbm>> -> memref<1x162x128xi32, #tpu.memory_space<hbm>>
      %dma_start3A_83 = tpu.memref_squeeze %dma_start3A_82 : memref<1x162x128xi32, #tpu.memory_space<hbm>> -> memref<162x128xi32, #tpu.memory_space<hbm>>
      tpu.enqueue_dma source(%dma_start3A_83 : memref<162x128xi32, #tpu.memory_space<hbm>>) target(%arg7 : memref<162x128xi32, #tpu.memory_space<vmem>>) target_semaphore(%run_scoped3A : memref<!tpu.dma_semaphore, #tpu.memory_space<semaphore_mem>>)
      %dma_wait3A = arith.constant 0 : i32
      %dma_wait3A_84 = arith.constant 0 : i32
      %dma_wait3A_85 = tpu.memref_slice %arg3[%arg1, %dma_wait3A, %dma_wait3A_84] : memref<16x162x128xi32, #tpu.memory_space<hbm>> -> memref<1x162x128xi32, #tpu.memory_space<hbm>>
      %dma_wait3A_86 = tpu.memref_squeeze %dma_wait3A_85 : memref<1x162x128xi32, #tpu.memory_space<hbm>> -> memref<162x128xi32, #tpu.memory_space<hbm>>
      %dma_wait3A_87 = arith.constant 0 : i32
      %dma_wait3A_88 = arith.constant 0 : i32
      %dma_wait3A_89 = tpu.memref_slice %arg3[%arg1, %dma_wait3A_87, %dma_wait3A_88] : memref<16x162x128xi32, #tpu.memory_space<hbm>> -> memref<1x162x128xi32, #tpu.memory_space<hbm>>
      %dma_wait3A_90 = tpu.memref_squeeze %dma_wait3A_89 : memref<1x162x128xi32, #tpu.memory_space<hbm>> -> memref<162x128xi32, #tpu.memory_space<hbm>>
      tpu.wait_dma2 semaphore(%run_scoped3A : memref<!tpu.dma_semaphore, #tpu.memory_space<semaphore_mem>>) src(%dma_wait3A_90 : memref<162x128xi32, #tpu.memory_space<hbm>>) dst(%arg7 : memref<162x128xi32, #tpu.memory_space<vmem>>)
      tpu.yield
    }) : () -> ()
    "tpu.region"() ({
      %run_scoped3A = tpu.sem_alloc : memref<!tpu.dma_semaphore, #tpu.memory_space<semaphore_mem>>
      %dma_start3A_76 = arith.constant 0 : i32
      %dma_start3A_77 = arith.constant 0 : i32
      %dma_start3A_78 = tpu.memref_slice %arg4[%arg1, %dma_start3A_76, %dma_start3A_77] : memref<16x162x128xi32, #tpu.memory_space<hbm>> -> memref<1x162x128xi32, #tpu.memory_space<hbm>>
      %dma_start3A_79 = tpu.memref_squeeze %dma_start3A_78 : memref<1x162x128xi32, #tpu.memory_space<hbm>> -> memref<162x128xi32, #tpu.memory_space<hbm>>
      %dma_start3A_80 = arith.constant 0 : i32
      %dma_start3A_81 = arith.constant 0 : i32
      %dma_start3A_82 = tpu.memref_slice %arg4[%arg1, %dma_start3A_80, %dma_start3A_81] : memref<16x162x128xi32, #tpu.memory_space<hbm>> -> memref<1x162x128xi32, #tpu.memory_space<hbm>>
      %dma_start3A_83 = tpu.memref_squeeze %dma_start3A_82 : memref<1x162x128xi32, #tpu.memory_space<hbm>> -> memref<162x128xi32, #tpu.memory_space<hbm>>
      tpu.enqueue_dma source(%dma_start3A_83 : memref<162x128xi32, #tpu.memory_space<hbm>>) target(%arg8 : memref<162x128xi32, #tpu.memory_space<vmem>>) target_semaphore(%run_scoped3A : memref<!tpu.dma_semaphore, #tpu.memory_space<semaphore_mem>>)
      %dma_wait3A = arith.constant 0 : i32
      %dma_wait3A_84 = arith.constant 0 : i32
      %dma_wait3A_85 = tpu.memref_slice %arg4[%arg1, %dma_wait3A, %dma_wait3A_84] : memref<16x162x128xi32, #tpu.memory_space<hbm>> -> memref<1x162x128xi32, #tpu.memory_space<hbm>>
      %dma_wait3A_86 = tpu.memref_squeeze %dma_wait3A_85 : memref<1x162x128xi32, #tpu.memory_space<hbm>> -> memref<162x128xi32, #tpu.memory_space<hbm>>
      %dma_wait3A_87 = arith.constant 0 : i32
      %dma_wait3A_88 = arith.constant 0 : i32
      %dma_wait3A_89 = tpu.memref_slice %arg4[%arg1, %dma_wait3A_87, %dma_wait3A_88] : memref<16x162x128xi32, #tpu.memory_space<hbm>> -> memref<1x162x128xi32, #tpu.memory_space<hbm>>
      %dma_wait3A_90 = tpu.memref_squeeze %dma_wait3A_89 : memref<1x162x128xi32, #tpu.memory_space<hbm>> -> memref<162x128xi32, #tpu.memory_space<hbm>>
      tpu.wait_dma2 semaphore(%run_scoped3A : memref<!tpu.dma_semaphore, #tpu.memory_space<semaphore_mem>>) src(%dma_wait3A_90 : memref<162x128xi32, #tpu.memory_space<hbm>>) dst(%arg8 : memref<162x128xi32, #tpu.memory_space<vmem>>)
      tpu.yield
    }) : () -> ()
    %mul3A = arith.constant 640 : i32
    %mul3A_0 = arith.muli %arg1, %mul3A : i32
    "tpu.region"() ({
      %run_scoped3A = tpu.sem_alloc : memref<!tpu.dma_semaphore, #tpu.memory_space<semaphore_mem>>
      %dma_start3A_76 = arith.constant 0 : i32
      %dma_start3A_77 = tpu.memref_slice %arg15[%mul3A_0, %dma_start3A_76] : memref<10240x64xbf16, #tpu.memory_space<vmem_shared>> -> memref<640x64xbf16, #tpu.memory_space<vmem_shared>>
      tpu.enqueue_dma source(%arg5 : memref<640x64xbf16, #tpu.memory_space<hbm>>) target(%dma_start3A_77 : memref<640x64xbf16, #tpu.memory_space<vmem_shared>>) target_semaphore(%run_scoped3A : memref<!tpu.dma_semaphore, #tpu.memory_space<semaphore_mem>>)
      %dma_wait3A = arith.constant 0 : i32
      %dma_wait3A_78 = tpu.memref_slice %arg15[%mul3A_0, %dma_wait3A] : memref<10240x64xbf16, #tpu.memory_space<vmem_shared>> -> memref<640x64xbf16, #tpu.memory_space<vmem_shared>>
      tpu.wait_dma2 semaphore(%run_scoped3A : memref<!tpu.dma_semaphore, #tpu.memory_space<semaphore_mem>>) src(%arg5 : memref<640x64xbf16, #tpu.memory_space<hbm>>) dst(%dma_wait3A_78 : memref<640x64xbf16, #tpu.memory_space<vmem_shared>>)
      tpu.yield
    }) : () -> ()
    %barrier3A = arith.constant 0 : index
    tpu.barrier barrier_id(%barrier3A)
    %dma_start3A = arith.constant 0 : i32
    %dma_start3A_1 = arith.constant 0 : i32
    %dma_start3A_2 = tpu.memref_slice %arg7[%dma_start3A, %dma_start3A_1] : memref<162x128xi32, #tpu.memory_space<vmem>> -> memref<1x128xi32, #tpu.memory_space<vmem>>
    %dma_start3A_3 = tpu.memref_squeeze %dma_start3A_2 : memref<1x128xi32, #tpu.memory_space<vmem>> -> memref<128xi32, #tpu.memory_space<vmem>>
    %dma_start3A_4 = arith.constant 0 : i32
    %dma_start3A_5 = arith.constant 0 : i32
    %dma_start3A_6 = tpu.memref_slice %arg2[%arg0, %dma_start3A_4, %dma_start3A_5] : memref<2x10000x64xbf16, #tpu.memory_space<hbm>> -> memref<1x10000x64xbf16, #tpu.memory_space<hbm>>
    %dma_start3A_7 = tpu.memref_squeeze %dma_start3A_6 : memref<1x10000x64xbf16, #tpu.memory_space<hbm>> -> memref<10000x64xbf16, #tpu.memory_space<hbm>>
    %dma_start3A_8 = arith.constant 0 : i32
    %dma_start3A_9 = arith.constant 0 : i32
    %dma_start3A_10 = tpu.memref_slice %dma_start3A_7[%dma_start3A_8, %dma_start3A_9] : memref<10000x64xbf16, #tpu.memory_space<hbm>> -> memref<10000x64xbf16, #tpu.memory_space<hbm>>
    tpu.enqueue_indirect_dma source(%dma_start3A_10 : memref<10000x64xbf16, #tpu.memory_space<hbm>>) target(%arg9 : memref<128x64xbf16, #tpu.memory_space<vmem>>) offsets(%dma_start3A_3 : memref<128xi32, #tpu.memory_space<vmem>>) semaphore(%arg16 : memref<!tpu.dma_semaphore, #tpu.memory_space<semaphore_mem>>)
    %dma_start3A_11 = arith.constant 1 : i32
    %dma_start3A_12 = arith.constant 0 : i32
    %dma_start3A_13 = tpu.memref_slice %arg7[%dma_start3A_11, %dma_start3A_12] : memref<162x128xi32, #tpu.memory_space<vmem>> -> memref<1x128xi32, #tpu.memory_space<vmem>>
    %dma_start3A_14 = tpu.memref_squeeze %dma_start3A_13 : memref<1x128xi32, #tpu.memory_space<vmem>> -> memref<128xi32, #tpu.memory_space<vmem>>
    %dma_start3A_15 = arith.constant 0 : i32
    %dma_start3A_16 = arith.constant 0 : i32
    %dma_start3A_17 = tpu.memref_slice %arg2[%arg0, %dma_start3A_15, %dma_start3A_16] : memref<2x10000x64xbf16, #tpu.memory_space<hbm>> -> memref<1x10000x64xbf16, #tpu.memory_space<hbm>>
    %dma_start3A_18 = tpu.memref_squeeze %dma_start3A_17 : memref<1x10000x64xbf16, #tpu.memory_space<hbm>> -> memref<10000x64xbf16, #tpu.memory_space<hbm>>
    %dma_start3A_19 = arith.constant 0 : i32
    %dma_start3A_20 = arith.constant 0 : i32
    %dma_start3A_21 = tpu.memref_slice %dma_start3A_18[%dma_start3A_19, %dma_start3A_20] : memref<10000x64xbf16, #tpu.memory_space<hbm>> -> memref<10000x64xbf16, #tpu.memory_space<hbm>>
    tpu.enqueue_indirect_dma source(%dma_start3A_21 : memref<10000x64xbf16, #tpu.memory_space<hbm>>) target(%arg10 : memref<128x64xbf16, #tpu.memory_space<vmem>>) offsets(%dma_start3A_14 : memref<128xi32, #tpu.memory_space<vmem>>) semaphore(%arg17 : memref<!tpu.dma_semaphore, #tpu.memory_space<semaphore_mem>>)
    %dma_start3A_22 = arith.constant 2 : i32
    %dma_start3A_23 = arith.constant 0 : i32
    %dma_start3A_24 = tpu.memref_slice %arg7[%dma_start3A_22, %dma_start3A_23] : memref<162x128xi32, #tpu.memory_space<vmem>> -> memref<1x128xi32, #tpu.memory_space<vmem>>
    %dma_start3A_25 = tpu.memref_squeeze %dma_start3A_24 : memref<1x128xi32, #tpu.memory_space<vmem>> -> memref<128xi32, #tpu.memory_space<vmem>>
    %dma_start3A_26 = arith.constant 0 : i32
    %dma_start3A_27 = arith.constant 0 : i32
    %dma_start3A_28 = tpu.memref_slice %arg2[%arg0, %dma_start3A_26, %dma_start3A_27] : memref<2x10000x64xbf16, #tpu.memory_space<hbm>> -> memref<1x10000x64xbf16, #tpu.memory_space<hbm>>
    %dma_start3A_29 = tpu.memref_squeeze %dma_start3A_28 : memref<1x10000x64xbf16, #tpu.memory_space<hbm>> -> memref<10000x64xbf16, #tpu.memory_space<hbm>>
    %dma_start3A_30 = arith.constant 0 : i32
    %dma_start3A_31 = arith.constant 0 : i32
    %dma_start3A_32 = tpu.memref_slice %dma_start3A_29[%dma_start3A_30, %dma_start3A_31] : memref<10000x64xbf16, #tpu.memory_space<hbm>> -> memref<10000x64xbf16, #tpu.memory_space<hbm>>
    tpu.enqueue_indirect_dma source(%dma_start3A_32 : memref<10000x64xbf16, #tpu.memory_space<hbm>>) target(%arg11 : memref<128x64xbf16, #tpu.memory_space<vmem>>) offsets(%dma_start3A_25 : memref<128xi32, #tpu.memory_space<vmem>>) semaphore(%arg18 : memref<!tpu.dma_semaphore, #tpu.memory_space<semaphore_mem>>)
    %dma_start3A_33 = arith.constant 3 : i32
    %dma_start3A_34 = arith.constant 0 : i32
    %dma_start3A_35 = tpu.memref_slice %arg7[%dma_start3A_33, %dma_start3A_34] : memref<162x128xi32, #tpu.memory_space<vmem>> -> memref<1x128xi32, #tpu.memory_space<vmem>>
    %dma_start3A_36 = tpu.memref_squeeze %dma_start3A_35 : memref<1x128xi32, #tpu.memory_space<vmem>> -> memref<128xi32, #tpu.memory_space<vmem>>
    %dma_start3A_37 = arith.constant 0 : i32
    %dma_start3A_38 = arith.constant 0 : i32
    %dma_start3A_39 = tpu.memref_slice %arg2[%arg0, %dma_start3A_37, %dma_start3A_38] : memref<2x10000x64xbf16, #tpu.memory_space<hbm>> -> memref<1x10000x64xbf16, #tpu.memory_space<hbm>>
    %dma_start3A_40 = tpu.memref_squeeze %dma_start3A_39 : memref<1x10000x64xbf16, #tpu.memory_space<hbm>> -> memref<10000x64xbf16, #tpu.memory_space<hbm>>
    %dma_start3A_41 = arith.constant 0 : i32
    %dma_start3A_42 = arith.constant 0 : i32
    %dma_start3A_43 = tpu.memref_slice %dma_start3A_40[%dma_start3A_41, %dma_start3A_42] : memref<10000x64xbf16, #tpu.memory_space<hbm>> -> memref<10000x64xbf16, #tpu.memory_space<hbm>>
    tpu.enqueue_indirect_dma source(%dma_start3A_43 : memref<10000x64xbf16, #tpu.memory_space<hbm>>) target(%arg12 : memref<128x64xbf16, #tpu.memory_space<vmem>>) offsets(%dma_start3A_36 : memref<128xi32, #tpu.memory_space<vmem>>) semaphore(%arg19 : memref<!tpu.dma_semaphore, #tpu.memory_space<semaphore_mem>>)
    %dma_start3A_44 = arith.constant 4 : i32
    %dma_start3A_45 = arith.constant 0 : i32
    %dma_start3A_46 = tpu.memref_slice %arg7[%dma_start3A_44, %dma_start3A_45] : memref<162x128xi32, #tpu.memory_space<vmem>> -> memref<1x128xi32, #tpu.memory_space<vmem>>
    %dma_start3A_47 = tpu.memref_squeeze %dma_start3A_46 : memref<1x128xi32, #tpu.memory_space<vmem>> -> memref<128xi32, #tpu.memory_space<vmem>>
    %dma_start3A_48 = arith.constant 0 : i32
    %dma_start3A_49 = arith.constant 0 : i32
    %dma_start3A_50 = tpu.memref_slice %arg2[%arg0, %dma_start3A_48, %dma_start3A_49] : memref<2x10000x64xbf16, #tpu.memory_space<hbm>> -> memref<1x10000x64xbf16, #tpu.memory_space<hbm>>
    %dma_start3A_51 = tpu.memref_squeeze %dma_start3A_50 : memref<1x10000x64xbf16, #tpu.memory_space<hbm>> -> memref<10000x64xbf16, #tpu.memory_space<hbm>>
    %dma_start3A_52 = arith.constant 0 : i32
    %dma_start3A_53 = arith.constant 0 : i32
    %dma_start3A_54 = tpu.memref_slice %dma_start3A_51[%dma_start3A_52, %dma_start3A_53] : memref<10000x64xbf16, #tpu.memory_space<hbm>> -> memref<10000x64xbf16, #tpu.memory_space<hbm>>
    tpu.enqueue_indirect_dma source(%dma_start3A_54 : memref<10000x64xbf16, #tpu.memory_space<hbm>>) target(%arg13 : memref<128x64xbf16, #tpu.memory_space<vmem>>) offsets(%dma_start3A_47 : memref<128xi32, #tpu.memory_space<vmem>>) semaphore(%arg20 : memref<!tpu.dma_semaphore, #tpu.memory_space<semaphore_mem>>)
    %dma_start3A_55 = arith.constant 5 : i32
    %dma_start3A_56 = arith.constant 0 : i32
    %dma_start3A_57 = tpu.memref_slice %arg7[%dma_start3A_55, %dma_start3A_56] : memref<162x128xi32, #tpu.memory_space<vmem>> -> memref<1x128xi32, #tpu.memory_space<vmem>>
    %dma_start3A_58 = tpu.memref_squeeze %dma_start3A_57 : memref<1x128xi32, #tpu.memory_space<vmem>> -> memref<128xi32, #tpu.memory_space<vmem>>
    %dma_start3A_59 = arith.constant 0 : i32
    %dma_start3A_60 = arith.constant 0 : i32
    %dma_start3A_61 = tpu.memref_slice %arg2[%arg0, %dma_start3A_59, %dma_start3A_60] : memref<2x10000x64xbf16, #tpu.memory_space<hbm>> -> memref<1x10000x64xbf16, #tpu.memory_space<hbm>>
    %dma_start3A_62 = tpu.memref_squeeze %dma_start3A_61 : memref<1x10000x64xbf16, #tpu.memory_space<hbm>> -> memref<10000x64xbf16, #tpu.memory_space<hbm>>
    %dma_start3A_63 = arith.constant 0 : i32
    %dma_start3A_64 = arith.constant 0 : i32
    %dma_start3A_65 = tpu.memref_slice %dma_start3A_62[%dma_start3A_63, %dma_start3A_64] : memref<10000x64xbf16, #tpu.memory_space<hbm>> -> memref<10000x64xbf16, #tpu.memory_space<hbm>>
    tpu.enqueue_indirect_dma source(%dma_start3A_65 : memref<10000x64xbf16, #tpu.memory_space<hbm>>) target(%arg14 : memref<128x64xbf16, #tpu.memory_space<vmem>>) offsets(%dma_start3A_58 : memref<128xi32, #tpu.memory_space<vmem>>) semaphore(%arg21 : memref<!tpu.dma_semaphore, #tpu.memory_space<semaphore_mem>>)
    %scan3A = arith.constant 0 : i32
    %scan3A_66 = arith.constant 0 : i32
    %scan3A_67 = arith.constant 27 : i32
    %scan3A_68 = arith.addi %scan3A_66, %scan3A_67 : i32
    %scan3A_69 = arith.constant 1 : i32
    scf.for %scan3A_76 = %scan3A_66 to %scan3A_68 step %scan3A_69  : i32 {
      %mul3A_77 = arith.constant 6 : i32
      %mul3A_78 = arith.muli %scan3A_76, %mul3A_77 : i32
      %add3A = arith.constant 0 : i32
      %add3A_79 = arith.addi %mul3A_78, %add3A : i32
      %dma_wait3A = arith.constant 0 : i32
      %dma_wait3A_80 = tpu.memref_slice %arg7[%add3A_79, %dma_wait3A] : memref<162x128xi32, #tpu.memory_space<vmem>> -> memref<1x128xi32, #tpu.memory_space<vmem>>
      %dma_wait3A_81 = tpu.memref_squeeze %dma_wait3A_80 : memref<1x128xi32, #tpu.memory_space<vmem>> -> memref<128xi32, #tpu.memory_space<vmem>>
      %dma_wait3A_82 = arith.constant 0 : i32
      %dma_wait3A_83 = arith.constant 0 : i32
      %dma_wait3A_84 = tpu.memref_slice %arg2[%arg0, %dma_wait3A_82, %dma_wait3A_83] : memref<2x10000x64xbf16, #tpu.memory_space<hbm>> -> memref<1x10000x64xbf16, #tpu.memory_space<hbm>>
      %dma_wait3A_85 = tpu.memref_squeeze %dma_wait3A_84 : memref<1x10000x64xbf16, #tpu.memory_space<hbm>> -> memref<10000x64xbf16, #tpu.memory_space<hbm>>
      %dma_wait3A_86 = arith.constant 0 : i32
      %dma_wait3A_87 = arith.constant 0 : i32
      %dma_wait3A_88 = tpu.memref_slice %dma_wait3A_85[%dma_wait3A_86, %dma_wait3A_87] : memref<10000x64xbf16, #tpu.memory_space<hbm>> -> memref<10000x64xbf16, #tpu.memory_space<hbm>>
      tpu.wait_indirect_dma semaphore(%arg16 : memref<!tpu.dma_semaphore, #tpu.memory_space<semaphore_mem>>) src(%dma_wait3A_88 : memref<10000x64xbf16, #tpu.memory_space<hbm>>) dst(%arg9 : memref<128x64xbf16, #tpu.memory_space<vmem>>)
      "tpu.region"() ({
        %run_scoped3A = tpu.sem_alloc : memref<!tpu.dma_semaphore, #tpu.memory_space<semaphore_mem>>
        %dma_start3A_198 = arith.constant 0 : i32
        %dma_start3A_199 = tpu.memref_slice %arg8[%add3A_79, %dma_start3A_198] : memref<162x128xi32, #tpu.memory_space<vmem>> -> memref<1x128xi32, #tpu.memory_space<vmem>>
        %dma_start3A_200 = tpu.memref_squeeze %dma_start3A_199 : memref<1x128xi32, #tpu.memory_space<vmem>> -> memref<128xi32, #tpu.memory_space<vmem>>
        %dma_start3A_201 = arith.constant 0 : i32
        %dma_start3A_202 = arith.constant 0 : i32
        %dma_start3A_203 = tpu.memref_slice %arg15[%dma_start3A_201, %dma_start3A_202] : memref<10240x64xbf16, #tpu.memory_space<vmem_shared>> -> memref<10240x64xbf16, #tpu.memory_space<vmem_shared>>
        tpu.enqueue_indirect_dma source(%arg9 : memref<128x64xbf16, #tpu.memory_space<vmem>>) target(%dma_start3A_203 : memref<10240x64xbf16, #tpu.memory_space<vmem_shared>>) offsets(%dma_start3A_200 : memref<128xi32, #tpu.memory_space<vmem>>) semaphore(%run_scoped3A : memref<!tpu.dma_semaphore, #tpu.memory_space<semaphore_mem>>) {add = true}
        %dma_wait3A_204 = arith.constant 0 : i32
        %dma_wait3A_205 = tpu.memref_slice %arg8[%add3A_79, %dma_wait3A_204] : memref<162x128xi32, #tpu.memory_space<vmem>> -> memref<1x128xi32, #tpu.memory_space<vmem>>
        %dma_wait3A_206 = tpu.memref_squeeze %dma_wait3A_205 : memref<1x128xi32, #tpu.memory_space<vmem>> -> memref<128xi32, #tpu.memory_space<vmem>>
        %dma_wait3A_207 = arith.constant 0 : i32
        %dma_wait3A_208 = arith.constant 0 : i32
        %dma_wait3A_209 = tpu.memref_slice %arg15[%dma_wait3A_207, %dma_wait3A_208] : memref<10240x64xbf16, #tpu.memory_space<vmem_shared>> -> memref<10240x64xbf16, #tpu.memory_space<vmem_shared>>
        tpu.wait_indirect_dma semaphore(%run_scoped3A : memref<!tpu.dma_semaphore, #tpu.memory_space<semaphore_mem>>) src(%arg9 : memref<128x64xbf16, #tpu.memory_space<vmem>>) dst(%dma_wait3A_209 : memref<10240x64xbf16, #tpu.memory_space<vmem_shared>>)
        tpu.yield
      }) : () -> ()
      %add3A_89 = arith.constant 6 : i32
      %add3A_90 = arith.addi %add3A_79, %add3A_89 : i32
      %lt3A = arith.constant 162 : i32
      %lt3A_91 = arith.cmpi slt, %add3A_90, %lt3A : i32
      %convert_element_type3A = arith.extui %lt3A_91 : i1 to i32
      %cond3A = arith.constant 0 : i32
      %cond3A_92 = arith.cmpi ne, %convert_element_type3A, %cond3A : i32
      scf.if %cond3A_92 {
        %add3A_198 = arith.constant 6 : i32
        %add3A_199 = arith.addi %add3A_79, %add3A_198 : i32
        %dma_start3A_200 = arith.constant 0 : i32
        %dma_start3A_201 = tpu.memref_slice %arg7[%add3A_199, %dma_start3A_200] : memref<162x128xi32, #tpu.memory_space<vmem>> -> memref<1x128xi32, #tpu.memory_space<vmem>>
        %dma_start3A_202 = tpu.memref_squeeze %dma_start3A_201 : memref<1x128xi32, #tpu.memory_space<vmem>> -> memref<128xi32, #tpu.memory_space<vmem>>
        %dma_start3A_203 = arith.constant 0 : i32
        %dma_start3A_204 = arith.constant 0 : i32
        %dma_start3A_205 = tpu.memref_slice %arg2[%arg0, %dma_start3A_203, %dma_start3A_204] : memref<2x10000x64xbf16, #tpu.memory_space<hbm>> -> memref<1x10000x64xbf16, #tpu.memory_space<hbm>>
        %dma_start3A_206 = tpu.memref_squeeze %dma_start3A_205 : memref<1x10000x64xbf16, #tpu.memory_space<hbm>> -> memref<10000x64xbf16, #tpu.memory_space<hbm>>
        %dma_start3A_207 = arith.constant 0 : i32
        %dma_start3A_208 = arith.constant 0 : i32
        %dma_start3A_209 = tpu.memref_slice %dma_start3A_206[%dma_start3A_207, %dma_start3A_208] : memref<10000x64xbf16, #tpu.memory_space<hbm>> -> memref<10000x64xbf16, #tpu.memory_space<hbm>>
        tpu.enqueue_indirect_dma source(%dma_start3A_209 : memref<10000x64xbf16, #tpu.memory_space<hbm>>) target(%arg9 : memref<128x64xbf16, #tpu.memory_space<vmem>>) offsets(%dma_start3A_202 : memref<128xi32, #tpu.memory_space<vmem>>) semaphore(%arg16 : memref<!tpu.dma_semaphore, #tpu.memory_space<semaphore_mem>>)
      } else {
      }
      %mul3A_93 = arith.constant 6 : i32
      %mul3A_94 = arith.muli %scan3A_76, %mul3A_93 : i32
      %add3A_95 = arith.constant 1 : i32
      %add3A_96 = arith.addi %mul3A_94, %add3A_95 : i32
      %dma_wait3A_97 = arith.constant 0 : i32
      %dma_wait3A_98 = tpu.memref_slice %arg7[%add3A_96, %dma_wait3A_97] : memref<162x128xi32, #tpu.memory_space<vmem>> -> memref<1x128xi32, #tpu.memory_space<vmem>>
      %dma_wait3A_99 = tpu.memref_squeeze %dma_wait3A_98 : memref<1x128xi32, #tpu.memory_space<vmem>> -> memref<128xi32, #tpu.memory_space<vmem>>
      %dma_wait3A_100 = arith.constant 0 : i32
      %dma_wait3A_101 = arith.constant 0 : i32
      %dma_wait3A_102 = tpu.memref_slice %arg2[%arg0, %dma_wait3A_100, %dma_wait3A_101] : memref<2x10000x64xbf16, #tpu.memory_space<hbm>> -> memref<1x10000x64xbf16, #tpu.memory_space<hbm>>
      %dma_wait3A_103 = tpu.memref_squeeze %dma_wait3A_102 : memref<1x10000x64xbf16, #tpu.memory_space<hbm>> -> memref<10000x64xbf16, #tpu.memory_space<hbm>>
      %dma_wait3A_104 = arith.constant 0 : i32
      %dma_wait3A_105 = arith.constant 0 : i32
      %dma_wait3A_106 = tpu.memref_slice %dma_wait3A_103[%dma_wait3A_104, %dma_wait3A_105] : memref<10000x64xbf16, #tpu.memory_space<hbm>> -> memref<10000x64xbf16, #tpu.memory_space<hbm>>
      tpu.wait_indirect_dma semaphore(%arg17 : memref<!tpu.dma_semaphore, #tpu.memory_space<semaphore_mem>>) src(%dma_wait3A_106 : memref<10000x64xbf16, #tpu.memory_space<hbm>>) dst(%arg10 : memref<128x64xbf16, #tpu.memory_space<vmem>>)
      "tpu.region"() ({
        %run_scoped3A = tpu.sem_alloc : memref<!tpu.dma_semaphore, #tpu.memory_space<semaphore_mem>>
        %dma_start3A_198 = arith.constant 0 : i32
        %dma_start3A_199 = tpu.memref_slice %arg8[%add3A_96, %dma_start3A_198] : memref<162x128xi32, #tpu.memory_space<vmem>> -> memref<1x128xi32, #tpu.memory_space<vmem>>
        %dma_start3A_200 = tpu.memref_squeeze %dma_start3A_199 : memref<1x128xi32, #tpu.memory_space<vmem>> -> memref<128xi32, #tpu.memory_space<vmem>>
        %dma_start3A_201 = arith.constant 0 : i32
        %dma_start3A_202 = arith.constant 0 : i32
        %dma_start3A_203 = tpu.memref_slice %arg15[%dma_start3A_201, %dma_start3A_202] : memref<10240x64xbf16, #tpu.memory_space<vmem_shared>> -> memref<10240x64xbf16, #tpu.memory_space<vmem_shared>>
        tpu.enqueue_indirect_dma source(%arg10 : memref<128x64xbf16, #tpu.memory_space<vmem>>) target(%dma_start3A_203 : memref<10240x64xbf16, #tpu.memory_space<vmem_shared>>) offsets(%dma_start3A_200 : memref<128xi32, #tpu.memory_space<vmem>>) semaphore(%run_scoped3A : memref<!tpu.dma_semaphore, #tpu.memory_space<semaphore_mem>>) {add = true}
        %dma_wait3A_204 = arith.constant 0 : i32
        %dma_wait3A_205 = tpu.memref_slice %arg8[%add3A_96, %dma_wait3A_204] : memref<162x128xi32, #tpu.memory_space<vmem>> -> memref<1x128xi32, #tpu.memory_space<vmem>>
        %dma_wait3A_206 = tpu.memref_squeeze %dma_wait3A_205 : memref<1x128xi32, #tpu.memory_space<vmem>> -> memref<128xi32, #tpu.memory_space<vmem>>
        %dma_wait3A_207 = arith.constant 0 : i32
        %dma_wait3A_208 = arith.constant 0 : i32
        %dma_wait3A_209 = tpu.memref_slice %arg15[%dma_wait3A_207, %dma_wait3A_208] : memref<10240x64xbf16, #tpu.memory_space<vmem_shared>> -> memref<10240x64xbf16, #tpu.memory_space<vmem_shared>>
        tpu.wait_indirect_dma semaphore(%run_scoped3A : memref<!tpu.dma_semaphore, #tpu.memory_space<semaphore_mem>>) src(%arg10 : memref<128x64xbf16, #tpu.memory_space<vmem>>) dst(%dma_wait3A_209 : memref<10240x64xbf16, #tpu.memory_space<vmem_shared>>)
        tpu.yield
      }) : () -> ()
      %add3A_107 = arith.constant 6 : i32
      %add3A_108 = arith.addi %add3A_96, %add3A_107 : i32
      %lt3A_109 = arith.constant 162 : i32
      %lt3A_110 = arith.cmpi slt, %add3A_108, %lt3A_109 : i32
      %convert_element_type3A_111 = arith.extui %lt3A_110 : i1 to i32
      %cond3A_112 = arith.constant 0 : i32
      %cond3A_113 = arith.cmpi ne, %convert_element_type3A_111, %cond3A_112 : i32
      scf.if %cond3A_113 {
        %add3A_198 = arith.constant 6 : i32
        %add3A_199 = arith.addi %add3A_96, %add3A_198 : i32
        %dma_start3A_200 = arith.constant 0 : i32
        %dma_start3A_201 = tpu.memref_slice %arg7[%add3A_199, %dma_start3A_200] : memref<162x128xi32, #tpu.memory_space<vmem>> -> memref<1x128xi32, #tpu.memory_space<vmem>>
        %dma_start3A_202 = tpu.memref_squeeze %dma_start3A_201 : memref<1x128xi32, #tpu.memory_space<vmem>> -> memref<128xi32, #tpu.memory_space<vmem>>
        %dma_start3A_203 = arith.constant 0 : i32
        %dma_start3A_204 = arith.constant 0 : i32
        %dma_start3A_205 = tpu.memref_slice %arg2[%arg0, %dma_start3A_203, %dma_start3A_204] : memref<2x10000x64xbf16, #tpu.memory_space<hbm>> -> memref<1x10000x64xbf16, #tpu.memory_space<hbm>>
        %dma_start3A_206 = tpu.memref_squeeze %dma_start3A_205 : memref<1x10000x64xbf16, #tpu.memory_space<hbm>> -> memref<10000x64xbf16, #tpu.memory_space<hbm>>
        %dma_start3A_207 = arith.constant 0 : i32
        %dma_start3A_208 = arith.constant 0 : i32
        %dma_start3A_209 = tpu.memref_slice %dma_start3A_206[%dma_start3A_207, %dma_start3A_208] : memref<10000x64xbf16, #tpu.memory_space<hbm>> -> memref<10000x64xbf16, #tpu.memory_space<hbm>>
        tpu.enqueue_indirect_dma source(%dma_start3A_209 : memref<10000x64xbf16, #tpu.memory_space<hbm>>) target(%arg10 : memref<128x64xbf16, #tpu.memory_space<vmem>>) offsets(%dma_start3A_202 : memref<128xi32, #tpu.memory_space<vmem>>) semaphore(%arg17 : memref<!tpu.dma_semaphore, #tpu.memory_space<semaphore_mem>>)
      } else {
      }
      %mul3A_114 = arith.constant 6 : i32
      %mul3A_115 = arith.muli %scan3A_76, %mul3A_114 : i32
      %add3A_116 = arith.constant 2 : i32
      %add3A_117 = arith.addi %mul3A_115, %add3A_116 : i32
      %dma_wait3A_118 = arith.constant 0 : i32
      %dma_wait3A_119 = tpu.memref_slice %arg7[%add3A_117, %dma_wait3A_118] : memref<162x128xi32, #tpu.memory_space<vmem>> -> memref<1x128xi32, #tpu.memory_space<vmem>>
      %dma_wait3A_120 = tpu.memref_squeeze %dma_wait3A_119 : memref<1x128xi32, #tpu.memory_space<vmem>> -> memref<128xi32, #tpu.memory_space<vmem>>
      %dma_wait3A_121 = arith.constant 0 : i32
      %dma_wait3A_122 = arith.constant 0 : i32
      %dma_wait3A_123 = tpu.memref_slice %arg2[%arg0, %dma_wait3A_121, %dma_wait3A_122] : memref<2x10000x64xbf16, #tpu.memory_space<hbm>> -> memref<1x10000x64xbf16, #tpu.memory_space<hbm>>
      %dma_wait3A_124 = tpu.memref_squeeze %dma_wait3A_123 : memref<1x10000x64xbf16, #tpu.memory_space<hbm>> -> memref<10000x64xbf16, #tpu.memory_space<hbm>>
      %dma_wait3A_125 = arith.constant 0 : i32
      %dma_wait3A_126 = arith.constant 0 : i32
      %dma_wait3A_127 = tpu.memref_slice %dma_wait3A_124[%dma_wait3A_125, %dma_wait3A_126] : memref<10000x64xbf16, #tpu.memory_space<hbm>> -> memref<10000x64xbf16, #tpu.memory_space<hbm>>
      tpu.wait_indirect_dma semaphore(%arg18 : memref<!tpu.dma_semaphore, #tpu.memory_space<semaphore_mem>>) src(%dma_wait3A_127 : memref<10000x64xbf16, #tpu.memory_space<hbm>>) dst(%arg11 : memref<128x64xbf16, #tpu.memory_space<vmem>>)
      "tpu.region"() ({
        %run_scoped3A = tpu.sem_alloc : memref<!tpu.dma_semaphore, #tpu.memory_space<semaphore_mem>>
        %dma_start3A_198 = arith.constant 0 : i32
        %dma_start3A_199 = tpu.memref_slice %arg8[%add3A_117, %dma_start3A_198] : memref<162x128xi32, #tpu.memory_space<vmem>> -> memref<1x128xi32, #tpu.memory_space<vmem>>
        %dma_start3A_200 = tpu.memref_squeeze %dma_start3A_199 : memref<1x128xi32, #tpu.memory_space<vmem>> -> memref<128xi32, #tpu.memory_space<vmem>>
        %dma_start3A_201 = arith.constant 0 : i32
        %dma_start3A_202 = arith.constant 0 : i32
        %dma_start3A_203 = tpu.memref_slice %arg15[%dma_start3A_201, %dma_start3A_202] : memref<10240x64xbf16, #tpu.memory_space<vmem_shared>> -> memref<10240x64xbf16, #tpu.memory_space<vmem_shared>>
        tpu.enqueue_indirect_dma source(%arg11 : memref<128x64xbf16, #tpu.memory_space<vmem>>) target(%dma_start3A_203 : memref<10240x64xbf16, #tpu.memory_space<vmem_shared>>) offsets(%dma_start3A_200 : memref<128xi32, #tpu.memory_space<vmem>>) semaphore(%run_scoped3A : memref<!tpu.dma_semaphore, #tpu.memory_space<semaphore_mem>>) {add = true}
        %dma_wait3A_204 = arith.constant 0 : i32
        %dma_wait3A_205 = tpu.memref_slice %arg8[%add3A_117, %dma_wait3A_204] : memref<162x128xi32, #tpu.memory_space<vmem>> -> memref<1x128xi32, #tpu.memory_space<vmem>>
        %dma_wait3A_206 = tpu.memref_squeeze %dma_wait3A_205 : memref<1x128xi32, #tpu.memory_space<vmem>> -> memref<128xi32, #tpu.memory_space<vmem>>
        %dma_wait3A_207 = arith.constant 0 : i32
        %dma_wait3A_208 = arith.constant 0 : i32
        %dma_wait3A_209 = tpu.memref_slice %arg15[%dma_wait3A_207, %dma_wait3A_208] : memref<10240x64xbf16, #tpu.memory_space<vmem_shared>> -> memref<10240x64xbf16, #tpu.memory_space<vmem_shared>>
        tpu.wait_indirect_dma semaphore(%run_scoped3A : memref<!tpu.dma_semaphore, #tpu.memory_space<semaphore_mem>>) src(%arg11 : memref<128x64xbf16, #tpu.memory_space<vmem>>) dst(%dma_wait3A_209 : memref<10240x64xbf16, #tpu.memory_space<vmem_shared>>)
        tpu.yield
      }) : () -> ()
      %add3A_128 = arith.constant 6 : i32
      %add3A_129 = arith.addi %add3A_117, %add3A_128 : i32
      %lt3A_130 = arith.constant 162 : i32
      %lt3A_131 = arith.cmpi slt, %add3A_129, %lt3A_130 : i32
      %convert_element_type3A_132 = arith.extui %lt3A_131 : i1 to i32
      %cond3A_133 = arith.constant 0 : i32
      %cond3A_134 = arith.cmpi ne, %convert_element_type3A_132, %cond3A_133 : i32
      scf.if %cond3A_134 {
        %add3A_198 = arith.constant 6 : i32
        %add3A_199 = arith.addi %add3A_117, %add3A_198 : i32
        %dma_start3A_200 = arith.constant 0 : i32
        %dma_start3A_201 = tpu.memref_slice %arg7[%add3A_199, %dma_start3A_200] : memref<162x128xi32, #tpu.memory_space<vmem>> -> memref<1x128xi32, #tpu.memory_space<vmem>>
        %dma_start3A_202 = tpu.memref_squeeze %dma_start3A_201 : memref<1x128xi32, #tpu.memory_space<vmem>> -> memref<128xi32, #tpu.memory_space<vmem>>
        %dma_start3A_203 = arith.constant 0 : i32
        %dma_start3A_204 = arith.constant 0 : i32
        %dma_start3A_205 = tpu.memref_slice %arg2[%arg0, %dma_start3A_203, %dma_start3A_204] : memref<2x10000x64xbf16, #tpu.memory_space<hbm>> -> memref<1x10000x64xbf16, #tpu.memory_space<hbm>>
        %dma_start3A_206 = tpu.memref_squeeze %dma_start3A_205 : memref<1x10000x64xbf16, #tpu.memory_space<hbm>> -> memref<10000x64xbf16, #tpu.memory_space<hbm>>
        %dma_start3A_207 = arith.constant 0 : i32
        %dma_start3A_208 = arith.constant 0 : i32
        %dma_start3A_209 = tpu.memref_slice %dma_start3A_206[%dma_start3A_207, %dma_start3A_208] : memref<10000x64xbf16, #tpu.memory_space<hbm>> -> memref<10000x64xbf16, #tpu.memory_space<hbm>>
        tpu.enqueue_indirect_dma source(%dma_start3A_209 : memref<10000x64xbf16, #tpu.memory_space<hbm>>) target(%arg11 : memref<128x64xbf16, #tpu.memory_space<vmem>>) offsets(%dma_start3A_202 : memref<128xi32, #tpu.memory_space<vmem>>) semaphore(%arg18 : memref<!tpu.dma_semaphore, #tpu.memory_space<semaphore_mem>>)
      } else {
      }
      %mul3A_135 = arith.constant 6 : i32
      %mul3A_136 = arith.muli %scan3A_76, %mul3A_135 : i32
      %add3A_137 = arith.constant 3 : i32
      %add3A_138 = arith.addi %mul3A_136, %add3A_137 : i32
      %dma_wait3A_139 = arith.constant 0 : i32
      %dma_wait3A_140 = tpu.memref_slice %arg7[%add3A_138, %dma_wait3A_139] : memref<162x128xi32, #tpu.memory_space<vmem>> -> memref<1x128xi32, #tpu.memory_space<vmem>>
      %dma_wait3A_141 = tpu.memref_squeeze %dma_wait3A_140 : memref<1x128xi32, #tpu.memory_space<vmem>> -> memref<128xi32, #tpu.memory_space<vmem>>
      %dma_wait3A_142 = arith.constant 0 : i32
      %dma_wait3A_143 = arith.constant 0 : i32
      %dma_wait3A_144 = tpu.memref_slice %arg2[%arg0, %dma_wait3A_142, %dma_wait3A_143] : memref<2x10000x64xbf16, #tpu.memory_space<hbm>> -> memref<1x10000x64xbf16, #tpu.memory_space<hbm>>
      %dma_wait3A_145 = tpu.memref_squeeze %dma_wait3A_144 : memref<1x10000x64xbf16, #tpu.memory_space<hbm>> -> memref<10000x64xbf16, #tpu.memory_space<hbm>>
      %dma_wait3A_146 = arith.constant 0 : i32
      %dma_wait3A_147 = arith.constant 0 : i32
      %dma_wait3A_148 = tpu.memref_slice %dma_wait3A_145[%dma_wait3A_146, %dma_wait3A_147] : memref<10000x64xbf16, #tpu.memory_space<hbm>> -> memref<10000x64xbf16, #tpu.memory_space<hbm>>
      tpu.wait_indirect_dma semaphore(%arg19 : memref<!tpu.dma_semaphore, #tpu.memory_space<semaphore_mem>>) src(%dma_wait3A_148 : memref<10000x64xbf16, #tpu.memory_space<hbm>>) dst(%arg12 : memref<128x64xbf16, #tpu.memory_space<vmem>>)
      "tpu.region"() ({
        %run_scoped3A = tpu.sem_alloc : memref<!tpu.dma_semaphore, #tpu.memory_space<semaphore_mem>>
        %dma_start3A_198 = arith.constant 0 : i32
        %dma_start3A_199 = tpu.memref_slice %arg8[%add3A_138, %dma_start3A_198] : memref<162x128xi32, #tpu.memory_space<vmem>> -> memref<1x128xi32, #tpu.memory_space<vmem>>
        %dma_start3A_200 = tpu.memref_squeeze %dma_start3A_199 : memref<1x128xi32, #tpu.memory_space<vmem>> -> memref<128xi32, #tpu.memory_space<vmem>>
        %dma_start3A_201 = arith.constant 0 : i32
        %dma_start3A_202 = arith.constant 0 : i32
        %dma_start3A_203 = tpu.memref_slice %arg15[%dma_start3A_201, %dma_start3A_202] : memref<10240x64xbf16, #tpu.memory_space<vmem_shared>> -> memref<10240x64xbf16, #tpu.memory_space<vmem_shared>>
        tpu.enqueue_indirect_dma source(%arg12 : memref<128x64xbf16, #tpu.memory_space<vmem>>) target(%dma_start3A_203 : memref<10240x64xbf16, #tpu.memory_space<vmem_shared>>) offsets(%dma_start3A_200 : memref<128xi32, #tpu.memory_space<vmem>>) semaphore(%run_scoped3A : memref<!tpu.dma_semaphore, #tpu.memory_space<semaphore_mem>>) {add = true}
        %dma_wait3A_204 = arith.constant 0 : i32
        %dma_wait3A_205 = tpu.memref_slice %arg8[%add3A_138, %dma_wait3A_204] : memref<162x128xi32, #tpu.memory_space<vmem>> -> memref<1x128xi32, #tpu.memory_space<vmem>>
        %dma_wait3A_206 = tpu.memref_squeeze %dma_wait3A_205 : memref<1x128xi32, #tpu.memory_space<vmem>> -> memref<128xi32, #tpu.memory_space<vmem>>
        %dma_wait3A_207 = arith.constant 0 : i32
        %dma_wait3A_208 = arith.constant 0 : i32
        %dma_wait3A_209 = tpu.memref_slice %arg15[%dma_wait3A_207, %dma_wait3A_208] : memref<10240x64xbf16, #tpu.memory_space<vmem_shared>> -> memref<10240x64xbf16, #tpu.memory_space<vmem_shared>>
        tpu.wait_indirect_dma semaphore(%run_scoped3A : memref<!tpu.dma_semaphore, #tpu.memory_space<semaphore_mem>>) src(%arg12 : memref<128x64xbf16, #tpu.memory_space<vmem>>) dst(%dma_wait3A_209 : memref<10240x64xbf16, #tpu.memory_space<vmem_shared>>)
        tpu.yield
      }) : () -> ()
      %add3A_149 = arith.constant 6 : i32
      %add3A_150 = arith.addi %add3A_138, %add3A_149 : i32
      %lt3A_151 = arith.constant 162 : i32
      %lt3A_152 = arith.cmpi slt, %add3A_150, %lt3A_151 : i32
      %convert_element_type3A_153 = arith.extui %lt3A_152 : i1 to i32
      %cond3A_154 = arith.constant 0 : i32
      %cond3A_155 = arith.cmpi ne, %convert_element_type3A_153, %cond3A_154 : i32
      scf.if %cond3A_155 {
        %add3A_198 = arith.constant 6 : i32
        %add3A_199 = arith.addi %add3A_138, %add3A_198 : i32
        %dma_start3A_200 = arith.constant 0 : i32
        %dma_start3A_201 = tpu.memref_slice %arg7[%add3A_199, %dma_start3A_200] : memref<162x128xi32, #tpu.memory_space<vmem>> -> memref<1x128xi32, #tpu.memory_space<vmem>>
        %dma_start3A_202 = tpu.memref_squeeze %dma_start3A_201 : memref<1x128xi32, #tpu.memory_space<vmem>> -> memref<128xi32, #tpu.memory_space<vmem>>
        %dma_start3A_203 = arith.constant 0 : i32
        %dma_start3A_204 = arith.constant 0 : i32
        %dma_start3A_205 = tpu.memref_slice %arg2[%arg0, %dma_start3A_203, %dma_start3A_204] : memref<2x10000x64xbf16, #tpu.memory_space<hbm>> -> memref<1x10000x64xbf16, #tpu.memory_space<hbm>>
        %dma_start3A_206 = tpu.memref_squeeze %dma_start3A_205 : memref<1x10000x64xbf16, #tpu.memory_space<hbm>> -> memref<10000x64xbf16, #tpu.memory_space<hbm>>
        %dma_start3A_207 = arith.constant 0 : i32
        %dma_start3A_208 = arith.constant 0 : i32
        %dma_start3A_209 = tpu.memref_slice %dma_start3A_206[%dma_start3A_207, %dma_start3A_208] : memref<10000x64xbf16, #tpu.memory_space<hbm>> -> memref<10000x64xbf16, #tpu.memory_space<hbm>>
        tpu.enqueue_indirect_dma source(%dma_start3A_209 : memref<10000x64xbf16, #tpu.memory_space<hbm>>) target(%arg12 : memref<128x64xbf16, #tpu.memory_space<vmem>>) offsets(%dma_start3A_202 : memref<128xi32, #tpu.memory_space<vmem>>) semaphore(%arg19 : memref<!tpu.dma_semaphore, #tpu.memory_space<semaphore_mem>>)
      } else {
      }
      %mul3A_156 = arith.constant 6 : i32
      %mul3A_157 = arith.muli %scan3A_76, %mul3A_156 : i32
      %add3A_158 = arith.constant 4 : i32
      %add3A_159 = arith.addi %mul3A_157, %add3A_158 : i32
      %dma_wait3A_160 = arith.constant 0 : i32
      %dma_wait3A_161 = tpu.memref_slice %arg7[%add3A_159, %dma_wait3A_160] : memref<162x128xi32, #tpu.memory_space<vmem>> -> memref<1x128xi32, #tpu.memory_space<vmem>>
      %dma_wait3A_162 = tpu.memref_squeeze %dma_wait3A_161 : memref<1x128xi32, #tpu.memory_space<vmem>> -> memref<128xi32, #tpu.memory_space<vmem>>
      %dma_wait3A_163 = arith.constant 0 : i32
      %dma_wait3A_164 = arith.constant 0 : i32
      %dma_wait3A_165 = tpu.memref_slice %arg2[%arg0, %dma_wait3A_163, %dma_wait3A_164] : memref<2x10000x64xbf16, #tpu.memory_space<hbm>> -> memref<1x10000x64xbf16, #tpu.memory_space<hbm>>
      %dma_wait3A_166 = tpu.memref_squeeze %dma_wait3A_165 : memref<1x10000x64xbf16, #tpu.memory_space<hbm>> -> memref<10000x64xbf16, #tpu.memory_space<hbm>>
      %dma_wait3A_167 = arith.constant 0 : i32
      %dma_wait3A_168 = arith.constant 0 : i32
      %dma_wait3A_169 = tpu.memref_slice %dma_wait3A_166[%dma_wait3A_167, %dma_wait3A_168] : memref<10000x64xbf16, #tpu.memory_space<hbm>> -> memref<10000x64xbf16, #tpu.memory_space<hbm>>
      tpu.wait_indirect_dma semaphore(%arg20 : memref<!tpu.dma_semaphore, #tpu.memory_space<semaphore_mem>>) src(%dma_wait3A_169 : memref<10000x64xbf16, #tpu.memory_space<hbm>>) dst(%arg13 : memref<128x64xbf16, #tpu.memory_space<vmem>>)
      "tpu.region"() ({
        %run_scoped3A = tpu.sem_alloc : memref<!tpu.dma_semaphore, #tpu.memory_space<semaphore_mem>>
        %dma_start3A_198 = arith.constant 0 : i32
        %dma_start3A_199 = tpu.memref_slice %arg8[%add3A_159, %dma_start3A_198] : memref<162x128xi32, #tpu.memory_space<vmem>> -> memref<1x128xi32, #tpu.memory_space<vmem>>
        %dma_start3A_200 = tpu.memref_squeeze %dma_start3A_199 : memref<1x128xi32, #tpu.memory_space<vmem>> -> memref<128xi32, #tpu.memory_space<vmem>>
        %dma_start3A_201 = arith.constant 0 : i32
        %dma_start3A_202 = arith.constant 0 : i32
        %dma_start3A_203 = tpu.memref_slice %arg15[%dma_start3A_201, %dma_start3A_202] : memref<10240x64xbf16, #tpu.memory_space<vmem_shared>> -> memref<10240x64xbf16, #tpu.memory_space<vmem_shared>>
        tpu.enqueue_indirect_dma source(%arg13 : memref<128x64xbf16, #tpu.memory_space<vmem>>) target(%dma_start3A_203 : memref<10240x64xbf16, #tpu.memory_space<vmem_shared>>) offsets(%dma_start3A_200 : memref<128xi32, #tpu.memory_space<vmem>>) semaphore(%run_scoped3A : memref<!tpu.dma_semaphore, #tpu.memory_space<semaphore_mem>>) {add = true}
        %dma_wait3A_204 = arith.constant 0 : i32
        %dma_wait3A_205 = tpu.memref_slice %arg8[%add3A_159, %dma_wait3A_204] : memref<162x128xi32, #tpu.memory_space<vmem>> -> memref<1x128xi32, #tpu.memory_space<vmem>>
        %dma_wait3A_206 = tpu.memref_squeeze %dma_wait3A_205 : memref<1x128xi32, #tpu.memory_space<vmem>> -> memref<128xi32, #tpu.memory_space<vmem>>
        %dma_wait3A_207 = arith.constant 0 : i32
        %dma_wait3A_208 = arith.constant 0 : i32
        %dma_wait3A_209 = tpu.memref_slice %arg15[%dma_wait3A_207, %dma_wait3A_208] : memref<10240x64xbf16, #tpu.memory_space<vmem_shared>> -> memref<10240x64xbf16, #tpu.memory_space<vmem_shared>>
        tpu.wait_indirect_dma semaphore(%run_scoped3A : memref<!tpu.dma_semaphore, #tpu.memory_space<semaphore_mem>>) src(%arg13 : memref<128x64xbf16, #tpu.memory_space<vmem>>) dst(%dma_wait3A_209 : memref<10240x64xbf16, #tpu.memory_space<vmem_shared>>)
        tpu.yield
      }) : () -> ()
      %add3A_170 = arith.constant 6 : i32
      %add3A_171 = arith.addi %add3A_159, %add3A_170 : i32
      %lt3A_172 = arith.constant 162 : i32
      %lt3A_173 = arith.cmpi slt, %add3A_171, %lt3A_172 : i32
      %convert_element_type3A_174 = arith.extui %lt3A_173 : i1 to i32
      %cond3A_175 = arith.constant 0 : i32
      %cond3A_176 = arith.cmpi ne, %convert_element_type3A_174, %cond3A_175 : i32
      scf.if %cond3A_176 {
        %add3A_198 = arith.constant 6 : i32
        %add3A_199 = arith.addi %add3A_159, %add3A_198 : i32
        %dma_start3A_200 = arith.constant 0 : i32
        %dma_start3A_201 = tpu.memref_slice %arg7[%add3A_199, %dma_start3A_200] : memref<162x128xi32, #tpu.memory_space<vmem>> -> memref<1x128xi32, #tpu.memory_space<vmem>>
        %dma_start3A_202 = tpu.memref_squeeze %dma_start3A_201 : memref<1x128xi32, #tpu.memory_space<vmem>> -> memref<128xi32, #tpu.memory_space<vmem>>
        %dma_start3A_203 = arith.constant 0 : i32
        %dma_start3A_204 = arith.constant 0 : i32
        %dma_start3A_205 = tpu.memref_slice %arg2[%arg0, %dma_start3A_203, %dma_start3A_204] : memref<2x10000x64xbf16, #tpu.memory_space<hbm>> -> memref<1x10000x64xbf16, #tpu.memory_space<hbm>>
        %dma_start3A_206 = tpu.memref_squeeze %dma_start3A_205 : memref<1x10000x64xbf16, #tpu.memory_space<hbm>> -> memref<10000x64xbf16, #tpu.memory_space<hbm>>
        %dma_start3A_207 = arith.constant 0 : i32
        %dma_start3A_208 = arith.constant 0 : i32
        %dma_start3A_209 = tpu.memref_slice %dma_start3A_206[%dma_start3A_207, %dma_start3A_208] : memref<10000x64xbf16, #tpu.memory_space<hbm>> -> memref<10000x64xbf16, #tpu.memory_space<hbm>>
        tpu.enqueue_indirect_dma source(%dma_start3A_209 : memref<10000x64xbf16, #tpu.memory_space<hbm>>) target(%arg13 : memref<128x64xbf16, #tpu.memory_space<vmem>>) offsets(%dma_start3A_202 : memref<128xi32, #tpu.memory_space<vmem>>) semaphore(%arg20 : memref<!tpu.dma_semaphore, #tpu.memory_space<semaphore_mem>>)
      } else {
      }
      %mul3A_177 = arith.constant 6 : i32
      %mul3A_178 = arith.muli %scan3A_76, %mul3A_177 : i32
      %add3A_179 = arith.constant 5 : i32
      %add3A_180 = arith.addi %mul3A_178, %add3A_179 : i32
      %dma_wait3A_181 = arith.constant 0 : i32
      %dma_wait3A_182 = tpu.memref_slice %arg7[%add3A_180, %dma_wait3A_181] : memref<162x128xi32, #tpu.memory_space<vmem>> -> memref<1x128xi32, #tpu.memory_space<vmem>>
      %dma_wait3A_183 = tpu.memref_squeeze %dma_wait3A_182 : memref<1x128xi32, #tpu.memory_space<vmem>> -> memref<128xi32, #tpu.memory_space<vmem>>
      %dma_wait3A_184 = arith.constant 0 : i32
      %dma_wait3A_185 = arith.constant 0 : i32
      %dma_wait3A_186 = tpu.memref_slice %arg2[%arg0, %dma_wait3A_184, %dma_wait3A_185] : memref<2x10000x64xbf16, #tpu.memory_space<hbm>> -> memref<1x10000x64xbf16, #tpu.memory_space<hbm>>
      %dma_wait3A_187 = tpu.memref_squeeze %dma_wait3A_186 : memref<1x10000x64xbf16, #tpu.memory_space<hbm>> -> memref<10000x64xbf16, #tpu.memory_space<hbm>>
      %dma_wait3A_188 = arith.constant 0 : i32
      %dma_wait3A_189 = arith.constant 0 : i32
      %dma_wait3A_190 = tpu.memref_slice %dma_wait3A_187[%dma_wait3A_188, %dma_wait3A_189] : memref<10000x64xbf16, #tpu.memory_space<hbm>> -> memref<10000x64xbf16, #tpu.memory_space<hbm>>
      tpu.wait_indirect_dma semaphore(%arg21 : memref<!tpu.dma_semaphore, #tpu.memory_space<semaphore_mem>>) src(%dma_wait3A_190 : memref<10000x64xbf16, #tpu.memory_space<hbm>>) dst(%arg14 : memref<128x64xbf16, #tpu.memory_space<vmem>>)
      "tpu.region"() ({
        %run_scoped3A = tpu.sem_alloc : memref<!tpu.dma_semaphore, #tpu.memory_space<semaphore_mem>>
        %dma_start3A_198 = arith.constant 0 : i32
        %dma_start3A_199 = tpu.memref_slice %arg8[%add3A_180, %dma_start3A_198] : memref<162x128xi32, #tpu.memory_space<vmem>> -> memref<1x128xi32, #tpu.memory_space<vmem>>
        %dma_start3A_200 = tpu.memref_squeeze %dma_start3A_199 : memref<1x128xi32, #tpu.memory_space<vmem>> -> memref<128xi32, #tpu.memory_space<vmem>>
        %dma_start3A_201 = arith.constant 0 : i32
        %dma_start3A_202 = arith.constant 0 : i32
        %dma_start3A_203 = tpu.memref_slice %arg15[%dma_start3A_201, %dma_start3A_202] : memref<10240x64xbf16, #tpu.memory_space<vmem_shared>> -> memref<10240x64xbf16, #tpu.memory_space<vmem_shared>>
        tpu.enqueue_indirect_dma source(%arg14 : memref<128x64xbf16, #tpu.memory_space<vmem>>) target(%dma_start3A_203 : memref<10240x64xbf16, #tpu.memory_space<vmem_shared>>) offsets(%dma_start3A_200 : memref<128xi32, #tpu.memory_space<vmem>>) semaphore(%run_scoped3A : memref<!tpu.dma_semaphore, #tpu.memory_space<semaphore_mem>>) {add = true}
        %dma_wait3A_204 = arith.constant 0 : i32
        %dma_wait3A_205 = tpu.memref_slice %arg8[%add3A_180, %dma_wait3A_204] : memref<162x128xi32, #tpu.memory_space<vmem>> -> memref<1x128xi32, #tpu.memory_space<vmem>>
        %dma_wait3A_206 = tpu.memref_squeeze %dma_wait3A_205 : memref<1x128xi32, #tpu.memory_space<vmem>> -> memref<128xi32, #tpu.memory_space<vmem>>
        %dma_wait3A_207 = arith.constant 0 : i32
        %dma_wait3A_208 = arith.constant 0 : i32
        %dma_wait3A_209 = tpu.memref_slice %arg15[%dma_wait3A_207, %dma_wait3A_208] : memref<10240x64xbf16, #tpu.memory_space<vmem_shared>> -> memref<10240x64xbf16, #tpu.memory_space<vmem_shared>>
        tpu.wait_indirect_dma semaphore(%run_scoped3A : memref<!tpu.dma_semaphore, #tpu.memory_space<semaphore_mem>>) src(%arg14 : memref<128x64xbf16, #tpu.memory_space<vmem>>) dst(%dma_wait3A_209 : memref<10240x64xbf16, #tpu.memory_space<vmem_shared>>)
        tpu.yield
      }) : () -> ()
      %add3A_191 = arith.constant 6 : i32
      %add3A_192 = arith.addi %add3A_180, %add3A_191 : i32
      %lt3A_193 = arith.constant 162 : i32
      %lt3A_194 = arith.cmpi slt, %add3A_192, %lt3A_193 : i32
      %convert_element_type3A_195 = arith.extui %lt3A_194 : i1 to i32
      %cond3A_196 = arith.constant 0 : i32
      %cond3A_197 = arith.cmpi ne, %convert_element_type3A_195, %cond3A_196 : i32
      scf.if %cond3A_197 {
        %add3A_198 = arith.constant 6 : i32
        %add3A_199 = arith.addi %add3A_180, %add3A_198 : i32
        %dma_start3A_200 = arith.constant 0 : i32
        %dma_start3A_201 = tpu.memref_slice %arg7[%add3A_199, %dma_start3A_200] : memref<162x128xi32, #tpu.memory_space<vmem>> -> memref<1x128xi32, #tpu.memory_space<vmem>>
        %dma_start3A_202 = tpu.memref_squeeze %dma_start3A_201 : memref<1x128xi32, #tpu.memory_space<vmem>> -> memref<128xi32, #tpu.memory_space<vmem>>
        %dma_start3A_203 = arith.constant 0 : i32
        %dma_start3A_204 = arith.constant 0 : i32
        %dma_start3A_205 = tpu.memref_slice %arg2[%arg0, %dma_start3A_203, %dma_start3A_204] : memref<2x10000x64xbf16, #tpu.memory_space<hbm>> -> memref<1x10000x64xbf16, #tpu.memory_space<hbm>>
        %dma_start3A_206 = tpu.memref_squeeze %dma_start3A_205 : memref<1x10000x64xbf16, #tpu.memory_space<hbm>> -> memref<10000x64xbf16, #tpu.memory_space<hbm>>
        %dma_start3A_207 = arith.constant 0 : i32
        %dma_start3A_208 = arith.constant 0 : i32
        %dma_start3A_209 = tpu.memref_slice %dma_start3A_206[%dma_start3A_207, %dma_start3A_208] : memref<10000x64xbf16, #tpu.memory_space<hbm>> -> memref<10000x64xbf16, #tpu.memory_space<hbm>>
        tpu.enqueue_indirect_dma source(%dma_start3A_209 : memref<10000x64xbf16, #tpu.memory_space<hbm>>) target(%arg14 : memref<128x64xbf16, #tpu.memory_space<vmem>>) offsets(%dma_start3A_202 : memref<128xi32, #tpu.memory_space<vmem>>) semaphore(%arg21 : memref<!tpu.dma_semaphore, #tpu.memory_space<semaphore_mem>>)
      } else {
      }
    }
    %scan3A_70 = arith.constant 27 : i32
    %barrier3A_71 = arith.constant 0 : index
    tpu.barrier barrier_id(%barrier3A_71)
    %mul3A_72 = arith.constant 640 : i32
    %mul3A_73 = arith.muli %arg1, %mul3A_72 : i32
    %mul3A_74 = arith.constant 640 : i32
    %mul3A_75 = arith.muli %arg1, %mul3A_74 : i32
    "tpu.region"() ({
      %run_scoped3A = tpu.sem_alloc : memref<!tpu.dma_semaphore, #tpu.memory_space<semaphore_mem>>
      %dma_start3A_76 = arith.constant 0 : i32
      %dma_start3A_77 = tpu.memref_slice %arg6[%arg0, %mul3A_75, %dma_start3A_76] : memref<2x10240x64xbf16, #tpu.memory_space<hbm>> -> memref<1x640x64xbf16, #tpu.memory_space<hbm>>
      %dma_start3A_78 = tpu.memref_squeeze %dma_start3A_77 : memref<1x640x64xbf16, #tpu.memory_space<hbm>> -> memref<640x64xbf16, #tpu.memory_space<hbm>>
      %dma_start3A_79 = arith.constant 0 : i32
      %dma_start3A_80 = tpu.memref_slice %arg15[%mul3A_73, %dma_start3A_79] : memref<10240x64xbf16, #tpu.memory_space<vmem_shared>> -> memref<640x64xbf16, #tpu.memory_space<vmem_shared>>
      tpu.enqueue_dma source(%dma_start3A_80 : memref<640x64xbf16, #tpu.memory_space<vmem_shared>>) target(%dma_start3A_78 : memref<640x64xbf16, #tpu.memory_space<hbm>>) target_semaphore(%run_scoped3A : memref<!tpu.dma_semaphore, #tpu.memory_space<semaphore_mem>>)
      %dma_wait3A = arith.constant 0 : i32
      %dma_wait3A_81 = tpu.memref_slice %arg6[%arg0, %mul3A_75, %dma_wait3A] : memref<2x10240x64xbf16, #tpu.memory_space<hbm>> -> memref<1x640x64xbf16, #tpu.memory_space<hbm>>
      %dma_wait3A_82 = tpu.memref_squeeze %dma_wait3A_81 : memref<1x640x64xbf16, #tpu.memory_space<hbm>> -> memref<640x64xbf16, #tpu.memory_space<hbm>>
      %dma_wait3A_83 = arith.constant 0 : i32
      %dma_wait3A_84 = tpu.memref_slice %arg15[%mul3A_73, %dma_wait3A_83] : memref<10240x64xbf16, #tpu.memory_space<vmem_shared>> -> memref<640x64xbf16, #tpu.memory_space<vmem_shared>>
      tpu.wait_dma2 semaphore(%run_scoped3A : memref<!tpu.dma_semaphore, #tpu.memory_space<semaphore_mem>>) src(%dma_wait3A_84 : memref<640x64xbf16, #tpu.memory_space<vmem_shared>>) dst(%dma_wait3A_82 : memref<640x64xbf16, #tpu.memory_space<hbm>>)
      tpu.yield
    }) : () -> ()
    return
  }
}

#map = affine_map<(d0, d1) -> (0, 0, 0)>
#map1 = affine_map<(d0, d1) -> (0, 0)>
module attributes {stable_mosaic.version = 14 : i64} {
  func.func @_deg_body(%arg0: i32, %arg1: i32, %arg2: memref<32x81x128xi32, #tpu.memory_space<hbm>>, %arg3: memref<2x10240xf32, #tpu.memory_space<hbm>>, %arg4: memref<81x128xi32, #tpu.memory_space<vmem>>, %arg5: memref<128xf32, #tpu.memory_space<vmem>>, %arg6: memref<640xf32, #tpu.memory_space<vmem>>, %arg7: memref<10240xf32, #tpu.memory_space<vmem_shared>>, %arg8: memref<!tpu.dma_semaphore, #tpu.memory_space<semaphore_mem>>) attributes {dimension_semantics = [#tpu.dimension_semantics<core_parallel>, #tpu.dimension_semantics<subcore_parallel>], iteration_bounds = array<i64: 2, 16>, scalar_prefetch = 0 : i64, scratch_operands = 5 : i64, tpu.core_type = #tpu.core_type<sc_vector_subcore>, window_params = [{transform_indices = #map}, {transform_indices = #map1}]} {
    %mul3A = arith.constant 16 : i32
    %mul3A_0 = arith.muli %arg0, %mul3A : i32
    %add3A = arith.addi %mul3A_0, %arg1 : i32
    "tpu.region"() ({
      %run_scoped3A = tpu.sem_alloc : memref<!tpu.dma_semaphore, #tpu.memory_space<semaphore_mem>>
      %dma_start3A = arith.constant 0 : i32
      %dma_start3A_213 = arith.constant 0 : i32
      %dma_start3A_214 = tpu.memref_slice %arg2[%add3A, %dma_start3A, %dma_start3A_213] : memref<32x81x128xi32, #tpu.memory_space<hbm>> -> memref<1x81x128xi32, #tpu.memory_space<hbm>>
      %dma_start3A_215 = tpu.memref_squeeze %dma_start3A_214 : memref<1x81x128xi32, #tpu.memory_space<hbm>> -> memref<81x128xi32, #tpu.memory_space<hbm>>
      %dma_start3A_216 = arith.constant 0 : i32
      %dma_start3A_217 = arith.constant 0 : i32
      %dma_start3A_218 = tpu.memref_slice %arg2[%add3A, %dma_start3A_216, %dma_start3A_217] : memref<32x81x128xi32, #tpu.memory_space<hbm>> -> memref<1x81x128xi32, #tpu.memory_space<hbm>>
      %dma_start3A_219 = tpu.memref_squeeze %dma_start3A_218 : memref<1x81x128xi32, #tpu.memory_space<hbm>> -> memref<81x128xi32, #tpu.memory_space<hbm>>
      tpu.enqueue_dma source(%dma_start3A_219 : memref<81x128xi32, #tpu.memory_space<hbm>>) target(%arg4 : memref<81x128xi32, #tpu.memory_space<vmem>>) target_semaphore(%run_scoped3A : memref<!tpu.dma_semaphore, #tpu.memory_space<semaphore_mem>>)
      %dma_wait3A = arith.constant 0 : i32
      %dma_wait3A_220 = arith.constant 0 : i32
      %dma_wait3A_221 = tpu.memref_slice %arg2[%add3A, %dma_wait3A, %dma_wait3A_220] : memref<32x81x128xi32, #tpu.memory_space<hbm>> -> memref<1x81x128xi32, #tpu.memory_space<hbm>>
      %dma_wait3A_222 = tpu.memref_squeeze %dma_wait3A_221 : memref<1x81x128xi32, #tpu.memory_space<hbm>> -> memref<81x128xi32, #tpu.memory_space<hbm>>
      %dma_wait3A_223 = arith.constant 0 : i32
      %dma_wait3A_224 = arith.constant 0 : i32
      %dma_wait3A_225 = tpu.memref_slice %arg2[%add3A, %dma_wait3A_223, %dma_wait3A_224] : memref<32x81x128xi32, #tpu.memory_space<hbm>> -> memref<1x81x128xi32, #tpu.memory_space<hbm>>
      %dma_wait3A_226 = tpu.memref_squeeze %dma_wait3A_225 : memref<1x81x128xi32, #tpu.memory_space<hbm>> -> memref<81x128xi32, #tpu.memory_space<hbm>>
      tpu.wait_dma2 semaphore(%run_scoped3A : memref<!tpu.dma_semaphore, #tpu.memory_space<semaphore_mem>>) src(%dma_wait3A_226 : memref<81x128xi32, #tpu.memory_space<hbm>>) dst(%arg4 : memref<81x128xi32, #tpu.memory_space<vmem>>)
      tpu.yield
    }) : () -> ()
    %broadcast_in_dim3A = arith.constant 1.000000e+00 : f32
    %broadcast_in_dim3A_1 = vector.broadcast %broadcast_in_dim3A : f32 to vector<16xf32>
    %broadcast_in_dim3A_2 = arith.constant 0.000000e+00 : f32
    %broadcast_in_dim3A_3 = vector.broadcast %broadcast_in_dim3A_2 : f32 to vector<16xf32>
    %swap3A = arith.constant 0 : index
    %swap3A_4 = tpu.vector_load %arg5[%swap3A] {strides = array<i32>} : memref<128xf32, #tpu.memory_space<vmem>>, vector<16xf32>,
    %swap3A_5 = vector.shape_cast %swap3A_4 : vector<16xf32> to vector<16xf32>
    %swap3A_6 = vector.shape_cast %broadcast_in_dim3A_1 : vector<16xf32> to vector<16xf32>
    tpu.vector_store %arg5[%swap3A], %swap3A_6 {strides = array<i32>} : memref<128xf32, #tpu.memory_space<vmem>>, vector<16xf32>,
    %swap3A_7 = arith.constant 16 : index
    %swap3A_8 = tpu.vector_load %arg5[%swap3A_7] {strides = array<i32>} : memref<128xf32, #tpu.memory_space<vmem>>, vector<16xf32>,
    %swap3A_9 = vector.shape_cast %swap3A_8 : vector<16xf32> to vector<16xf32>
    %swap3A_10 = vector.shape_cast %broadcast_in_dim3A_1 : vector<16xf32> to vector<16xf32>
    tpu.vector_store %arg5[%swap3A_7], %swap3A_10 {strides = array<i32>} : memref<128xf32, #tpu.memory_space<vmem>>, vector<16xf32>,
    %swap3A_11 = arith.constant 32 : index
    %swap3A_12 = tpu.vector_load %arg5[%swap3A_11] {strides = array<i32>} : memref<128xf32, #tpu.memory_space<vmem>>, vector<16xf32>,
    %swap3A_13 = vector.shape_cast %swap3A_12 : vector<16xf32> to vector<16xf32>
    %swap3A_14 = vector.shape_cast %broadcast_in_dim3A_1 : vector<16xf32> to vector<16xf32>
    tpu.vector_store %arg5[%swap3A_11], %swap3A_14 {strides = array<i32>} : memref<128xf32, #tpu.memory_space<vmem>>, vector<16xf32>,
    %swap3A_15 = arith.constant 48 : index
    %swap3A_16 = tpu.vector_load %arg5[%swap3A_15] {strides = array<i32>} : memref<128xf32, #tpu.memory_space<vmem>>, vector<16xf32>,
    %swap3A_17 = vector.shape_cast %swap3A_16 : vector<16xf32> to vector<16xf32>
    %swap3A_18 = vector.shape_cast %broadcast_in_dim3A_1 : vector<16xf32> to vector<16xf32>
    tpu.vector_store %arg5[%swap3A_15], %swap3A_18 {strides = array<i32>} : memref<128xf32, #tpu.memory_space<vmem>>, vector<16xf32>,
    %swap3A_19 = arith.constant 64 : index
    %swap3A_20 = tpu.vector_load %arg5[%swap3A_19] {strides = array<i32>} : memref<128xf32, #tpu.memory_space<vmem>>, vector<16xf32>,
    %swap3A_21 = vector.shape_cast %swap3A_20 : vector<16xf32> to vector<16xf32>
    %swap3A_22 = vector.shape_cast %broadcast_in_dim3A_1 : vector<16xf32> to vector<16xf32>
    tpu.vector_store %arg5[%swap3A_19], %swap3A_22 {strides = array<i32>} : memref<128xf32, #tpu.memory_space<vmem>>, vector<16xf32>,
    %swap3A_23 = arith.constant 80 : index
    %swap3A_24 = tpu.vector_load %arg5[%swap3A_23] {strides = array<i32>} : memref<128xf32, #tpu.memory_space<vmem>>, vector<16xf32>,
    %swap3A_25 = vector.shape_cast %swap3A_24 : vector<16xf32> to vector<16xf32>
    %swap3A_26 = vector.shape_cast %broadcast_in_dim3A_1 : vector<16xf32> to vector<16xf32>
    tpu.vector_store %arg5[%swap3A_23], %swap3A_26 {strides = array<i32>} : memref<128xf32, #tpu.memory_space<vmem>>, vector<16xf32>,
    %swap3A_27 = arith.constant 96 : index
    %swap3A_28 = tpu.vector_load %arg5[%swap3A_27] {strides = array<i32>} : memref<128xf32, #tpu.memory_space<vmem>>, vector<16xf32>,
    %swap3A_29 = vector.shape_cast %swap3A_28 : vector<16xf32> to vector<16xf32>
    %swap3A_30 = vector.shape_cast %broadcast_in_dim3A_1 : vector<16xf32> to vector<16xf32>
    tpu.vector_store %arg5[%swap3A_27], %swap3A_30 {strides = array<i32>} : memref<128xf32, #tpu.memory_space<vmem>>, vector<16xf32>,
    %swap3A_31 = arith.constant 112 : index
    %swap3A_32 = tpu.vector_load %arg5[%swap3A_31] {strides = array<i32>} : memref<128xf32, #tpu.memory_space<vmem>>, vector<16xf32>,
    %swap3A_33 = vector.shape_cast %swap3A_32 : vector<16xf32> to vector<16xf32>
    %swap3A_34 = vector.shape_cast %broadcast_in_dim3A_1 : vector<16xf32> to vector<16xf32>
    tpu.vector_store %arg5[%swap3A_31], %swap3A_34 {strides = array<i32>} : memref<128xf32, #tpu.memory_space<vmem>>, vector<16xf32>,
    %swap3A_35 = arith.constant 0 : index
    %swap3A_36 = tpu.vector_load %arg6[%swap3A_35] {strides = array<i32>} : memref<640xf32, #tpu.memory_space<vmem>>, vector<16xf32>,
    %swap3A_37 = vector.shape_cast %swap3A_36 : vector<16xf32> to vector<16xf32>
    %swap3A_38 = vector.shape_cast %broadcast_in_dim3A_3 : vector<16xf32> to vector<16xf32>
    tpu.vector_store %arg6[%swap3A_35], %swap3A_38 {strides = array<i32>} : memref<640xf32, #tpu.memory_space<vmem>>, vector<16xf32>,
    %swap3A_39 = arith.constant 16 : index
    %swap3A_40 = tpu.vector_load %arg6[%swap3A_39] {strides = array<i32>} : memref<640xf32, #tpu.memory_space<vmem>>, vector<16xf32>,
    %swap3A_41 = vector.shape_cast %swap3A_40 : vector<16xf32> to vector<16xf32>
    %swap3A_42 = vector.shape_cast %broadcast_in_dim3A_3 : vector<16xf32> to vector<16xf32>
    tpu.vector_store %arg6[%swap3A_39], %swap3A_42 {strides = array<i32>} : memref<640xf32, #tpu.memory_space<vmem>>, vector<16xf32>,
    %swap3A_43 = arith.constant 32 : index
    %swap3A_44 = tpu.vector_load %arg6[%swap3A_43] {strides = array<i32>} : memref<640xf32, #tpu.memory_space<vmem>>, vector<16xf32>,
    %swap3A_45 = vector.shape_cast %swap3A_44 : vector<16xf32> to vector<16xf32>
    %swap3A_46 = vector.shape_cast %broadcast_in_dim3A_3 : vector<16xf32> to vector<16xf32>
    tpu.vector_store %arg6[%swap3A_43], %swap3A_46 {strides = array<i32>} : memref<640xf32, #tpu.memory_space<vmem>>, vector<16xf32>,
    %swap3A_47 = arith.constant 48 : index
    %swap3A_48 = tpu.vector_load %arg6[%swap3A_47] {strides = array<i32>} : memref<640xf32, #tpu.memory_space<vmem>>, vector<16xf32>,
    %swap3A_49 = vector.shape_cast %swap3A_48 : vector<16xf32> to vector<16xf32>
    %swap3A_50 = vector.shape_cast %broadcast_in_dim3A_3 : vector<16xf32> to vector<16xf32>
    tpu.vector_store %arg6[%swap3A_47], %swap3A_50 {strides = array<i32>} : memref<640xf32, #tpu.memory_space<vmem>>, vector<16xf32>,
    %swap3A_51 = arith.constant 64 : index
    %swap3A_52 = tpu.vector_load %arg6[%swap3A_51] {strides = array<i32>} : memref<640xf32, #tpu.memory_space<vmem>>, vector<16xf32>,
    %swap3A_53 = vector.shape_cast %swap3A_52 : vector<16xf32> to vector<16xf32>
    %swap3A_54 = vector.shape_cast %broadcast_in_dim3A_3 : vector<16xf32> to vector<16xf32>
    tpu.vector_store %arg6[%swap3A_51], %swap3A_54 {strides = array<i32>} : memref<640xf32, #tpu.memory_space<vmem>>, vector<16xf32>,
    %swap3A_55 = arith.constant 80 : index
    %swap3A_56 = tpu.vector_load %arg6[%swap3A_55] {strides = array<i32>} : memref<640xf32, #tpu.memory_space<vmem>>, vector<16xf32>,
    %swap3A_57 = vector.shape_cast %swap3A_56 : vector<16xf32> to vector<16xf32>
    %swap3A_58 = vector.shape_cast %broadcast_in_dim3A_3 : vector<16xf32> to vector<16xf32>
    tpu.vector_store %arg6[%swap3A_55], %swap3A_58 {strides = array<i32>} : memref<640xf32, #tpu.memory_space<vmem>>, vector<16xf32>,
    %swap3A_59 = arith.constant 96 : index
    %swap3A_60 = tpu.vector_load %arg6[%swap3A_59] {strides = array<i32>} : memref<640xf32, #tpu.memory_space<vmem>>, vector<16xf32>,
    %swap3A_61 = vector.shape_cast %swap3A_60 : vector<16xf32> to vector<16xf32>
    %swap3A_62 = vector.shape_cast %broadcast_in_dim3A_3 : vector<16xf32> to vector<16xf32>
    tpu.vector_store %arg6[%swap3A_59], %swap3A_62 {strides = array<i32>} : memref<640xf32, #tpu.memory_space<vmem>>, vector<16xf32>,
    %swap3A_63 = arith.constant 112 : index
    %swap3A_64 = tpu.vector_load %arg6[%swap3A_63] {strides = array<i32>} : memref<640xf32, #tpu.memory_space<vmem>>, vector<16xf32>,
    %swap3A_65 = vector.shape_cast %swap3A_64 : vector<16xf32> to vector<16xf32>
    %swap3A_66 = vector.shape_cast %broadcast_in_dim3A_3 : vector<16xf32> to vector<16xf32>
    tpu.vector_store %arg6[%swap3A_63], %swap3A_66 {strides = array<i32>} : memref<640xf32, #tpu.memory_space<vmem>>, vector<16xf32>,
    %swap3A_67 = arith.constant 128 : index
    %swap3A_68 = tpu.vector_load %arg6[%swap3A_67] {strides = array<i32>} : memref<640xf32, #tpu.memory_space<vmem>>, vector<16xf32>,
    %swap3A_69 = vector.shape_cast %swap3A_68 : vector<16xf32> to vector<16xf32>
    %swap3A_70 = vector.shape_cast %broadcast_in_dim3A_3 : vector<16xf32> to vector<16xf32>
    tpu.vector_store %arg6[%swap3A_67], %swap3A_70 {strides = array<i32>} : memref<640xf32, #tpu.memory_space<vmem>>, vector<16xf32>,
    %swap3A_71 = arith.constant 144 : index
    %swap3A_72 = tpu.vector_load %arg6[%swap3A_71] {strides = array<i32>} : memref<640xf32, #tpu.memory_space<vmem>>, vector<16xf32>,
    %swap3A_73 = vector.shape_cast %swap3A_72 : vector<16xf32> to vector<16xf32>
    %swap3A_74 = vector.shape_cast %broadcast_in_dim3A_3 : vector<16xf32> to vector<16xf32>
    tpu.vector_store %arg6[%swap3A_71], %swap3A_74 {strides = array<i32>} : memref<640xf32, #tpu.memory_space<vmem>>, vector<16xf32>,
    %swap3A_75 = arith.constant 160 : index
    %swap3A_76 = tpu.vector_load %arg6[%swap3A_75] {strides = array<i32>} : memref<640xf32, #tpu.memory_space<vmem>>, vector<16xf32>,
    %swap3A_77 = vector.shape_cast %swap3A_76 : vector<16xf32> to vector<16xf32>
    %swap3A_78 = vector.shape_cast %broadcast_in_dim3A_3 : vector<16xf32> to vector<16xf32>
    tpu.vector_store %arg6[%swap3A_75], %swap3A_78 {strides = array<i32>} : memref<640xf32, #tpu.memory_space<vmem>>, vector<16xf32>,
    %swap3A_79 = arith.constant 176 : index
    %swap3A_80 = tpu.vector_load %arg6[%swap3A_79] {strides = array<i32>} : memref<640xf32, #tpu.memory_space<vmem>>, vector<16xf32>,
    %swap3A_81 = vector.shape_cast %swap3A_80 : vector<16xf32> to vector<16xf32>
    %swap3A_82 = vector.shape_cast %broadcast_in_dim3A_3 : vector<16xf32> to vector<16xf32>
    tpu.vector_store %arg6[%swap3A_79], %swap3A_82 {strides = array<i32>} : memref<640xf32, #tpu.memory_space<vmem>>, vector<16xf32>,
    %swap3A_83 = arith.constant 192 : index
    %swap3A_84 = tpu.vector_load %arg6[%swap3A_83] {strides = array<i32>} : memref<640xf32, #tpu.memory_space<vmem>>, vector<16xf32>,
    %swap3A_85 = vector.shape_cast %swap3A_84 : vector<16xf32> to vector<16xf32>
    %swap3A_86 = vector.shape_cast %broadcast_in_dim3A_3 : vector<16xf32> to vector<16xf32>
    tpu.vector_store %arg6[%swap3A_83], %swap3A_86 {strides = array<i32>} : memref<640xf32, #tpu.memory_space<vmem>>, vector<16xf32>,
    %swap3A_87 = arith.constant 208 : index
    %swap3A_88 = tpu.vector_load %arg6[%swap3A_87] {strides = array<i32>} : memref<640xf32, #tpu.memory_space<vmem>>, vector<16xf32>,
    %swap3A_89 = vector.shape_cast %swap3A_88 : vector<16xf32> to vector<16xf32>
    %swap3A_90 = vector.shape_cast %broadcast_in_dim3A_3 : vector<16xf32> to vector<16xf32>
    tpu.vector_store %arg6[%swap3A_87], %swap3A_90 {strides = array<i32>} : memref<640xf32, #tpu.memory_space<vmem>>, vector<16xf32>,
    %swap3A_91 = arith.constant 224 : index
    %swap3A_92 = tpu.vector_load %arg6[%swap3A_91] {strides = array<i32>} : memref<640xf32, #tpu.memory_space<vmem>>, vector<16xf32>,
    %swap3A_93 = vector.shape_cast %swap3A_92 : vector<16xf32> to vector<16xf32>
    %swap3A_94 = vector.shape_cast %broadcast_in_dim3A_3 : vector<16xf32> to vector<16xf32>
    tpu.vector_store %arg6[%swap3A_91], %swap3A_94 {strides = array<i32>} : memref<640xf32, #tpu.memory_space<vmem>>, vector<16xf32>,
    %swap3A_95 = arith.constant 240 : index
    %swap3A_96 = tpu.vector_load %arg6[%swap3A_95] {strides = array<i32>} : memref<640xf32, #tpu.memory_space<vmem>>, vector<16xf32>,
    %swap3A_97 = vector.shape_cast %swap3A_96 : vector<16xf32> to vector<16xf32>
    %swap3A_98 = vector.shape_cast %broadcast_in_dim3A_3 : vector<16xf32> to vector<16xf32>
    tpu.vector_store %arg6[%swap3A_95], %swap3A_98 {strides = array<i32>} : memref<640xf32, #tpu.memory_space<vmem>>, vector<16xf32>,
    %swap3A_99 = arith.constant 256 : index
    %swap3A_100 = tpu.vector_load %arg6[%swap3A_99] {strides = array<i32>} : memref<640xf32, #tpu.memory_space<vmem>>, vector<16xf32>,
    %swap3A_101 = vector.shape_cast %swap3A_100 : vector<16xf32> to vector<16xf32>
    %swap3A_102 = vector.shape_cast %broadcast_in_dim3A_3 : vector<16xf32> to vector<16xf32>
    tpu.vector_store %arg6[%swap3A_99], %swap3A_102 {strides = array<i32>} : memref<640xf32, #tpu.memory_space<vmem>>, vector<16xf32>,
    %swap3A_103 = arith.constant 272 : index
    %swap3A_104 = tpu.vector_load %arg6[%swap3A_103] {strides = array<i32>} : memref<640xf32, #tpu.memory_space<vmem>>, vector<16xf32>,
    %swap3A_105 = vector.shape_cast %swap3A_104 : vector<16xf32> to vector<16xf32>
    %swap3A_106 = vector.shape_cast %broadcast_in_dim3A_3 : vector<16xf32> to vector<16xf32>
    tpu.vector_store %arg6[%swap3A_103], %swap3A_106 {strides = array<i32>} : memref<640xf32, #tpu.memory_space<vmem>>, vector<16xf32>,
    %swap3A_107 = arith.constant 288 : index
    %swap3A_108 = tpu.vector_load %arg6[%swap3A_107] {strides = array<i32>} : memref<640xf32, #tpu.memory_space<vmem>>, vector<16xf32>,
    %swap3A_109 = vector.shape_cast %swap3A_108 : vector<16xf32> to vector<16xf32>
    %swap3A_110 = vector.shape_cast %broadcast_in_dim3A_3 : vector<16xf32> to vector<16xf32>
    tpu.vector_store %arg6[%swap3A_107], %swap3A_110 {strides = array<i32>} : memref<640xf32, #tpu.memory_space<vmem>>, vector<16xf32>,
    %swap3A_111 = arith.constant 304 : index
    %swap3A_112 = tpu.vector_load %arg6[%swap3A_111] {strides = array<i32>} : memref<640xf32, #tpu.memory_space<vmem>>, vector<16xf32>,
    %swap3A_113 = vector.shape_cast %swap3A_112 : vector<16xf32> to vector<16xf32>
    %swap3A_114 = vector.shape_cast %broadcast_in_dim3A_3 : vector<16xf32> to vector<16xf32>
    tpu.vector_store %arg6[%swap3A_111], %swap3A_114 {strides = array<i32>} : memref<640xf32, #tpu.memory_space<vmem>>, vector<16xf32>,
    %swap3A_115 = arith.constant 320 : index
    %swap3A_116 = tpu.vector_load %arg6[%swap3A_115] {strides = array<i32>} : memref<640xf32, #tpu.memory_space<vmem>>, vector<16xf32>,
    %swap3A_117 = vector.shape_cast %swap3A_116 : vector<16xf32> to vector<16xf32>
    %swap3A_118 = vector.shape_cast %broadcast_in_dim3A_3 : vector<16xf32> to vector<16xf32>
    tpu.vector_store %arg6[%swap3A_115], %swap3A_118 {strides = array<i32>} : memref<640xf32, #tpu.memory_space<vmem>>, vector<16xf32>,
    %swap3A_119 = arith.constant 336 : index
    %swap3A_120 = tpu.vector_load %arg6[%swap3A_119] {strides = array<i32>} : memref<640xf32, #tpu.memory_space<vmem>>, vector<16xf32>,
    %swap3A_121 = vector.shape_cast %swap3A_120 : vector<16xf32> to vector<16xf32>
    %swap3A_122 = vector.shape_cast %broadcast_in_dim3A_3 : vector<16xf32> to vector<16xf32>
    tpu.vector_store %arg6[%swap3A_119], %swap3A_122 {strides = array<i32>} : memref<640xf32, #tpu.memory_space<vmem>>, vector<16xf32>,
    %swap3A_123 = arith.constant 352 : index
    %swap3A_124 = tpu.vector_load %arg6[%swap3A_123] {strides = array<i32>} : memref<640xf32, #tpu.memory_space<vmem>>, vector<16xf32>,
    %swap3A_125 = vector.shape_cast %swap3A_124 : vector<16xf32> to vector<16xf32>
    %swap3A_126 = vector.shape_cast %broadcast_in_dim3A_3 : vector<16xf32> to vector<16xf32>
    tpu.vector_store %arg6[%swap3A_123], %swap3A_126 {strides = array<i32>} : memref<640xf32, #tpu.memory_space<vmem>>, vector<16xf32>,
    %swap3A_127 = arith.constant 368 : index
    %swap3A_128 = tpu.vector_load %arg6[%swap3A_127] {strides = array<i32>} : memref<640xf32, #tpu.memory_space<vmem>>, vector<16xf32>,
    %swap3A_129 = vector.shape_cast %swap3A_128 : vector<16xf32> to vector<16xf32>
    %swap3A_130 = vector.shape_cast %broadcast_in_dim3A_3 : vector<16xf32> to vector<16xf32>
    tpu.vector_store %arg6[%swap3A_127], %swap3A_130 {strides = array<i32>} : memref<640xf32, #tpu.memory_space<vmem>>, vector<16xf32>,
    %swap3A_131 = arith.constant 384 : index
    %swap3A_132 = tpu.vector_load %arg6[%swap3A_131] {strides = array<i32>} : memref<640xf32, #tpu.memory_space<vmem>>, vector<16xf32>,
    %swap3A_133 = vector.shape_cast %swap3A_132 : vector<16xf32> to vector<16xf32>
    %swap3A_134 = vector.shape_cast %broadcast_in_dim3A_3 : vector<16xf32> to vector<16xf32>
    tpu.vector_store %arg6[%swap3A_131], %swap3A_134 {strides = array<i32>} : memref<640xf32, #tpu.memory_space<vmem>>, vector<16xf32>,
    %swap3A_135 = arith.constant 400 : index
    %swap3A_136 = tpu.vector_load %arg6[%swap3A_135] {strides = array<i32>} : memref<640xf32, #tpu.memory_space<vmem>>, vector<16xf32>,
    %swap3A_137 = vector.shape_cast %swap3A_136 : vector<16xf32> to vector<16xf32>
    %swap3A_138 = vector.shape_cast %broadcast_in_dim3A_3 : vector<16xf32> to vector<16xf32>
    tpu.vector_store %arg6[%swap3A_135], %swap3A_138 {strides = array<i32>} : memref<640xf32, #tpu.memory_space<vmem>>, vector<16xf32>,
    %swap3A_139 = arith.constant 416 : index
    %swap3A_140 = tpu.vector_load %arg6[%swap3A_139] {strides = array<i32>} : memref<640xf32, #tpu.memory_space<vmem>>, vector<16xf32>,
    %swap3A_141 = vector.shape_cast %swap3A_140 : vector<16xf32> to vector<16xf32>
    %swap3A_142 = vector.shape_cast %broadcast_in_dim3A_3 : vector<16xf32> to vector<16xf32>
    tpu.vector_store %arg6[%swap3A_139], %swap3A_142 {strides = array<i32>} : memref<640xf32, #tpu.memory_space<vmem>>, vector<16xf32>,
    %swap3A_143 = arith.constant 432 : index
    %swap3A_144 = tpu.vector_load %arg6[%swap3A_143] {strides = array<i32>} : memref<640xf32, #tpu.memory_space<vmem>>, vector<16xf32>,
    %swap3A_145 = vector.shape_cast %swap3A_144 : vector<16xf32> to vector<16xf32>
    %swap3A_146 = vector.shape_cast %broadcast_in_dim3A_3 : vector<16xf32> to vector<16xf32>
    tpu.vector_store %arg6[%swap3A_143], %swap3A_146 {strides = array<i32>} : memref<640xf32, #tpu.memory_space<vmem>>, vector<16xf32>,
    %swap3A_147 = arith.constant 448 : index
    %swap3A_148 = tpu.vector_load %arg6[%swap3A_147] {strides = array<i32>} : memref<640xf32, #tpu.memory_space<vmem>>, vector<16xf32>,
    %swap3A_149 = vector.shape_cast %swap3A_148 : vector<16xf32> to vector<16xf32>
    %swap3A_150 = vector.shape_cast %broadcast_in_dim3A_3 : vector<16xf32> to vector<16xf32>
    tpu.vector_store %arg6[%swap3A_147], %swap3A_150 {strides = array<i32>} : memref<640xf32, #tpu.memory_space<vmem>>, vector<16xf32>,
    %swap3A_151 = arith.constant 464 : index
    %swap3A_152 = tpu.vector_load %arg6[%swap3A_151] {strides = array<i32>} : memref<640xf32, #tpu.memory_space<vmem>>, vector<16xf32>,
    %swap3A_153 = vector.shape_cast %swap3A_152 : vector<16xf32> to vector<16xf32>
    %swap3A_154 = vector.shape_cast %broadcast_in_dim3A_3 : vector<16xf32> to vector<16xf32>
    tpu.vector_store %arg6[%swap3A_151], %swap3A_154 {strides = array<i32>} : memref<640xf32, #tpu.memory_space<vmem>>, vector<16xf32>,
    %swap3A_155 = arith.constant 480 : index
    %swap3A_156 = tpu.vector_load %arg6[%swap3A_155] {strides = array<i32>} : memref<640xf32, #tpu.memory_space<vmem>>, vector<16xf32>,
    %swap3A_157 = vector.shape_cast %swap3A_156 : vector<16xf32> to vector<16xf32>
    %swap3A_158 = vector.shape_cast %broadcast_in_dim3A_3 : vector<16xf32> to vector<16xf32>
    tpu.vector_store %arg6[%swap3A_155], %swap3A_158 {strides = array<i32>} : memref<640xf32, #tpu.memory_space<vmem>>, vector<16xf32>,
    %swap3A_159 = arith.constant 496 : index
    %swap3A_160 = tpu.vector_load %arg6[%swap3A_159] {strides = array<i32>} : memref<640xf32, #tpu.memory_space<vmem>>, vector<16xf32>,
    %swap3A_161 = vector.shape_cast %swap3A_160 : vector<16xf32> to vector<16xf32>
    %swap3A_162 = vector.shape_cast %broadcast_in_dim3A_3 : vector<16xf32> to vector<16xf32>
    tpu.vector_store %arg6[%swap3A_159], %swap3A_162 {strides = array<i32>} : memref<640xf32, #tpu.memory_space<vmem>>, vector<16xf32>,
    %swap3A_163 = arith.constant 512 : index
    %swap3A_164 = tpu.vector_load %arg6[%swap3A_163] {strides = array<i32>} : memref<640xf32, #tpu.memory_space<vmem>>, vector<16xf32>,
    %swap3A_165 = vector.shape_cast %swap3A_164 : vector<16xf32> to vector<16xf32>
    %swap3A_166 = vector.shape_cast %broadcast_in_dim3A_3 : vector<16xf32> to vector<16xf32>
    tpu.vector_store %arg6[%swap3A_163], %swap3A_166 {strides = array<i32>} : memref<640xf32, #tpu.memory_space<vmem>>, vector<16xf32>,
    %swap3A_167 = arith.constant 528 : index
    %swap3A_168 = tpu.vector_load %arg6[%swap3A_167] {strides = array<i32>} : memref<640xf32, #tpu.memory_space<vmem>>, vector<16xf32>,
    %swap3A_169 = vector.shape_cast %swap3A_168 : vector<16xf32> to vector<16xf32>
    %swap3A_170 = vector.shape_cast %broadcast_in_dim3A_3 : vector<16xf32> to vector<16xf32>
    tpu.vector_store %arg6[%swap3A_167], %swap3A_170 {strides = array<i32>} : memref<640xf32, #tpu.memory_space<vmem>>, vector<16xf32>,
    %swap3A_171 = arith.constant 544 : index
    %swap3A_172 = tpu.vector_load %arg6[%swap3A_171] {strides = array<i32>} : memref<640xf32, #tpu.memory_space<vmem>>, vector<16xf32>,
    %swap3A_173 = vector.shape_cast %swap3A_172 : vector<16xf32> to vector<16xf32>
    %swap3A_174 = vector.shape_cast %broadcast_in_dim3A_3 : vector<16xf32> to vector<16xf32>
    tpu.vector_store %arg6[%swap3A_171], %swap3A_174 {strides = array<i32>} : memref<640xf32, #tpu.memory_space<vmem>>, vector<16xf32>,
    %swap3A_175 = arith.constant 560 : index
    %swap3A_176 = tpu.vector_load %arg6[%swap3A_175] {strides = array<i32>} : memref<640xf32, #tpu.memory_space<vmem>>, vector<16xf32>,
    %swap3A_177 = vector.shape_cast %swap3A_176 : vector<16xf32> to vector<16xf32>
    %swap3A_178 = vector.shape_cast %broadcast_in_dim3A_3 : vector<16xf32> to vector<16xf32>
    tpu.vector_store %arg6[%swap3A_175], %swap3A_178 {strides = array<i32>} : memref<640xf32, #tpu.memory_space<vmem>>, vector<16xf32>,
    %swap3A_179 = arith.constant 576 : index
    %swap3A_180 = tpu.vector_load %arg6[%swap3A_179] {strides = array<i32>} : memref<640xf32, #tpu.memory_space<vmem>>, vector<16xf32>,
    %swap3A_181 = vector.shape_cast %swap3A_180 : vector<16xf32> to vector<16xf32>
    %swap3A_182 = vector.shape_cast %broadcast_in_dim3A_3 : vector<16xf32> to vector<16xf32>
    tpu.vector_store %arg6[%swap3A_179], %swap3A_182 {strides = array<i32>} : memref<640xf32, #tpu.memory_space<vmem>>, vector<16xf32>,
    %swap3A_183 = arith.constant 592 : index
    %swap3A_184 = tpu.vector_load %arg6[%swap3A_183] {strides = array<i32>} : memref<640xf32, #tpu.memory_space<vmem>>, vector<16xf32>,
    %swap3A_185 = vector.shape_cast %swap3A_184 : vector<16xf32> to vector<16xf32>
    %swap3A_186 = vector.shape_cast %broadcast_in_dim3A_3 : vector<16xf32> to vector<16xf32>
    tpu.vector_store %arg6[%swap3A_183], %swap3A_186 {strides = array<i32>} : memref<640xf32, #tpu.memory_space<vmem>>, vector<16xf32>,
    %swap3A_187 = arith.constant 608 : index
    %swap3A_188 = tpu.vector_load %arg6[%swap3A_187] {strides = array<i32>} : memref<640xf32, #tpu.memory_space<vmem>>, vector<16xf32>,
    %swap3A_189 = vector.shape_cast %swap3A_188 : vector<16xf32> to vector<16xf32>
    %swap3A_190 = vector.shape_cast %broadcast_in_dim3A_3 : vector<16xf32> to vector<16xf32>
    tpu.vector_store %arg6[%swap3A_187], %swap3A_190 {strides = array<i32>} : memref<640xf32, #tpu.memory_space<vmem>>, vector<16xf32>,
    %swap3A_191 = arith.constant 624 : index
    %swap3A_192 = tpu.vector_load %arg6[%swap3A_191] {strides = array<i32>} : memref<640xf32, #tpu.memory_space<vmem>>, vector<16xf32>,
    %swap3A_193 = vector.shape_cast %swap3A_192 : vector<16xf32> to vector<16xf32>
    %swap3A_194 = vector.shape_cast %broadcast_in_dim3A_3 : vector<16xf32> to vector<16xf32>
    tpu.vector_store %arg6[%swap3A_191], %swap3A_194 {strides = array<i32>} : memref<640xf32, #tpu.memory_space<vmem>>, vector<16xf32>,
    %mul3A_195 = arith.constant 640 : i32
    %mul3A_196 = arith.muli %arg1, %mul3A_195 : i32
    "tpu.region"() ({
      %run_scoped3A = tpu.sem_alloc : memref<!tpu.dma_semaphore, #tpu.memory_space<semaphore_mem>>
      %dma_start3A = tpu.memref_slice %arg7[%mul3A_196] : memref<10240xf32, #tpu.memory_space<vmem_shared>> -> memref<640xf32, #tpu.memory_space<vmem_shared>>
      %dma_start3A_213 = tpu.memref_slice %arg7[%mul3A_196] : memref<10240xf32, #tpu.memory_space<vmem_shared>> -> memref<640xf32, #tpu.memory_space<vmem_shared>>
      tpu.enqueue_dma source(%arg6 : memref<640xf32, #tpu.memory_space<vmem>>) target(%dma_start3A_213 : memref<640xf32, #tpu.memory_space<vmem_shared>>) target_semaphore(%run_scoped3A : memref<!tpu.dma_semaphore, #tpu.memory_space<semaphore_mem>>)
      %dma_wait3A = tpu.memref_slice %arg7[%mul3A_196] : memref<10240xf32, #tpu.memory_space<vmem_shared>> -> memref<640xf32, #tpu.memory_space<vmem_shared>>
      %dma_wait3A_214 = tpu.memref_slice %arg7[%mul3A_196] : memref<10240xf32, #tpu.memory_space<vmem_shared>> -> memref<640xf32, #tpu.memory_space<vmem_shared>>
      tpu.wait_dma2 semaphore(%run_scoped3A : memref<!tpu.dma_semaphore, #tpu.memory_space<semaphore_mem>>) src(%arg6 : memref<640xf32, #tpu.memory_space<vmem>>) dst(%dma_wait3A_214 : memref<640xf32, #tpu.memory_space<vmem_shared>>)
      tpu.yield
    }) : () -> ()
    %barrier3A = arith.constant 0 : index
    tpu.barrier barrier_id(%barrier3A)
    %scan3A = arith.constant 0 : i32
    %scan3A_197 = arith.constant 0 : i32
    %scan3A_198 = arith.constant 81 : i32
    %scan3A_199 = arith.addi %scan3A_197, %scan3A_198 : i32
    %scan3A_200 = arith.constant 1 : i32
    scf.for %scan3A_213 = %scan3A_197 to %scan3A_199 step %scan3A_200  : i32 {
      %dma_start3A = arith.constant 0 : i32
      %dma_start3A_214 = tpu.memref_slice %arg4[%scan3A_213, %dma_start3A] : memref<81x128xi32, #tpu.memory_space<vmem>> -> memref<1x128xi32, #tpu.memory_space<vmem>>
      %dma_start3A_215 = tpu.memref_squeeze %dma_start3A_214 : memref<1x128xi32, #tpu.memory_space<vmem>> -> memref<128xi32, #tpu.memory_space<vmem>>
      %dma_start3A_216 = arith.constant 0 : i32
      %dma_start3A_217 = tpu.memref_slice %arg7[%dma_start3A_216] : memref<10240xf32, #tpu.memory_space<vmem_shared>> -> memref<10240xf32, #tpu.memory_space<vmem_shared>>
      tpu.enqueue_indirect_dma source(%arg5 : memref<128xf32, #tpu.memory_space<vmem>>) target(%dma_start3A_217 : memref<10240xf32, #tpu.memory_space<vmem_shared>>) offsets(%dma_start3A_215 : memref<128xi32, #tpu.memory_space<vmem>>) semaphore(%arg8 : memref<!tpu.dma_semaphore, #tpu.memory_space<semaphore_mem>>) {add = true}
    }
    %scan3A_201 = arith.constant 81 : i32
    %scan3A_202 = arith.constant 0 : i32
    %scan3A_203 = arith.constant 0 : i32
    %scan3A_204 = arith.constant 81 : i32
    %scan3A_205 = arith.addi %scan3A_203, %scan3A_204 : i32
    %scan3A_206 = arith.constant 1 : i32
    scf.for %scan3A_213 = %scan3A_203 to %scan3A_205 step %scan3A_206  : i32 {
      %dma_wait3A = arith.constant 0 : i32
      %dma_wait3A_214 = tpu.memref_slice %arg4[%scan3A_213, %dma_wait3A] : memref<81x128xi32, #tpu.memory_space<vmem>> -> memref<1x128xi32, #tpu.memory_space<vmem>>
      %dma_wait3A_215 = tpu.memref_squeeze %dma_wait3A_214 : memref<1x128xi32, #tpu.memory_space<vmem>> -> memref<128xi32, #tpu.memory_space<vmem>>
      %dma_wait3A_216 = arith.constant 0 : i32
      %dma_wait3A_217 = tpu.memref_slice %arg7[%dma_wait3A_216] : memref<10240xf32, #tpu.memory_space<vmem_shared>> -> memref<10240xf32, #tpu.memory_space<vmem_shared>>
      tpu.wait_indirect_dma semaphore(%arg8 : memref<!tpu.dma_semaphore, #tpu.memory_space<semaphore_mem>>) src(%arg5 : memref<128xf32, #tpu.memory_space<vmem>>) dst(%dma_wait3A_217 : memref<10240xf32, #tpu.memory_space<vmem_shared>>)
    }
    %scan3A_207 = arith.constant 81 : i32
    %barrier3A_208 = arith.constant 0 : index
    tpu.barrier barrier_id(%barrier3A_208)
    %mul3A_209 = arith.constant 640 : i32
    %mul3A_210 = arith.muli %arg1, %mul3A_209 : i32
    %mul3A_211 = arith.constant 640 : i32
    %mul3A_212 = arith.muli %arg1, %mul3A_211 : i32
    "tpu.region"() ({
      %run_scoped3A = tpu.sem_alloc : memref<!tpu.dma_semaphore, #tpu.memory_space<semaphore_mem>>
      %dma_start3A = tpu.memref_slice %arg3[%arg0, %mul3A_212] : memref<2x10240xf32, #tpu.memory_space<hbm>> -> memref<1x640xf32, #tpu.memory_space<hbm>>
      %dma_start3A_213 = tpu.memref_squeeze %dma_start3A : memref<1x640xf32, #tpu.memory_space<hbm>> -> memref<640xf32, #tpu.memory_space<hbm>>
      %dma_start3A_214 = tpu.memref_slice %arg7[%mul3A_210] : memref<10240xf32, #tpu.memory_space<vmem_shared>> -> memref<640xf32, #tpu.memory_space<vmem_shared>>
      tpu.enqueue_dma source(%dma_start3A_214 : memref<640xf32, #tpu.memory_space<vmem_shared>>) target(%dma_start3A_213 : memref<640xf32, #tpu.memory_space<hbm>>) target_semaphore(%run_scoped3A : memref<!tpu.dma_semaphore, #tpu.memory_space<semaphore_mem>>)
      %dma_wait3A = tpu.memref_slice %arg3[%arg0, %mul3A_212] : memref<2x10240xf32, #tpu.memory_space<hbm>> -> memref<1x640xf32, #tpu.memory_space<hbm>>
      %dma_wait3A_215 = tpu.memref_squeeze %dma_wait3A : memref<1x640xf32, #tpu.memory_space<hbm>> -> memref<640xf32, #tpu.memory_space<hbm>>
      %dma_wait3A_216 = tpu.memref_slice %arg7[%mul3A_210] : memref<10240xf32, #tpu.memory_space<vmem_shared>> -> memref<640xf32, #tpu.memory_space<vmem_shared>>
      tpu.wait_dma2 semaphore(%run_scoped3A : memref<!tpu.dma_semaphore, #tpu.memory_space<semaphore_mem>>) src(%dma_wait3A_216 : memref<640xf32, #tpu.memory_space<vmem_shared>>) dst(%dma_wait3A_215 : memref<640xf32, #tpu.memory_space<hbm>>)
      tpu.yield
    }) : () -> ()
    return
  }
}

#map = affine_map<(d0, d1) -> (0, 0, 0)>
#map1 = affine_map<(d0, d1) -> (0, 0)>
module attributes {stable_mosaic.version = 14 : i64} {
  func.func @_agg_body(%arg0: i32, %arg1: i32, %arg2: memref<2x10000x64xbf16, #tpu.memory_space<hbm>>, %arg3: memref<16x162x128xi32, #tpu.memory_space<hbm>>, %arg4: memref<16x162x128xi32, #tpu.memory_space<hbm>>, %arg5: memref<640x64xbf16, #tpu.memory_space<hbm>>, %arg6: memref<2x10240x64xbf16, #tpu.memory_space<hbm>>, %arg7: memref<162x128xi32, #tpu.memory_space<vmem>>, %arg8: memref<162x128xi32, #tpu.memory_space<vmem>>, %arg9: memref<128x64xbf16, #tpu.memory_space<vmem>>, %arg10: memref<128x64xbf16, #tpu.memory_space<vmem>>, %arg11: memref<128x64xbf16, #tpu.memory_space<vmem>>, %arg12: memref<128x64xbf16, #tpu.memory_space<vmem>>, %arg13: memref<128x64xbf16, #tpu.memory_space<vmem>>, %arg14: memref<128x64xbf16, #tpu.memory_space<vmem>>, %arg15: memref<10240x64xbf16, #tpu.memory_space<vmem_shared>>, %arg16: memref<!tpu.dma_semaphore, #tpu.memory_space<semaphore_mem>>, %arg17: memref<!tpu.dma_semaphore, #tpu.memory_space<semaphore_mem>>, %arg18: memref<!tpu.dma_semaphore, #tpu.memory_space<semaphore_mem>>, %arg19: memref<!tpu.dma_semaphore, #tpu.memory_space<semaphore_mem>>, %arg20: memref<!tpu.dma_semaphore, #tpu.memory_space<semaphore_mem>>, %arg21: memref<!tpu.dma_semaphore, #tpu.memory_space<semaphore_mem>>) attributes {dimension_semantics = [#tpu.dimension_semantics<core_parallel>, #tpu.dimension_semantics<subcore_parallel>], iteration_bounds = array<i64: 2, 16>, scalar_prefetch = 0 : i64, scratch_operands = 15 : i64, tpu.core_type = #tpu.core_type<sc_vector_subcore>, window_params = [{transform_indices = #map}, {transform_indices = #map}, {transform_indices = #map}, {transform_indices = #map1}, {transform_indices = #map}]} {
    "tpu.region"() ({
      %run_scoped3A = tpu.sem_alloc : memref<!tpu.dma_semaphore, #tpu.memory_space<semaphore_mem>>
      %dma_start3A_76 = arith.constant 0 : i32
      %dma_start3A_77 = arith.constant 0 : i32
      %dma_start3A_78 = tpu.memref_slice %arg3[%arg1, %dma_start3A_76, %dma_start3A_77] : memref<16x162x128xi32, #tpu.memory_space<hbm>> -> memref<1x162x128xi32, #tpu.memory_space<hbm>>
      %dma_start3A_79 = tpu.memref_squeeze %dma_start3A_78 : memref<1x162x128xi32, #tpu.memory_space<hbm>> -> memref<162x128xi32, #tpu.memory_space<hbm>>
      %dma_start3A_80 = arith.constant 0 : i32
      %dma_start3A_81 = arith.constant 0 : i32
      %dma_start3A_82 = tpu.memref_slice %arg3[%arg1, %dma_start3A_80, %dma_start3A_81] : memref<16x162x128xi32, #tpu.memory_space<hbm>> -> memref<1x162x128xi32, #tpu.memory_space<hbm>>
      %dma_start3A_83 = tpu.memref_squeeze %dma_start3A_82 : memref<1x162x128xi32, #tpu.memory_space<hbm>> -> memref<162x128xi32, #tpu.memory_space<hbm>>
      tpu.enqueue_dma source(%dma_start3A_83 : memref<162x128xi32, #tpu.memory_space<hbm>>) target(%arg7 : memref<162x128xi32, #tpu.memory_space<vmem>>) target_semaphore(%run_scoped3A : memref<!tpu.dma_semaphore, #tpu.memory_space<semaphore_mem>>)
      %dma_wait3A = arith.constant 0 : i32
      %dma_wait3A_84 = arith.constant 0 : i32
      %dma_wait3A_85 = tpu.memref_slice %arg3[%arg1, %dma_wait3A, %dma_wait3A_84] : memref<16x162x128xi32, #tpu.memory_space<hbm>> -> memref<1x162x128xi32, #tpu.memory_space<hbm>>
      %dma_wait3A_86 = tpu.memref_squeeze %dma_wait3A_85 : memref<1x162x128xi32, #tpu.memory_space<hbm>> -> memref<162x128xi32, #tpu.memory_space<hbm>>
      %dma_wait3A_87 = arith.constant 0 : i32
      %dma_wait3A_88 = arith.constant 0 : i32
      %dma_wait3A_89 = tpu.memref_slice %arg3[%arg1, %dma_wait3A_87, %dma_wait3A_88] : memref<16x162x128xi32, #tpu.memory_space<hbm>> -> memref<1x162x128xi32, #tpu.memory_space<hbm>>
      %dma_wait3A_90 = tpu.memref_squeeze %dma_wait3A_89 : memref<1x162x128xi32, #tpu.memory_space<hbm>> -> memref<162x128xi32, #tpu.memory_space<hbm>>
      tpu.wait_dma2 semaphore(%run_scoped3A : memref<!tpu.dma_semaphore, #tpu.memory_space<semaphore_mem>>) src(%dma_wait3A_90 : memref<162x128xi32, #tpu.memory_space<hbm>>) dst(%arg7 : memref<162x128xi32, #tpu.memory_space<vmem>>)
      tpu.yield
    }) : () -> ()
    "tpu.region"() ({
      %run_scoped3A = tpu.sem_alloc : memref<!tpu.dma_semaphore, #tpu.memory_space<semaphore_mem>>
      %dma_start3A_76 = arith.constant 0 : i32
      %dma_start3A_77 = arith.constant 0 : i32
      %dma_start3A_78 = tpu.memref_slice %arg4[%arg1, %dma_start3A_76, %dma_start3A_77] : memref<16x162x128xi32, #tpu.memory_space<hbm>> -> memref<1x162x128xi32, #tpu.memory_space<hbm>>
      %dma_start3A_79 = tpu.memref_squeeze %dma_start3A_78 : memref<1x162x128xi32, #tpu.memory_space<hbm>> -> memref<162x128xi32, #tpu.memory_space<hbm>>
      %dma_start3A_80 = arith.constant 0 : i32
      %dma_start3A_81 = arith.constant 0 : i32
      %dma_start3A_82 = tpu.memref_slice %arg4[%arg1, %dma_start3A_80, %dma_start3A_81] : memref<16x162x128xi32, #tpu.memory_space<hbm>> -> memref<1x162x128xi32, #tpu.memory_space<hbm>>
      %dma_start3A_83 = tpu.memref_squeeze %dma_start3A_82 : memref<1x162x128xi32, #tpu.memory_space<hbm>> -> memref<162x128xi32, #tpu.memory_space<hbm>>
      tpu.enqueue_dma source(%dma_start3A_83 : memref<162x128xi32, #tpu.memory_space<hbm>>) target(%arg8 : memref<162x128xi32, #tpu.memory_space<vmem>>) target_semaphore(%run_scoped3A : memref<!tpu.dma_semaphore, #tpu.memory_space<semaphore_mem>>)
      %dma_wait3A = arith.constant 0 : i32
      %dma_wait3A_84 = arith.constant 0 : i32
      %dma_wait3A_85 = tpu.memref_slice %arg4[%arg1, %dma_wait3A, %dma_wait3A_84] : memref<16x162x128xi32, #tpu.memory_space<hbm>> -> memref<1x162x128xi32, #tpu.memory_space<hbm>>
      %dma_wait3A_86 = tpu.memref_squeeze %dma_wait3A_85 : memref<1x162x128xi32, #tpu.memory_space<hbm>> -> memref<162x128xi32, #tpu.memory_space<hbm>>
      %dma_wait3A_87 = arith.constant 0 : i32
      %dma_wait3A_88 = arith.constant 0 : i32
      %dma_wait3A_89 = tpu.memref_slice %arg4[%arg1, %dma_wait3A_87, %dma_wait3A_88] : memref<16x162x128xi32, #tpu.memory_space<hbm>> -> memref<1x162x128xi32, #tpu.memory_space<hbm>>
      %dma_wait3A_90 = tpu.memref_squeeze %dma_wait3A_89 : memref<1x162x128xi32, #tpu.memory_space<hbm>> -> memref<162x128xi32, #tpu.memory_space<hbm>>
      tpu.wait_dma2 semaphore(%run_scoped3A : memref<!tpu.dma_semaphore, #tpu.memory_space<semaphore_mem>>) src(%dma_wait3A_90 : memref<162x128xi32, #tpu.memory_space<hbm>>) dst(%arg8 : memref<162x128xi32, #tpu.memory_space<vmem>>)
      tpu.yield
    }) : () -> ()
    %mul3A = arith.constant 640 : i32
    %mul3A_0 = arith.muli %arg1, %mul3A : i32
    "tpu.region"() ({
      %run_scoped3A = tpu.sem_alloc : memref<!tpu.dma_semaphore, #tpu.memory_space<semaphore_mem>>
      %dma_start3A_76 = arith.constant 0 : i32
      %dma_start3A_77 = tpu.memref_slice %arg15[%mul3A_0, %dma_start3A_76] : memref<10240x64xbf16, #tpu.memory_space<vmem_shared>> -> memref<640x64xbf16, #tpu.memory_space<vmem_shared>>
      tpu.enqueue_dma source(%arg5 : memref<640x64xbf16, #tpu.memory_space<hbm>>) target(%dma_start3A_77 : memref<640x64xbf16, #tpu.memory_space<vmem_shared>>) target_semaphore(%run_scoped3A : memref<!tpu.dma_semaphore, #tpu.memory_space<semaphore_mem>>)
      %dma_wait3A = arith.constant 0 : i32
      %dma_wait3A_78 = tpu.memref_slice %arg15[%mul3A_0, %dma_wait3A] : memref<10240x64xbf16, #tpu.memory_space<vmem_shared>> -> memref<640x64xbf16, #tpu.memory_space<vmem_shared>>
      tpu.wait_dma2 semaphore(%run_scoped3A : memref<!tpu.dma_semaphore, #tpu.memory_space<semaphore_mem>>) src(%arg5 : memref<640x64xbf16, #tpu.memory_space<hbm>>) dst(%dma_wait3A_78 : memref<640x64xbf16, #tpu.memory_space<vmem_shared>>)
      tpu.yield
    }) : () -> ()
    %barrier3A = arith.constant 0 : index
    tpu.barrier barrier_id(%barrier3A)
    %dma_start3A = arith.constant 0 : i32
    %dma_start3A_1 = arith.constant 0 : i32
    %dma_start3A_2 = tpu.memref_slice %arg7[%dma_start3A, %dma_start3A_1] : memref<162x128xi32, #tpu.memory_space<vmem>> -> memref<1x128xi32, #tpu.memory_space<vmem>>
    %dma_start3A_3 = tpu.memref_squeeze %dma_start3A_2 : memref<1x128xi32, #tpu.memory_space<vmem>> -> memref<128xi32, #tpu.memory_space<vmem>>
    %dma_start3A_4 = arith.constant 0 : i32
    %dma_start3A_5 = arith.constant 0 : i32
    %dma_start3A_6 = tpu.memref_slice %arg2[%arg0, %dma_start3A_4, %dma_start3A_5] : memref<2x10000x64xbf16, #tpu.memory_space<hbm>> -> memref<1x10000x64xbf16, #tpu.memory_space<hbm>>
    %dma_start3A_7 = tpu.memref_squeeze %dma_start3A_6 : memref<1x10000x64xbf16, #tpu.memory_space<hbm>> -> memref<10000x64xbf16, #tpu.memory_space<hbm>>
    %dma_start3A_8 = arith.constant 0 : i32
    %dma_start3A_9 = arith.constant 0 : i32
    %dma_start3A_10 = tpu.memref_slice %dma_start3A_7[%dma_start3A_8, %dma_start3A_9] : memref<10000x64xbf16, #tpu.memory_space<hbm>> -> memref<10000x64xbf16, #tpu.memory_space<hbm>>
    tpu.enqueue_indirect_dma source(%dma_start3A_10 : memref<10000x64xbf16, #tpu.memory_space<hbm>>) target(%arg9 : memref<128x64xbf16, #tpu.memory_space<vmem>>) offsets(%dma_start3A_3 : memref<128xi32, #tpu.memory_space<vmem>>) semaphore(%arg16 : memref<!tpu.dma_semaphore, #tpu.memory_space<semaphore_mem>>)
    %dma_start3A_11 = arith.constant 1 : i32
    %dma_start3A_12 = arith.constant 0 : i32
    %dma_start3A_13 = tpu.memref_slice %arg7[%dma_start3A_11, %dma_start3A_12] : memref<162x128xi32, #tpu.memory_space<vmem>> -> memref<1x128xi32, #tpu.memory_space<vmem>>
    %dma_start3A_14 = tpu.memref_squeeze %dma_start3A_13 : memref<1x128xi32, #tpu.memory_space<vmem>> -> memref<128xi32, #tpu.memory_space<vmem>>
    %dma_start3A_15 = arith.constant 0 : i32
    %dma_start3A_16 = arith.constant 0 : i32
    %dma_start3A_17 = tpu.memref_slice %arg2[%arg0, %dma_start3A_15, %dma_start3A_16] : memref<2x10000x64xbf16, #tpu.memory_space<hbm>> -> memref<1x10000x64xbf16, #tpu.memory_space<hbm>>
    %dma_start3A_18 = tpu.memref_squeeze %dma_start3A_17 : memref<1x10000x64xbf16, #tpu.memory_space<hbm>> -> memref<10000x64xbf16, #tpu.memory_space<hbm>>
    %dma_start3A_19 = arith.constant 0 : i32
    %dma_start3A_20 = arith.constant 0 : i32
    %dma_start3A_21 = tpu.memref_slice %dma_start3A_18[%dma_start3A_19, %dma_start3A_20] : memref<10000x64xbf16, #tpu.memory_space<hbm>> -> memref<10000x64xbf16, #tpu.memory_space<hbm>>
    tpu.enqueue_indirect_dma source(%dma_start3A_21 : memref<10000x64xbf16, #tpu.memory_space<hbm>>) target(%arg10 : memref<128x64xbf16, #tpu.memory_space<vmem>>) offsets(%dma_start3A_14 : memref<128xi32, #tpu.memory_space<vmem>>) semaphore(%arg17 : memref<!tpu.dma_semaphore, #tpu.memory_space<semaphore_mem>>)
    %dma_start3A_22 = arith.constant 2 : i32
    %dma_start3A_23 = arith.constant 0 : i32
    %dma_start3A_24 = tpu.memref_slice %arg7[%dma_start3A_22, %dma_start3A_23] : memref<162x128xi32, #tpu.memory_space<vmem>> -> memref<1x128xi32, #tpu.memory_space<vmem>>
    %dma_start3A_25 = tpu.memref_squeeze %dma_start3A_24 : memref<1x128xi32, #tpu.memory_space<vmem>> -> memref<128xi32, #tpu.memory_space<vmem>>
    %dma_start3A_26 = arith.constant 0 : i32
    %dma_start3A_27 = arith.constant 0 : i32
    %dma_start3A_28 = tpu.memref_slice %arg2[%arg0, %dma_start3A_26, %dma_start3A_27] : memref<2x10000x64xbf16, #tpu.memory_space<hbm>> -> memref<1x10000x64xbf16, #tpu.memory_space<hbm>>
    %dma_start3A_29 = tpu.memref_squeeze %dma_start3A_28 : memref<1x10000x64xbf16, #tpu.memory_space<hbm>> -> memref<10000x64xbf16, #tpu.memory_space<hbm>>
    %dma_start3A_30 = arith.constant 0 : i32
    %dma_start3A_31 = arith.constant 0 : i32
    %dma_start3A_32 = tpu.memref_slice %dma_start3A_29[%dma_start3A_30, %dma_start3A_31] : memref<10000x64xbf16, #tpu.memory_space<hbm>> -> memref<10000x64xbf16, #tpu.memory_space<hbm>>
    tpu.enqueue_indirect_dma source(%dma_start3A_32 : memref<10000x64xbf16, #tpu.memory_space<hbm>>) target(%arg11 : memref<128x64xbf16, #tpu.memory_space<vmem>>) offsets(%dma_start3A_25 : memref<128xi32, #tpu.memory_space<vmem>>) semaphore(%arg18 : memref<!tpu.dma_semaphore, #tpu.memory_space<semaphore_mem>>)
    %dma_start3A_33 = arith.constant 3 : i32
    %dma_start3A_34 = arith.constant 0 : i32
    %dma_start3A_35 = tpu.memref_slice %arg7[%dma_start3A_33, %dma_start3A_34] : memref<162x128xi32, #tpu.memory_space<vmem>> -> memref<1x128xi32, #tpu.memory_space<vmem>>
    %dma_start3A_36 = tpu.memref_squeeze %dma_start3A_35 : memref<1x128xi32, #tpu.memory_space<vmem>> -> memref<128xi32, #tpu.memory_space<vmem>>
    %dma_start3A_37 = arith.constant 0 : i32
    %dma_start3A_38 = arith.constant 0 : i32
    %dma_start3A_39 = tpu.memref_slice %arg2[%arg0, %dma_start3A_37, %dma_start3A_38] : memref<2x10000x64xbf16, #tpu.memory_space<hbm>> -> memref<1x10000x64xbf16, #tpu.memory_space<hbm>>
    %dma_start3A_40 = tpu.memref_squeeze %dma_start3A_39 : memref<1x10000x64xbf16, #tpu.memory_space<hbm>> -> memref<10000x64xbf16, #tpu.memory_space<hbm>>
    %dma_start3A_41 = arith.constant 0 : i32
    %dma_start3A_42 = arith.constant 0 : i32
    %dma_start3A_43 = tpu.memref_slice %dma_start3A_40[%dma_start3A_41, %dma_start3A_42] : memref<10000x64xbf16, #tpu.memory_space<hbm>> -> memref<10000x64xbf16, #tpu.memory_space<hbm>>
    tpu.enqueue_indirect_dma source(%dma_start3A_43 : memref<10000x64xbf16, #tpu.memory_space<hbm>>) target(%arg12 : memref<128x64xbf16, #tpu.memory_space<vmem>>) offsets(%dma_start3A_36 : memref<128xi32, #tpu.memory_space<vmem>>) semaphore(%arg19 : memref<!tpu.dma_semaphore, #tpu.memory_space<semaphore_mem>>)
    %dma_start3A_44 = arith.constant 4 : i32
    %dma_start3A_45 = arith.constant 0 : i32
    %dma_start3A_46 = tpu.memref_slice %arg7[%dma_start3A_44, %dma_start3A_45] : memref<162x128xi32, #tpu.memory_space<vmem>> -> memref<1x128xi32, #tpu.memory_space<vmem>>
    %dma_start3A_47 = tpu.memref_squeeze %dma_start3A_46 : memref<1x128xi32, #tpu.memory_space<vmem>> -> memref<128xi32, #tpu.memory_space<vmem>>
    %dma_start3A_48 = arith.constant 0 : i32
    %dma_start3A_49 = arith.constant 0 : i32
    %dma_start3A_50 = tpu.memref_slice %arg2[%arg0, %dma_start3A_48, %dma_start3A_49] : memref<2x10000x64xbf16, #tpu.memory_space<hbm>> -> memref<1x10000x64xbf16, #tpu.memory_space<hbm>>
    %dma_start3A_51 = tpu.memref_squeeze %dma_start3A_50 : memref<1x10000x64xbf16, #tpu.memory_space<hbm>> -> memref<10000x64xbf16, #tpu.memory_space<hbm>>
    %dma_start3A_52 = arith.constant 0 : i32
    %dma_start3A_53 = arith.constant 0 : i32
    %dma_start3A_54 = tpu.memref_slice %dma_start3A_51[%dma_start3A_52, %dma_start3A_53] : memref<10000x64xbf16, #tpu.memory_space<hbm>> -> memref<10000x64xbf16, #tpu.memory_space<hbm>>
    tpu.enqueue_indirect_dma source(%dma_start3A_54 : memref<10000x64xbf16, #tpu.memory_space<hbm>>) target(%arg13 : memref<128x64xbf16, #tpu.memory_space<vmem>>) offsets(%dma_start3A_47 : memref<128xi32, #tpu.memory_space<vmem>>) semaphore(%arg20 : memref<!tpu.dma_semaphore, #tpu.memory_space<semaphore_mem>>)
    %dma_start3A_55 = arith.constant 5 : i32
    %dma_start3A_56 = arith.constant 0 : i32
    %dma_start3A_57 = tpu.memref_slice %arg7[%dma_start3A_55, %dma_start3A_56] : memref<162x128xi32, #tpu.memory_space<vmem>> -> memref<1x128xi32, #tpu.memory_space<vmem>>
    %dma_start3A_58 = tpu.memref_squeeze %dma_start3A_57 : memref<1x128xi32, #tpu.memory_space<vmem>> -> memref<128xi32, #tpu.memory_space<vmem>>
    %dma_start3A_59 = arith.constant 0 : i32
    %dma_start3A_60 = arith.constant 0 : i32
    %dma_start3A_61 = tpu.memref_slice %arg2[%arg0, %dma_start3A_59, %dma_start3A_60] : memref<2x10000x64xbf16, #tpu.memory_space<hbm>> -> memref<1x10000x64xbf16, #tpu.memory_space<hbm>>
    %dma_start3A_62 = tpu.memref_squeeze %dma_start3A_61 : memref<1x10000x64xbf16, #tpu.memory_space<hbm>> -> memref<10000x64xbf16, #tpu.memory_space<hbm>>
    %dma_start3A_63 = arith.constant 0 : i32
    %dma_start3A_64 = arith.constant 0 : i32
    %dma_start3A_65 = tpu.memref_slice %dma_start3A_62[%dma_start3A_63, %dma_start3A_64] : memref<10000x64xbf16, #tpu.memory_space<hbm>> -> memref<10000x64xbf16, #tpu.memory_space<hbm>>
    tpu.enqueue_indirect_dma source(%dma_start3A_65 : memref<10000x64xbf16, #tpu.memory_space<hbm>>) target(%arg14 : memref<128x64xbf16, #tpu.memory_space<vmem>>) offsets(%dma_start3A_58 : memref<128xi32, #tpu.memory_space<vmem>>) semaphore(%arg21 : memref<!tpu.dma_semaphore, #tpu.memory_space<semaphore_mem>>)
    %scan3A = arith.constant 0 : i32
    %scan3A_66 = arith.constant 0 : i32
    %scan3A_67 = arith.constant 27 : i32
    %scan3A_68 = arith.addi %scan3A_66, %scan3A_67 : i32
    %scan3A_69 = arith.constant 1 : i32
    scf.for %scan3A_76 = %scan3A_66 to %scan3A_68 step %scan3A_69  : i32 {
      %mul3A_77 = arith.constant 6 : i32
      %mul3A_78 = arith.muli %scan3A_76, %mul3A_77 : i32
      %add3A = arith.constant 0 : i32
      %add3A_79 = arith.addi %mul3A_78, %add3A : i32
      %dma_wait3A = arith.constant 0 : i32
      %dma_wait3A_80 = tpu.memref_slice %arg7[%add3A_79, %dma_wait3A] : memref<162x128xi32, #tpu.memory_space<vmem>> -> memref<1x128xi32, #tpu.memory_space<vmem>>
      %dma_wait3A_81 = tpu.memref_squeeze %dma_wait3A_80 : memref<1x128xi32, #tpu.memory_space<vmem>> -> memref<128xi32, #tpu.memory_space<vmem>>
      %dma_wait3A_82 = arith.constant 0 : i32
      %dma_wait3A_83 = arith.constant 0 : i32
      %dma_wait3A_84 = tpu.memref_slice %arg2[%arg0, %dma_wait3A_82, %dma_wait3A_83] : memref<2x10000x64xbf16, #tpu.memory_space<hbm>> -> memref<1x10000x64xbf16, #tpu.memory_space<hbm>>
      %dma_wait3A_85 = tpu.memref_squeeze %dma_wait3A_84 : memref<1x10000x64xbf16, #tpu.memory_space<hbm>> -> memref<10000x64xbf16, #tpu.memory_space<hbm>>
      %dma_wait3A_86 = arith.constant 0 : i32
      %dma_wait3A_87 = arith.constant 0 : i32
      %dma_wait3A_88 = tpu.memref_slice %dma_wait3A_85[%dma_wait3A_86, %dma_wait3A_87] : memref<10000x64xbf16, #tpu.memory_space<hbm>> -> memref<10000x64xbf16, #tpu.memory_space<hbm>>
      tpu.wait_indirect_dma semaphore(%arg16 : memref<!tpu.dma_semaphore, #tpu.memory_space<semaphore_mem>>) src(%dma_wait3A_88 : memref<10000x64xbf16, #tpu.memory_space<hbm>>) dst(%arg9 : memref<128x64xbf16, #tpu.memory_space<vmem>>)
      "tpu.region"() ({
        %run_scoped3A = tpu.sem_alloc : memref<!tpu.dma_semaphore, #tpu.memory_space<semaphore_mem>>
        %dma_start3A_198 = arith.constant 0 : i32
        %dma_start3A_199 = tpu.memref_slice %arg8[%add3A_79, %dma_start3A_198] : memref<162x128xi32, #tpu.memory_space<vmem>> -> memref<1x128xi32, #tpu.memory_space<vmem>>
        %dma_start3A_200 = tpu.memref_squeeze %dma_start3A_199 : memref<1x128xi32, #tpu.memory_space<vmem>> -> memref<128xi32, #tpu.memory_space<vmem>>
        %dma_start3A_201 = arith.constant 0 : i32
        %dma_start3A_202 = arith.constant 0 : i32
        %dma_start3A_203 = tpu.memref_slice %arg15[%dma_start3A_201, %dma_start3A_202] : memref<10240x64xbf16, #tpu.memory_space<vmem_shared>> -> memref<10240x64xbf16, #tpu.memory_space<vmem_shared>>
        tpu.enqueue_indirect_dma source(%arg9 : memref<128x64xbf16, #tpu.memory_space<vmem>>) target(%dma_start3A_203 : memref<10240x64xbf16, #tpu.memory_space<vmem_shared>>) offsets(%dma_start3A_200 : memref<128xi32, #tpu.memory_space<vmem>>) semaphore(%run_scoped3A : memref<!tpu.dma_semaphore, #tpu.memory_space<semaphore_mem>>) {add = true}
        %dma_wait3A_204 = arith.constant 0 : i32
        %dma_wait3A_205 = tpu.memref_slice %arg8[%add3A_79, %dma_wait3A_204] : memref<162x128xi32, #tpu.memory_space<vmem>> -> memref<1x128xi32, #tpu.memory_space<vmem>>
        %dma_wait3A_206 = tpu.memref_squeeze %dma_wait3A_205 : memref<1x128xi32, #tpu.memory_space<vmem>> -> memref<128xi32, #tpu.memory_space<vmem>>
        %dma_wait3A_207 = arith.constant 0 : i32
        %dma_wait3A_208 = arith.constant 0 : i32
        %dma_wait3A_209 = tpu.memref_slice %arg15[%dma_wait3A_207, %dma_wait3A_208] : memref<10240x64xbf16, #tpu.memory_space<vmem_shared>> -> memref<10240x64xbf16, #tpu.memory_space<vmem_shared>>
        tpu.wait_indirect_dma semaphore(%run_scoped3A : memref<!tpu.dma_semaphore, #tpu.memory_space<semaphore_mem>>) src(%arg9 : memref<128x64xbf16, #tpu.memory_space<vmem>>) dst(%dma_wait3A_209 : memref<10240x64xbf16, #tpu.memory_space<vmem_shared>>)
        tpu.yield
      }) : () -> ()
      %add3A_89 = arith.constant 6 : i32
      %add3A_90 = arith.addi %add3A_79, %add3A_89 : i32
      %lt3A = arith.constant 162 : i32
      %lt3A_91 = arith.cmpi slt, %add3A_90, %lt3A : i32
      %convert_element_type3A = arith.extui %lt3A_91 : i1 to i32
      %cond3A = arith.constant 0 : i32
      %cond3A_92 = arith.cmpi ne, %convert_element_type3A, %cond3A : i32
      scf.if %cond3A_92 {
        %add3A_198 = arith.constant 6 : i32
        %add3A_199 = arith.addi %add3A_79, %add3A_198 : i32
        %dma_start3A_200 = arith.constant 0 : i32
        %dma_start3A_201 = tpu.memref_slice %arg7[%add3A_199, %dma_start3A_200] : memref<162x128xi32, #tpu.memory_space<vmem>> -> memref<1x128xi32, #tpu.memory_space<vmem>>
        %dma_start3A_202 = tpu.memref_squeeze %dma_start3A_201 : memref<1x128xi32, #tpu.memory_space<vmem>> -> memref<128xi32, #tpu.memory_space<vmem>>
        %dma_start3A_203 = arith.constant 0 : i32
        %dma_start3A_204 = arith.constant 0 : i32
        %dma_start3A_205 = tpu.memref_slice %arg2[%arg0, %dma_start3A_203, %dma_start3A_204] : memref<2x10000x64xbf16, #tpu.memory_space<hbm>> -> memref<1x10000x64xbf16, #tpu.memory_space<hbm>>
        %dma_start3A_206 = tpu.memref_squeeze %dma_start3A_205 : memref<1x10000x64xbf16, #tpu.memory_space<hbm>> -> memref<10000x64xbf16, #tpu.memory_space<hbm>>
        %dma_start3A_207 = arith.constant 0 : i32
        %dma_start3A_208 = arith.constant 0 : i32
        %dma_start3A_209 = tpu.memref_slice %dma_start3A_206[%dma_start3A_207, %dma_start3A_208] : memref<10000x64xbf16, #tpu.memory_space<hbm>> -> memref<10000x64xbf16, #tpu.memory_space<hbm>>
        tpu.enqueue_indirect_dma source(%dma_start3A_209 : memref<10000x64xbf16, #tpu.memory_space<hbm>>) target(%arg9 : memref<128x64xbf16, #tpu.memory_space<vmem>>) offsets(%dma_start3A_202 : memref<128xi32, #tpu.memory_space<vmem>>) semaphore(%arg16 : memref<!tpu.dma_semaphore, #tpu.memory_space<semaphore_mem>>)
      } else {
      }
      %mul3A_93 = arith.constant 6 : i32
      %mul3A_94 = arith.muli %scan3A_76, %mul3A_93 : i32
      %add3A_95 = arith.constant 1 : i32
      %add3A_96 = arith.addi %mul3A_94, %add3A_95 : i32
      %dma_wait3A_97 = arith.constant 0 : i32
      %dma_wait3A_98 = tpu.memref_slice %arg7[%add3A_96, %dma_wait3A_97] : memref<162x128xi32, #tpu.memory_space<vmem>> -> memref<1x128xi32, #tpu.memory_space<vmem>>
      %dma_wait3A_99 = tpu.memref_squeeze %dma_wait3A_98 : memref<1x128xi32, #tpu.memory_space<vmem>> -> memref<128xi32, #tpu.memory_space<vmem>>
      %dma_wait3A_100 = arith.constant 0 : i32
      %dma_wait3A_101 = arith.constant 0 : i32
      %dma_wait3A_102 = tpu.memref_slice %arg2[%arg0, %dma_wait3A_100, %dma_wait3A_101] : memref<2x10000x64xbf16, #tpu.memory_space<hbm>> -> memref<1x10000x64xbf16, #tpu.memory_space<hbm>>
      %dma_wait3A_103 = tpu.memref_squeeze %dma_wait3A_102 : memref<1x10000x64xbf16, #tpu.memory_space<hbm>> -> memref<10000x64xbf16, #tpu.memory_space<hbm>>
      %dma_wait3A_104 = arith.constant 0 : i32
      %dma_wait3A_105 = arith.constant 0 : i32
      %dma_wait3A_106 = tpu.memref_slice %dma_wait3A_103[%dma_wait3A_104, %dma_wait3A_105] : memref<10000x64xbf16, #tpu.memory_space<hbm>> -> memref<10000x64xbf16, #tpu.memory_space<hbm>>
      tpu.wait_indirect_dma semaphore(%arg17 : memref<!tpu.dma_semaphore, #tpu.memory_space<semaphore_mem>>) src(%dma_wait3A_106 : memref<10000x64xbf16, #tpu.memory_space<hbm>>) dst(%arg10 : memref<128x64xbf16, #tpu.memory_space<vmem>>)
      "tpu.region"() ({
        %run_scoped3A = tpu.sem_alloc : memref<!tpu.dma_semaphore, #tpu.memory_space<semaphore_mem>>
        %dma_start3A_198 = arith.constant 0 : i32
        %dma_start3A_199 = tpu.memref_slice %arg8[%add3A_96, %dma_start3A_198] : memref<162x128xi32, #tpu.memory_space<vmem>> -> memref<1x128xi32, #tpu.memory_space<vmem>>
        %dma_start3A_200 = tpu.memref_squeeze %dma_start3A_199 : memref<1x128xi32, #tpu.memory_space<vmem>> -> memref<128xi32, #tpu.memory_space<vmem>>
        %dma_start3A_201 = arith.constant 0 : i32
        %dma_start3A_202 = arith.constant 0 : i32
        %dma_start3A_203 = tpu.memref_slice %arg15[%dma_start3A_201, %dma_start3A_202] : memref<10240x64xbf16, #tpu.memory_space<vmem_shared>> -> memref<10240x64xbf16, #tpu.memory_space<vmem_shared>>
        tpu.enqueue_indirect_dma source(%arg10 : memref<128x64xbf16, #tpu.memory_space<vmem>>) target(%dma_start3A_203 : memref<10240x64xbf16, #tpu.memory_space<vmem_shared>>) offsets(%dma_start3A_200 : memref<128xi32, #tpu.memory_space<vmem>>) semaphore(%run_scoped3A : memref<!tpu.dma_semaphore, #tpu.memory_space<semaphore_mem>>) {add = true}
        %dma_wait3A_204 = arith.constant 0 : i32
        %dma_wait3A_205 = tpu.memref_slice %arg8[%add3A_96, %dma_wait3A_204] : memref<162x128xi32, #tpu.memory_space<vmem>> -> memref<1x128xi32, #tpu.memory_space<vmem>>
        %dma_wait3A_206 = tpu.memref_squeeze %dma_wait3A_205 : memref<1x128xi32, #tpu.memory_space<vmem>> -> memref<128xi32, #tpu.memory_space<vmem>>
        %dma_wait3A_207 = arith.constant 0 : i32
        %dma_wait3A_208 = arith.constant 0 : i32
        %dma_wait3A_209 = tpu.memref_slice %arg15[%dma_wait3A_207, %dma_wait3A_208] : memref<10240x64xbf16, #tpu.memory_space<vmem_shared>> -> memref<10240x64xbf16, #tpu.memory_space<vmem_shared>>
        tpu.wait_indirect_dma semaphore(%run_scoped3A : memref<!tpu.dma_semaphore, #tpu.memory_space<semaphore_mem>>) src(%arg10 : memref<128x64xbf16, #tpu.memory_space<vmem>>) dst(%dma_wait3A_209 : memref<10240x64xbf16, #tpu.memory_space<vmem_shared>>)
        tpu.yield
      }) : () -> ()
      %add3A_107 = arith.constant 6 : i32
      %add3A_108 = arith.addi %add3A_96, %add3A_107 : i32
      %lt3A_109 = arith.constant 162 : i32
      %lt3A_110 = arith.cmpi slt, %add3A_108, %lt3A_109 : i32
      %convert_element_type3A_111 = arith.extui %lt3A_110 : i1 to i32
      %cond3A_112 = arith.constant 0 : i32
      %cond3A_113 = arith.cmpi ne, %convert_element_type3A_111, %cond3A_112 : i32
      scf.if %cond3A_113 {
        %add3A_198 = arith.constant 6 : i32
        %add3A_199 = arith.addi %add3A_96, %add3A_198 : i32
        %dma_start3A_200 = arith.constant 0 : i32
        %dma_start3A_201 = tpu.memref_slice %arg7[%add3A_199, %dma_start3A_200] : memref<162x128xi32, #tpu.memory_space<vmem>> -> memref<1x128xi32, #tpu.memory_space<vmem>>
        %dma_start3A_202 = tpu.memref_squeeze %dma_start3A_201 : memref<1x128xi32, #tpu.memory_space<vmem>> -> memref<128xi32, #tpu.memory_space<vmem>>
        %dma_start3A_203 = arith.constant 0 : i32
        %dma_start3A_204 = arith.constant 0 : i32
        %dma_start3A_205 = tpu.memref_slice %arg2[%arg0, %dma_start3A_203, %dma_start3A_204] : memref<2x10000x64xbf16, #tpu.memory_space<hbm>> -> memref<1x10000x64xbf16, #tpu.memory_space<hbm>>
        %dma_start3A_206 = tpu.memref_squeeze %dma_start3A_205 : memref<1x10000x64xbf16, #tpu.memory_space<hbm>> -> memref<10000x64xbf16, #tpu.memory_space<hbm>>
        %dma_start3A_207 = arith.constant 0 : i32
        %dma_start3A_208 = arith.constant 0 : i32
        %dma_start3A_209 = tpu.memref_slice %dma_start3A_206[%dma_start3A_207, %dma_start3A_208] : memref<10000x64xbf16, #tpu.memory_space<hbm>> -> memref<10000x64xbf16, #tpu.memory_space<hbm>>
        tpu.enqueue_indirect_dma source(%dma_start3A_209 : memref<10000x64xbf16, #tpu.memory_space<hbm>>) target(%arg10 : memref<128x64xbf16, #tpu.memory_space<vmem>>) offsets(%dma_start3A_202 : memref<128xi32, #tpu.memory_space<vmem>>) semaphore(%arg17 : memref<!tpu.dma_semaphore, #tpu.memory_space<semaphore_mem>>)
      } else {
      }
      %mul3A_114 = arith.constant 6 : i32
      %mul3A_115 = arith.muli %scan3A_76, %mul3A_114 : i32
      %add3A_116 = arith.constant 2 : i32
      %add3A_117 = arith.addi %mul3A_115, %add3A_116 : i32
      %dma_wait3A_118 = arith.constant 0 : i32
      %dma_wait3A_119 = tpu.memref_slice %arg7[%add3A_117, %dma_wait3A_118] : memref<162x128xi32, #tpu.memory_space<vmem>> -> memref<1x128xi32, #tpu.memory_space<vmem>>
      %dma_wait3A_120 = tpu.memref_squeeze %dma_wait3A_119 : memref<1x128xi32, #tpu.memory_space<vmem>> -> memref<128xi32, #tpu.memory_space<vmem>>
      %dma_wait3A_121 = arith.constant 0 : i32
      %dma_wait3A_122 = arith.constant 0 : i32
      %dma_wait3A_123 = tpu.memref_slice %arg2[%arg0, %dma_wait3A_121, %dma_wait3A_122] : memref<2x10000x64xbf16, #tpu.memory_space<hbm>> -> memref<1x10000x64xbf16, #tpu.memory_space<hbm>>
      %dma_wait3A_124 = tpu.memref_squeeze %dma_wait3A_123 : memref<1x10000x64xbf16, #tpu.memory_space<hbm>> -> memref<10000x64xbf16, #tpu.memory_space<hbm>>
      %dma_wait3A_125 = arith.constant 0 : i32
      %dma_wait3A_126 = arith.constant 0 : i32
      %dma_wait3A_127 = tpu.memref_slice %dma_wait3A_124[%dma_wait3A_125, %dma_wait3A_126] : memref<10000x64xbf16, #tpu.memory_space<hbm>> -> memref<10000x64xbf16, #tpu.memory_space<hbm>>
      tpu.wait_indirect_dma semaphore(%arg18 : memref<!tpu.dma_semaphore, #tpu.memory_space<semaphore_mem>>) src(%dma_wait3A_127 : memref<10000x64xbf16, #tpu.memory_space<hbm>>) dst(%arg11 : memref<128x64xbf16, #tpu.memory_space<vmem>>)
      "tpu.region"() ({
        %run_scoped3A = tpu.sem_alloc : memref<!tpu.dma_semaphore, #tpu.memory_space<semaphore_mem>>
        %dma_start3A_198 = arith.constant 0 : i32
        %dma_start3A_199 = tpu.memref_slice %arg8[%add3A_117, %dma_start3A_198] : memref<162x128xi32, #tpu.memory_space<vmem>> -> memref<1x128xi32, #tpu.memory_space<vmem>>
        %dma_start3A_200 = tpu.memref_squeeze %dma_start3A_199 : memref<1x128xi32, #tpu.memory_space<vmem>> -> memref<128xi32, #tpu.memory_space<vmem>>
        %dma_start3A_201 = arith.constant 0 : i32
        %dma_start3A_202 = arith.constant 0 : i32
        %dma_start3A_203 = tpu.memref_slice %arg15[%dma_start3A_201, %dma_start3A_202] : memref<10240x64xbf16, #tpu.memory_space<vmem_shared>> -> memref<10240x64xbf16, #tpu.memory_space<vmem_shared>>
        tpu.enqueue_indirect_dma source(%arg11 : memref<128x64xbf16, #tpu.memory_space<vmem>>) target(%dma_start3A_203 : memref<10240x64xbf16, #tpu.memory_space<vmem_shared>>) offsets(%dma_start3A_200 : memref<128xi32, #tpu.memory_space<vmem>>) semaphore(%run_scoped3A : memref<!tpu.dma_semaphore, #tpu.memory_space<semaphore_mem>>) {add = true}
        %dma_wait3A_204 = arith.constant 0 : i32
        %dma_wait3A_205 = tpu.memref_slice %arg8[%add3A_117, %dma_wait3A_204] : memref<162x128xi32, #tpu.memory_space<vmem>> -> memref<1x128xi32, #tpu.memory_space<vmem>>
        %dma_wait3A_206 = tpu.memref_squeeze %dma_wait3A_205 : memref<1x128xi32, #tpu.memory_space<vmem>> -> memref<128xi32, #tpu.memory_space<vmem>>
        %dma_wait3A_207 = arith.constant 0 : i32
        %dma_wait3A_208 = arith.constant 0 : i32
        %dma_wait3A_209 = tpu.memref_slice %arg15[%dma_wait3A_207, %dma_wait3A_208] : memref<10240x64xbf16, #tpu.memory_space<vmem_shared>> -> memref<10240x64xbf16, #tpu.memory_space<vmem_shared>>
        tpu.wait_indirect_dma semaphore(%run_scoped3A : memref<!tpu.dma_semaphore, #tpu.memory_space<semaphore_mem>>) src(%arg11 : memref<128x64xbf16, #tpu.memory_space<vmem>>) dst(%dma_wait3A_209 : memref<10240x64xbf16, #tpu.memory_space<vmem_shared>>)
        tpu.yield
      }) : () -> ()
      %add3A_128 = arith.constant 6 : i32
      %add3A_129 = arith.addi %add3A_117, %add3A_128 : i32
      %lt3A_130 = arith.constant 162 : i32
      %lt3A_131 = arith.cmpi slt, %add3A_129, %lt3A_130 : i32
      %convert_element_type3A_132 = arith.extui %lt3A_131 : i1 to i32
      %cond3A_133 = arith.constant 0 : i32
      %cond3A_134 = arith.cmpi ne, %convert_element_type3A_132, %cond3A_133 : i32
      scf.if %cond3A_134 {
        %add3A_198 = arith.constant 6 : i32
        %add3A_199 = arith.addi %add3A_117, %add3A_198 : i32
        %dma_start3A_200 = arith.constant 0 : i32
        %dma_start3A_201 = tpu.memref_slice %arg7[%add3A_199, %dma_start3A_200] : memref<162x128xi32, #tpu.memory_space<vmem>> -> memref<1x128xi32, #tpu.memory_space<vmem>>
        %dma_start3A_202 = tpu.memref_squeeze %dma_start3A_201 : memref<1x128xi32, #tpu.memory_space<vmem>> -> memref<128xi32, #tpu.memory_space<vmem>>
        %dma_start3A_203 = arith.constant 0 : i32
        %dma_start3A_204 = arith.constant 0 : i32
        %dma_start3A_205 = tpu.memref_slice %arg2[%arg0, %dma_start3A_203, %dma_start3A_204] : memref<2x10000x64xbf16, #tpu.memory_space<hbm>> -> memref<1x10000x64xbf16, #tpu.memory_space<hbm>>
        %dma_start3A_206 = tpu.memref_squeeze %dma_start3A_205 : memref<1x10000x64xbf16, #tpu.memory_space<hbm>> -> memref<10000x64xbf16, #tpu.memory_space<hbm>>
        %dma_start3A_207 = arith.constant 0 : i32
        %dma_start3A_208 = arith.constant 0 : i32
        %dma_start3A_209 = tpu.memref_slice %dma_start3A_206[%dma_start3A_207, %dma_start3A_208] : memref<10000x64xbf16, #tpu.memory_space<hbm>> -> memref<10000x64xbf16, #tpu.memory_space<hbm>>
        tpu.enqueue_indirect_dma source(%dma_start3A_209 : memref<10000x64xbf16, #tpu.memory_space<hbm>>) target(%arg11 : memref<128x64xbf16, #tpu.memory_space<vmem>>) offsets(%dma_start3A_202 : memref<128xi32, #tpu.memory_space<vmem>>) semaphore(%arg18 : memref<!tpu.dma_semaphore, #tpu.memory_space<semaphore_mem>>)
      } else {
      }
      %mul3A_135 = arith.constant 6 : i32
      %mul3A_136 = arith.muli %scan3A_76, %mul3A_135 : i32
      %add3A_137 = arith.constant 3 : i32
      %add3A_138 = arith.addi %mul3A_136, %add3A_137 : i32
      %dma_wait3A_139 = arith.constant 0 : i32
      %dma_wait3A_140 = tpu.memref_slice %arg7[%add3A_138, %dma_wait3A_139] : memref<162x128xi32, #tpu.memory_space<vmem>> -> memref<1x128xi32, #tpu.memory_space<vmem>>
      %dma_wait3A_141 = tpu.memref_squeeze %dma_wait3A_140 : memref<1x128xi32, #tpu.memory_space<vmem>> -> memref<128xi32, #tpu.memory_space<vmem>>
      %dma_wait3A_142 = arith.constant 0 : i32
      %dma_wait3A_143 = arith.constant 0 : i32
      %dma_wait3A_144 = tpu.memref_slice %arg2[%arg0, %dma_wait3A_142, %dma_wait3A_143] : memref<2x10000x64xbf16, #tpu.memory_space<hbm>> -> memref<1x10000x64xbf16, #tpu.memory_space<hbm>>
      %dma_wait3A_145 = tpu.memref_squeeze %dma_wait3A_144 : memref<1x10000x64xbf16, #tpu.memory_space<hbm>> -> memref<10000x64xbf16, #tpu.memory_space<hbm>>
      %dma_wait3A_146 = arith.constant 0 : i32
      %dma_wait3A_147 = arith.constant 0 : i32
      %dma_wait3A_148 = tpu.memref_slice %dma_wait3A_145[%dma_wait3A_146, %dma_wait3A_147] : memref<10000x64xbf16, #tpu.memory_space<hbm>> -> memref<10000x64xbf16, #tpu.memory_space<hbm>>
      tpu.wait_indirect_dma semaphore(%arg19 : memref<!tpu.dma_semaphore, #tpu.memory_space<semaphore_mem>>) src(%dma_wait3A_148 : memref<10000x64xbf16, #tpu.memory_space<hbm>>) dst(%arg12 : memref<128x64xbf16, #tpu.memory_space<vmem>>)
      "tpu.region"() ({
        %run_scoped3A = tpu.sem_alloc : memref<!tpu.dma_semaphore, #tpu.memory_space<semaphore_mem>>
        %dma_start3A_198 = arith.constant 0 : i32
        %dma_start3A_199 = tpu.memref_slice %arg8[%add3A_138, %dma_start3A_198] : memref<162x128xi32, #tpu.memory_space<vmem>> -> memref<1x128xi32, #tpu.memory_space<vmem>>
        %dma_start3A_200 = tpu.memref_squeeze %dma_start3A_199 : memref<1x128xi32, #tpu.memory_space<vmem>> -> memref<128xi32, #tpu.memory_space<vmem>>
        %dma_start3A_201 = arith.constant 0 : i32
        %dma_start3A_202 = arith.constant 0 : i32
        %dma_start3A_203 = tpu.memref_slice %arg15[%dma_start3A_201, %dma_start3A_202] : memref<10240x64xbf16, #tpu.memory_space<vmem_shared>> -> memref<10240x64xbf16, #tpu.memory_space<vmem_shared>>
        tpu.enqueue_indirect_dma source(%arg12 : memref<128x64xbf16, #tpu.memory_space<vmem>>) target(%dma_start3A_203 : memref<10240x64xbf16, #tpu.memory_space<vmem_shared>>) offsets(%dma_start3A_200 : memref<128xi32, #tpu.memory_space<vmem>>) semaphore(%run_scoped3A : memref<!tpu.dma_semaphore, #tpu.memory_space<semaphore_mem>>) {add = true}
        %dma_wait3A_204 = arith.constant 0 : i32
        %dma_wait3A_205 = tpu.memref_slice %arg8[%add3A_138, %dma_wait3A_204] : memref<162x128xi32, #tpu.memory_space<vmem>> -> memref<1x128xi32, #tpu.memory_space<vmem>>
        %dma_wait3A_206 = tpu.memref_squeeze %dma_wait3A_205 : memref<1x128xi32, #tpu.memory_space<vmem>> -> memref<128xi32, #tpu.memory_space<vmem>>
        %dma_wait3A_207 = arith.constant 0 : i32
        %dma_wait3A_208 = arith.constant 0 : i32
        %dma_wait3A_209 = tpu.memref_slice %arg15[%dma_wait3A_207, %dma_wait3A_208] : memref<10240x64xbf16, #tpu.memory_space<vmem_shared>> -> memref<10240x64xbf16, #tpu.memory_space<vmem_shared>>
        tpu.wait_indirect_dma semaphore(%run_scoped3A : memref<!tpu.dma_semaphore, #tpu.memory_space<semaphore_mem>>) src(%arg12 : memref<128x64xbf16, #tpu.memory_space<vmem>>) dst(%dma_wait3A_209 : memref<10240x64xbf16, #tpu.memory_space<vmem_shared>>)
        tpu.yield
      }) : () -> ()
      %add3A_149 = arith.constant 6 : i32
      %add3A_150 = arith.addi %add3A_138, %add3A_149 : i32
      %lt3A_151 = arith.constant 162 : i32
      %lt3A_152 = arith.cmpi slt, %add3A_150, %lt3A_151 : i32
      %convert_element_type3A_153 = arith.extui %lt3A_152 : i1 to i32
      %cond3A_154 = arith.constant 0 : i32
      %cond3A_155 = arith.cmpi ne, %convert_element_type3A_153, %cond3A_154 : i32
      scf.if %cond3A_155 {
        %add3A_198 = arith.constant 6 : i32
        %add3A_199 = arith.addi %add3A_138, %add3A_198 : i32
        %dma_start3A_200 = arith.constant 0 : i32
        %dma_start3A_201 = tpu.memref_slice %arg7[%add3A_199, %dma_start3A_200] : memref<162x128xi32, #tpu.memory_space<vmem>> -> memref<1x128xi32, #tpu.memory_space<vmem>>
        %dma_start3A_202 = tpu.memref_squeeze %dma_start3A_201 : memref<1x128xi32, #tpu.memory_space<vmem>> -> memref<128xi32, #tpu.memory_space<vmem>>
        %dma_start3A_203 = arith.constant 0 : i32
        %dma_start3A_204 = arith.constant 0 : i32
        %dma_start3A_205 = tpu.memref_slice %arg2[%arg0, %dma_start3A_203, %dma_start3A_204] : memref<2x10000x64xbf16, #tpu.memory_space<hbm>> -> memref<1x10000x64xbf16, #tpu.memory_space<hbm>>
        %dma_start3A_206 = tpu.memref_squeeze %dma_start3A_205 : memref<1x10000x64xbf16, #tpu.memory_space<hbm>> -> memref<10000x64xbf16, #tpu.memory_space<hbm>>
        %dma_start3A_207 = arith.constant 0 : i32
        %dma_start3A_208 = arith.constant 0 : i32
        %dma_start3A_209 = tpu.memref_slice %dma_start3A_206[%dma_start3A_207, %dma_start3A_208] : memref<10000x64xbf16, #tpu.memory_space<hbm>> -> memref<10000x64xbf16, #tpu.memory_space<hbm>>
        tpu.enqueue_indirect_dma source(%dma_start3A_209 : memref<10000x64xbf16, #tpu.memory_space<hbm>>) target(%arg12 : memref<128x64xbf16, #tpu.memory_space<vmem>>) offsets(%dma_start3A_202 : memref<128xi32, #tpu.memory_space<vmem>>) semaphore(%arg19 : memref<!tpu.dma_semaphore, #tpu.memory_space<semaphore_mem>>)
      } else {
      }
      %mul3A_156 = arith.constant 6 : i32
      %mul3A_157 = arith.muli %scan3A_76, %mul3A_156 : i32
      %add3A_158 = arith.constant 4 : i32
      %add3A_159 = arith.addi %mul3A_157, %add3A_158 : i32
      %dma_wait3A_160 = arith.constant 0 : i32
      %dma_wait3A_161 = tpu.memref_slice %arg7[%add3A_159, %dma_wait3A_160] : memref<162x128xi32, #tpu.memory_space<vmem>> -> memref<1x128xi32, #tpu.memory_space<vmem>>
      %dma_wait3A_162 = tpu.memref_squeeze %dma_wait3A_161 : memref<1x128xi32, #tpu.memory_space<vmem>> -> memref<128xi32, #tpu.memory_space<vmem>>
      %dma_wait3A_163 = arith.constant 0 : i32
      %dma_wait3A_164 = arith.constant 0 : i32
      %dma_wait3A_165 = tpu.memref_slice %arg2[%arg0, %dma_wait3A_163, %dma_wait3A_164] : memref<2x10000x64xbf16, #tpu.memory_space<hbm>> -> memref<1x10000x64xbf16, #tpu.memory_space<hbm>>
      %dma_wait3A_166 = tpu.memref_squeeze %dma_wait3A_165 : memref<1x10000x64xbf16, #tpu.memory_space<hbm>> -> memref<10000x64xbf16, #tpu.memory_space<hbm>>
      %dma_wait3A_167 = arith.constant 0 : i32
      %dma_wait3A_168 = arith.constant 0 : i32
      %dma_wait3A_169 = tpu.memref_slice %dma_wait3A_166[%dma_wait3A_167, %dma_wait3A_168] : memref<10000x64xbf16, #tpu.memory_space<hbm>> -> memref<10000x64xbf16, #tpu.memory_space<hbm>>
      tpu.wait_indirect_dma semaphore(%arg20 : memref<!tpu.dma_semaphore, #tpu.memory_space<semaphore_mem>>) src(%dma_wait3A_169 : memref<10000x64xbf16, #tpu.memory_space<hbm>>) dst(%arg13 : memref<128x64xbf16, #tpu.memory_space<vmem>>)
      "tpu.region"() ({
        %run_scoped3A = tpu.sem_alloc : memref<!tpu.dma_semaphore, #tpu.memory_space<semaphore_mem>>
        %dma_start3A_198 = arith.constant 0 : i32
        %dma_start3A_199 = tpu.memref_slice %arg8[%add3A_159, %dma_start3A_198] : memref<162x128xi32, #tpu.memory_space<vmem>> -> memref<1x128xi32, #tpu.memory_space<vmem>>
        %dma_start3A_200 = tpu.memref_squeeze %dma_start3A_199 : memref<1x128xi32, #tpu.memory_space<vmem>> -> memref<128xi32, #tpu.memory_space<vmem>>
        %dma_start3A_201 = arith.constant 0 : i32
        %dma_start3A_202 = arith.constant 0 : i32
        %dma_start3A_203 = tpu.memref_slice %arg15[%dma_start3A_201, %dma_start3A_202] : memref<10240x64xbf16, #tpu.memory_space<vmem_shared>> -> memref<10240x64xbf16, #tpu.memory_space<vmem_shared>>
        tpu.enqueue_indirect_dma source(%arg13 : memref<128x64xbf16, #tpu.memory_space<vmem>>) target(%dma_start3A_203 : memref<10240x64xbf16, #tpu.memory_space<vmem_shared>>) offsets(%dma_start3A_200 : memref<128xi32, #tpu.memory_space<vmem>>) semaphore(%run_scoped3A : memref<!tpu.dma_semaphore, #tpu.memory_space<semaphore_mem>>) {add = true}
        %dma_wait3A_204 = arith.constant 0 : i32
        %dma_wait3A_205 = tpu.memref_slice %arg8[%add3A_159, %dma_wait3A_204] : memref<162x128xi32, #tpu.memory_space<vmem>> -> memref<1x128xi32, #tpu.memory_space<vmem>>
        %dma_wait3A_206 = tpu.memref_squeeze %dma_wait3A_205 : memref<1x128xi32, #tpu.memory_space<vmem>> -> memref<128xi32, #tpu.memory_space<vmem>>
        %dma_wait3A_207 = arith.constant 0 : i32
        %dma_wait3A_208 = arith.constant 0 : i32
        %dma_wait3A_209 = tpu.memref_slice %arg15[%dma_wait3A_207, %dma_wait3A_208] : memref<10240x64xbf16, #tpu.memory_space<vmem_shared>> -> memref<10240x64xbf16, #tpu.memory_space<vmem_shared>>
        tpu.wait_indirect_dma semaphore(%run_scoped3A : memref<!tpu.dma_semaphore, #tpu.memory_space<semaphore_mem>>) src(%arg13 : memref<128x64xbf16, #tpu.memory_space<vmem>>) dst(%dma_wait3A_209 : memref<10240x64xbf16, #tpu.memory_space<vmem_shared>>)
        tpu.yield
      }) : () -> ()
      %add3A_170 = arith.constant 6 : i32
      %add3A_171 = arith.addi %add3A_159, %add3A_170 : i32
      %lt3A_172 = arith.constant 162 : i32
      %lt3A_173 = arith.cmpi slt, %add3A_171, %lt3A_172 : i32
      %convert_element_type3A_174 = arith.extui %lt3A_173 : i1 to i32
      %cond3A_175 = arith.constant 0 : i32
      %cond3A_176 = arith.cmpi ne, %convert_element_type3A_174, %cond3A_175 : i32
      scf.if %cond3A_176 {
        %add3A_198 = arith.constant 6 : i32
        %add3A_199 = arith.addi %add3A_159, %add3A_198 : i32
        %dma_start3A_200 = arith.constant 0 : i32
        %dma_start3A_201 = tpu.memref_slice %arg7[%add3A_199, %dma_start3A_200] : memref<162x128xi32, #tpu.memory_space<vmem>> -> memref<1x128xi32, #tpu.memory_space<vmem>>
        %dma_start3A_202 = tpu.memref_squeeze %dma_start3A_201 : memref<1x128xi32, #tpu.memory_space<vmem>> -> memref<128xi32, #tpu.memory_space<vmem>>
        %dma_start3A_203 = arith.constant 0 : i32
        %dma_start3A_204 = arith.constant 0 : i32
        %dma_start3A_205 = tpu.memref_slice %arg2[%arg0, %dma_start3A_203, %dma_start3A_204] : memref<2x10000x64xbf16, #tpu.memory_space<hbm>> -> memref<1x10000x64xbf16, #tpu.memory_space<hbm>>
        %dma_start3A_206 = tpu.memref_squeeze %dma_start3A_205 : memref<1x10000x64xbf16, #tpu.memory_space<hbm>> -> memref<10000x64xbf16, #tpu.memory_space<hbm>>
        %dma_start3A_207 = arith.constant 0 : i32
        %dma_start3A_208 = arith.constant 0 : i32
        %dma_start3A_209 = tpu.memref_slice %dma_start3A_206[%dma_start3A_207, %dma_start3A_208] : memref<10000x64xbf16, #tpu.memory_space<hbm>> -> memref<10000x64xbf16, #tpu.memory_space<hbm>>
        tpu.enqueue_indirect_dma source(%dma_start3A_209 : memref<10000x64xbf16, #tpu.memory_space<hbm>>) target(%arg13 : memref<128x64xbf16, #tpu.memory_space<vmem>>) offsets(%dma_start3A_202 : memref<128xi32, #tpu.memory_space<vmem>>) semaphore(%arg20 : memref<!tpu.dma_semaphore, #tpu.memory_space<semaphore_mem>>)
      } else {
      }
      %mul3A_177 = arith.constant 6 : i32
      %mul3A_178 = arith.muli %scan3A_76, %mul3A_177 : i32
      %add3A_179 = arith.constant 5 : i32
      %add3A_180 = arith.addi %mul3A_178, %add3A_179 : i32
      %dma_wait3A_181 = arith.constant 0 : i32
      %dma_wait3A_182 = tpu.memref_slice %arg7[%add3A_180, %dma_wait3A_181] : memref<162x128xi32, #tpu.memory_space<vmem>> -> memref<1x128xi32, #tpu.memory_space<vmem>>
      %dma_wait3A_183 = tpu.memref_squeeze %dma_wait3A_182 : memref<1x128xi32, #tpu.memory_space<vmem>> -> memref<128xi32, #tpu.memory_space<vmem>>
      %dma_wait3A_184 = arith.constant 0 : i32
      %dma_wait3A_185 = arith.constant 0 : i32
      %dma_wait3A_186 = tpu.memref_slice %arg2[%arg0, %dma_wait3A_184, %dma_wait3A_185] : memref<2x10000x64xbf16, #tpu.memory_space<hbm>> -> memref<1x10000x64xbf16, #tpu.memory_space<hbm>>
      %dma_wait3A_187 = tpu.memref_squeeze %dma_wait3A_186 : memref<1x10000x64xbf16, #tpu.memory_space<hbm>> -> memref<10000x64xbf16, #tpu.memory_space<hbm>>
      %dma_wait3A_188 = arith.constant 0 : i32
      %dma_wait3A_189 = arith.constant 0 : i32
      %dma_wait3A_190 = tpu.memref_slice %dma_wait3A_187[%dma_wait3A_188, %dma_wait3A_189] : memref<10000x64xbf16, #tpu.memory_space<hbm>> -> memref<10000x64xbf16, #tpu.memory_space<hbm>>
      tpu.wait_indirect_dma semaphore(%arg21 : memref<!tpu.dma_semaphore, #tpu.memory_space<semaphore_mem>>) src(%dma_wait3A_190 : memref<10000x64xbf16, #tpu.memory_space<hbm>>) dst(%arg14 : memref<128x64xbf16, #tpu.memory_space<vmem>>)
      "tpu.region"() ({
        %run_scoped3A = tpu.sem_alloc : memref<!tpu.dma_semaphore, #tpu.memory_space<semaphore_mem>>
        %dma_start3A_198 = arith.constant 0 : i32
        %dma_start3A_199 = tpu.memref_slice %arg8[%add3A_180, %dma_start3A_198] : memref<162x128xi32, #tpu.memory_space<vmem>> -> memref<1x128xi32, #tpu.memory_space<vmem>>
        %dma_start3A_200 = tpu.memref_squeeze %dma_start3A_199 : memref<1x128xi32, #tpu.memory_space<vmem>> -> memref<128xi32, #tpu.memory_space<vmem>>
        %dma_start3A_201 = arith.constant 0 : i32
        %dma_start3A_202 = arith.constant 0 : i32
        %dma_start3A_203 = tpu.memref_slice %arg15[%dma_start3A_201, %dma_start3A_202] : memref<10240x64xbf16, #tpu.memory_space<vmem_shared>> -> memref<10240x64xbf16, #tpu.memory_space<vmem_shared>>
        tpu.enqueue_indirect_dma source(%arg14 : memref<128x64xbf16, #tpu.memory_space<vmem>>) target(%dma_start3A_203 : memref<10240x64xbf16, #tpu.memory_space<vmem_shared>>) offsets(%dma_start3A_200 : memref<128xi32, #tpu.memory_space<vmem>>) semaphore(%run_scoped3A : memref<!tpu.dma_semaphore, #tpu.memory_space<semaphore_mem>>) {add = true}
        %dma_wait3A_204 = arith.constant 0 : i32
        %dma_wait3A_205 = tpu.memref_slice %arg8[%add3A_180, %dma_wait3A_204] : memref<162x128xi32, #tpu.memory_space<vmem>> -> memref<1x128xi32, #tpu.memory_space<vmem>>
        %dma_wait3A_206 = tpu.memref_squeeze %dma_wait3A_205 : memref<1x128xi32, #tpu.memory_space<vmem>> -> memref<128xi32, #tpu.memory_space<vmem>>
        %dma_wait3A_207 = arith.constant 0 : i32
        %dma_wait3A_208 = arith.constant 0 : i32
        %dma_wait3A_209 = tpu.memref_slice %arg15[%dma_wait3A_207, %dma_wait3A_208] : memref<10240x64xbf16, #tpu.memory_space<vmem_shared>> -> memref<10240x64xbf16, #tpu.memory_space<vmem_shared>>
        tpu.wait_indirect_dma semaphore(%run_scoped3A : memref<!tpu.dma_semaphore, #tpu.memory_space<semaphore_mem>>) src(%arg14 : memref<128x64xbf16, #tpu.memory_space<vmem>>) dst(%dma_wait3A_209 : memref<10240x64xbf16, #tpu.memory_space<vmem_shared>>)
        tpu.yield
      }) : () -> ()
      %add3A_191 = arith.constant 6 : i32
      %add3A_192 = arith.addi %add3A_180, %add3A_191 : i32
      %lt3A_193 = arith.constant 162 : i32
      %lt3A_194 = arith.cmpi slt, %add3A_192, %lt3A_193 : i32
      %convert_element_type3A_195 = arith.extui %lt3A_194 : i1 to i32
      %cond3A_196 = arith.constant 0 : i32
      %cond3A_197 = arith.cmpi ne, %convert_element_type3A_195, %cond3A_196 : i32
      scf.if %cond3A_197 {
        %add3A_198 = arith.constant 6 : i32
        %add3A_199 = arith.addi %add3A_180, %add3A_198 : i32
        %dma_start3A_200 = arith.constant 0 : i32
        %dma_start3A_201 = tpu.memref_slice %arg7[%add3A_199, %dma_start3A_200] : memref<162x128xi32, #tpu.memory_space<vmem>> -> memref<1x128xi32, #tpu.memory_space<vmem>>
        %dma_start3A_202 = tpu.memref_squeeze %dma_start3A_201 : memref<1x128xi32, #tpu.memory_space<vmem>> -> memref<128xi32, #tpu.memory_space<vmem>>
        %dma_start3A_203 = arith.constant 0 : i32
        %dma_start3A_204 = arith.constant 0 : i32
        %dma_start3A_205 = tpu.memref_slice %arg2[%arg0, %dma_start3A_203, %dma_start3A_204] : memref<2x10000x64xbf16, #tpu.memory_space<hbm>> -> memref<1x10000x64xbf16, #tpu.memory_space<hbm>>
        %dma_start3A_206 = tpu.memref_squeeze %dma_start3A_205 : memref<1x10000x64xbf16, #tpu.memory_space<hbm>> -> memref<10000x64xbf16, #tpu.memory_space<hbm>>
        %dma_start3A_207 = arith.constant 0 : i32
        %dma_start3A_208 = arith.constant 0 : i32
        %dma_start3A_209 = tpu.memref_slice %dma_start3A_206[%dma_start3A_207, %dma_start3A_208] : memref<10000x64xbf16, #tpu.memory_space<hbm>> -> memref<10000x64xbf16, #tpu.memory_space<hbm>>
        tpu.enqueue_indirect_dma source(%dma_start3A_209 : memref<10000x64xbf16, #tpu.memory_space<hbm>>) target(%arg14 : memref<128x64xbf16, #tpu.memory_space<vmem>>) offsets(%dma_start3A_202 : memref<128xi32, #tpu.memory_space<vmem>>) semaphore(%arg21 : memref<!tpu.dma_semaphore, #tpu.memory_space<semaphore_mem>>)
      } else {
      }
    }
    %scan3A_70 = arith.constant 27 : i32
    %barrier3A_71 = arith.constant 0 : index
    tpu.barrier barrier_id(%barrier3A_71)
    %mul3A_72 = arith.constant 640 : i32
    %mul3A_73 = arith.muli %arg1, %mul3A_72 : i32
    %mul3A_74 = arith.constant 640 : i32
    %mul3A_75 = arith.muli %arg1, %mul3A_74 : i32
    "tpu.region"() ({
      %run_scoped3A = tpu.sem_alloc : memref<!tpu.dma_semaphore, #tpu.memory_space<semaphore_mem>>
      %dma_start3A_76 = arith.constant 0 : i32
      %dma_start3A_77 = tpu.memref_slice %arg6[%arg0, %mul3A_75, %dma_start3A_76] : memref<2x10240x64xbf16, #tpu.memory_space<hbm>> -> memref<1x640x64xbf16, #tpu.memory_space<hbm>>
      %dma_start3A_78 = tpu.memref_squeeze %dma_start3A_77 : memref<1x640x64xbf16, #tpu.memory_space<hbm>> -> memref<640x64xbf16, #tpu.memory_space<hbm>>
      %dma_start3A_79 = arith.constant 0 : i32
      %dma_start3A_80 = tpu.memref_slice %arg15[%mul3A_73, %dma_start3A_79] : memref<10240x64xbf16, #tpu.memory_space<vmem_shared>> -> memref<640x64xbf16, #tpu.memory_space<vmem_shared>>
      tpu.enqueue_dma source(%dma_start3A_80 : memref<640x64xbf16, #tpu.memory_space<vmem_shared>>) target(%dma_start3A_78 : memref<640x64xbf16, #tpu.memory_space<hbm>>) target_semaphore(%run_scoped3A : memref<!tpu.dma_semaphore, #tpu.memory_space<semaphore_mem>>)
      %dma_wait3A = arith.constant 0 : i32
      %dma_wait3A_81 = tpu.memref_slice %arg6[%arg0, %mul3A_75, %dma_wait3A] : memref<2x10240x64xbf16, #tpu.memory_space<hbm>> -> memref<1x640x64xbf16, #tpu.memory_space<hbm>>
      %dma_wait3A_82 = tpu.memref_squeeze %dma_wait3A_81 : memref<1x640x64xbf16, #tpu.memory_space<hbm>> -> memref<640x64xbf16, #tpu.memory_space<hbm>>
      %dma_wait3A_83 = arith.constant 0 : i32
      %dma_wait3A_84 = tpu.memref_slice %arg15[%mul3A_73, %dma_wait3A_83] : memref<10240x64xbf16, #tpu.memory_space<vmem_shared>> -> memref<640x64xbf16, #tpu.memory_space<vmem_shared>>
      tpu.wait_dma2 semaphore(%run_scoped3A : memref<!tpu.dma_semaphore, #tpu.memory_space<semaphore_mem>>) src(%dma_wait3A_84 : memref<640x64xbf16, #tpu.memory_space<vmem_shared>>) dst(%dma_wait3A_82 : memref<640x64xbf16, #tpu.memory_space<hbm>>)
      tpu.yield
    }) : () -> ()
    return
  }
}

module attributes {stable_mosaic.version = 14 : i64} {
  func.func @_mma_body(%arg0: i32, %arg1: memref<2000x128xf32, #tpu.memory_space<vmem>>, %arg2: memref<128x128xf32, #tpu.memory_space<vmem>>, %arg3: memref<2000x128xf32, #tpu.memory_space<vmem>>) attributes {dimension_semantics = [#tpu.dimension_semantics<arbitrary>], iteration_bounds = array<i64: 5>, scalar_prefetch = 0 : i64, scratch_operands = 0 : i64, tpu.core_type = #tpu.core_type<tc>, window_params = [{transform_indices = @transform_0, window_bounds = array<i64: 2000, 128>}, {pipeline_mode = #tpu.pipeline_mode<synchronous>, transform_indices = @transform_1, window_bounds = array<i64: 128, 128>}, {transform_indices = @transform_2, window_bounds = array<i64: 2000, 128>}]} {
    %get3A = arith.constant 0 : index
    %get3A_0 = arith.constant 0 : index
    %get3A_1 = vector.load %arg1[%get3A, %get3A_0] : memref<2000x128xf32, #tpu.memory_space<vmem>>, vector<2000x128xf32>
    %get3A_2 = arith.constant 0 : index
    %get3A_3 = arith.constant 0 : index
    %get3A_4 = vector.load %arg2[%get3A_2, %get3A_3] : memref<128x128xf32, #tpu.memory_space<vmem>>, vector<128x128xf32>
    %dot_general3A = arith.constant dense<0.000000e+00> : vector<2000x128xf32>
    %dot_general3A_5 = tpu.matmul %get3A_1, %get3A_4, %dot_general3A {dimension_numbers = #tpu.dot_dimension_numbers<[1], [0], [0], [1], [0, 0, 1, 1], [], []>, transpose_lhs_hint = false} : vector<2000x128xf32>, vector<128x128xf32>, vector<2000x128xf32> -> vector<2000x128xf32>
    %swap3A = arith.constant 0 : index
    %swap3A_6 = arith.constant 0 : index
    %swap3A_7 = vector.load %arg3[%swap3A, %swap3A_6] : memref<2000x128xf32, #tpu.memory_space<vmem>>, vector<2000x128xf32>
    tpu.vector_store %arg3[%swap3A, %swap3A_6], %dot_general3A_5 {strides = array<i32>} : memref<2000x128xf32, #tpu.memory_space<vmem>>, vector<2000x128xf32>,
    return
  }
  func.func @transform_0(%arg0: i32) -> (i32, i32) {
    %c0_i32 = arith.constant 0 : i32
    %c0_i32_0 = arith.constant 0 : i32
    return %arg0, %c0_i32 : i32, i32
  }
  func.func @transform_1(%arg0: i32) -> (i32, i32) {
    %c0_i32 = arith.constant 0 : i32
    %c0_i32_0 = arith.constant 0 : i32
    %c0_i32_1 = arith.constant 0 : i32
    return %c0_i32, %c0_i32_0 : i32, i32
  }
  func.func @transform_2(%arg0: i32) -> (i32, i32) {
    %c0_i32 = arith.constant 0 : i32
    %c0_i32_0 = arith.constant 0 : i32
    return %arg0, %c0_i32 : i32, i32
  }
}

module attributes {stable_mosaic.version = 14 : i64} {
  func.func @_scale_body(%arg0: i32, %arg1: memref<2000x128xf32, #tpu.memory_space<vmem>>, %arg2: memref<2x2000x1xf32, #tpu.memory_space<vmem>>, %arg3: memref<2x2000x64xbf16, #tpu.memory_space<vmem>>) attributes {dimension_semantics = [#tpu.dimension_semantics<arbitrary>], iteration_bounds = array<i64: 5>, scalar_prefetch = 0 : i64, scratch_operands = 0 : i64, tpu.core_type = #tpu.core_type<tc>, window_params = [{transform_indices = @transform_0, window_bounds = array<i64: 2000, 128>}, {transform_indices = @transform_1, window_bounds = array<i64: 2, 2000, 1>}, {transform_indices = @transform_2, window_bounds = array<i64: 2, 2000, 64>}]} {
    %get3A = arith.constant 0 : index
    %get3A_0 = arith.constant 0 : index
    %get3A_1 = arith.constant 0 : index
    %get3A_2 = vector.load %arg2[%get3A, %get3A_0, %get3A_1] : memref<2x2000x1xf32, #tpu.memory_space<vmem>>, vector<1x2000x1xf32>
    %get3A_3 = vector.shape_cast %get3A_2 : vector<1x2000x1xf32> to vector<2000x1xf32>
    %get3A_4 = arith.constant 1 : index
    %get3A_5 = arith.constant 0 : index
    %get3A_6 = arith.constant 0 : index
    %get3A_7 = vector.load %arg2[%get3A_4, %get3A_5, %get3A_6] : memref<2x2000x1xf32, #tpu.memory_space<vmem>>, vector<1x2000x1xf32>
    %get3A_8 = vector.shape_cast %get3A_7 : vector<1x2000x1xf32> to vector<2000x1xf32>
    %add3A = arith.addf %get3A_3, %get3A_8 : vector<2000x1xf32>
    %max3A = arith.constant 1.000000e+00 : f32
    %max3A_9 = vector.broadcast %max3A : f32 to vector<2000x1xf32>
    %max3A_10 = arith.maximumf %add3A, %max3A_9 : vector<2000x1xf32>
    %rsqrt3A = math.rsqrt %max3A_10 : vector<2000x1xf32>
    %get3A_11 = arith.constant 0 : index
    %get3A_12 = arith.constant 0 : index
    %get3A_13 = vector.load %arg1[%get3A_11, %get3A_12] : memref<2000x128xf32, #tpu.memory_space<vmem>>, vector<2000x128xf32>
    %mul3A = vector.broadcast %rsqrt3A : vector<2000x1xf32> to vector<2000x128xf32>
    %mul3A_14 = arith.mulf %get3A_13, %mul3A : vector<2000x128xf32>
    %convert_element_type3A = arith.truncf %mul3A_14 : vector<2000x128xf32> to vector<2000x128xbf16>
    %slice3A = vector.extract_strided_slice %convert_element_type3A {offsets = [0, 0], sizes = [2000, 64], strides = [1, 1]} : vector<2000x128xbf16> to vector<2000x64xbf16>
    %swap3A = arith.constant 0 : index
    %swap3A_15 = arith.constant 0 : index
    %swap3A_16 = arith.constant 0 : index
    %swap3A_17 = vector.load %arg3[%swap3A, %swap3A_15, %swap3A_16] : memref<2x2000x64xbf16, #tpu.memory_space<vmem>>, vector<1x2000x64xbf16>
    %swap3A_18 = vector.shape_cast %swap3A_17 : vector<1x2000x64xbf16> to vector<2000x64xbf16>
    %swap3A_19 = vector.shape_cast %slice3A : vector<2000x64xbf16> to vector<1x2000x64xbf16>
    tpu.vector_store %arg3[%swap3A, %swap3A_15, %swap3A_16], %swap3A_19 {strides = array<i32>} : memref<2x2000x64xbf16, #tpu.memory_space<vmem>>, vector<1x2000x64xbf16>,
    %slice3A_20 = vector.extract_strided_slice %convert_element_type3A {offsets = [0, 64], sizes = [2000, 64], strides = [1, 1]} : vector<2000x128xbf16> to vector<2000x64xbf16>
    %swap3A_21 = arith.constant 1 : index
    %swap3A_22 = arith.constant 0 : index
    %swap3A_23 = arith.constant 0 : index
    %swap3A_24 = vector.load %arg3[%swap3A_21, %swap3A_22, %swap3A_23] : memref<2x2000x64xbf16, #tpu.memory_space<vmem>>, vector<1x2000x64xbf16>
    %swap3A_25 = vector.shape_cast %swap3A_24 : vector<1x2000x64xbf16> to vector<2000x64xbf16>
    %swap3A_26 = vector.shape_cast %slice3A_20 : vector<2000x64xbf16> to vector<1x2000x64xbf16>
    tpu.vector_store %arg3[%swap3A_21, %swap3A_22, %swap3A_23], %swap3A_26 {strides = array<i32>} : memref<2x2000x64xbf16, #tpu.memory_space<vmem>>, vector<1x2000x64xbf16>,
    return
  }
  func.func @transform_0(%arg0: i32) -> (i32, i32) {
    %c0_i32 = arith.constant 0 : i32
    %c0_i32_0 = arith.constant 0 : i32
    return %arg0, %c0_i32 : i32, i32
  }
  func.func @transform_1(%arg0: i32) -> (i32, i32, i32) {
    %c0_i32 = arith.constant 0 : i32
    %c0_i32_0 = arith.constant 0 : i32
    %c0_i32_1 = arith.constant 0 : i32
    return %c0_i32, %arg0, %c0_i32_0 : i32, i32, i32
  }
  func.func @transform_2(%arg0: i32) -> (i32, i32, i32) {
    %c0_i32 = arith.constant 0 : i32
    %c0_i32_0 = arith.constant 0 : i32
    %c0_i32_1 = arith.constant 0 : i32
    return %c0_i32, %arg0, %c0_i32_0 : i32, i32, i32
  }
}

module attributes {stable_mosaic.version = 14 : i64} {
  func.func @_mm2_body(%arg0: i32, %arg1: memref<2x2000x64xbf16, #tpu.memory_space<vmem>>, %arg2: memref<2x2000x1xf32, #tpu.memory_space<vmem>>, %arg3: memref<1x128xf32, #tpu.memory_space<vmem>>, %arg4: memref<128x128xf32, #tpu.memory_space<vmem>>, %arg5: memref<2x2000x64xbf16, #tpu.memory_space<vmem>>) attributes {dimension_semantics = [#tpu.dimension_semantics<arbitrary>], iteration_bounds = array<i64: 5>, scalar_prefetch = 0 : i64, scratch_operands = 0 : i64, tpu.core_type = #tpu.core_type<tc>, window_params = [{transform_indices = @transform_0, window_bounds = array<i64: 2, 2000, 64>}, {transform_indices = @transform_1, window_bounds = array<i64: 2, 2000, 1>}, {pipeline_mode = #tpu.pipeline_mode<synchronous>, transform_indices = @transform_2, window_bounds = array<i64: 1, 128>}, {pipeline_mode = #tpu.pipeline_mode<synchronous>, transform_indices = @transform_3, window_bounds = array<i64: 128, 128>}, {transform_indices = @transform_4, window_bounds = array<i64: 2, 2000, 64>}]} {
    %get3A = arith.constant 0 : index
    %get3A_0 = arith.constant 0 : index
    %get3A_1 = arith.constant 0 : index
    %get3A_2 = vector.load %arg2[%get3A, %get3A_0, %get3A_1] : memref<2x2000x1xf32, #tpu.memory_space<vmem>>, vector<1x2000x1xf32>
    %get3A_3 = vector.shape_cast %get3A_2 : vector<1x2000x1xf32> to vector<2000x1xf32>
    %get3A_4 = arith.constant 1 : index
    %get3A_5 = arith.constant 0 : index
    %get3A_6 = arith.constant 0 : index
    %get3A_7 = vector.load %arg2[%get3A_4, %get3A_5, %get3A_6] : memref<2x2000x1xf32, #tpu.memory_space<vmem>>, vector<1x2000x1xf32>
    %get3A_8 = vector.shape_cast %get3A_7 : vector<1x2000x1xf32> to vector<2000x1xf32>
    %add3A = arith.addf %get3A_3, %get3A_8 : vector<2000x1xf32>
    %max3A = arith.constant 1.000000e+00 : f32
    %max3A_9 = vector.broadcast %max3A : f32 to vector<2000x1xf32>
    %max3A_10 = arith.maximumf %add3A, %max3A_9 : vector<2000x1xf32>
    %rsqrt3A = math.rsqrt %max3A_10 : vector<2000x1xf32>
    %get3A_11 = arith.constant 0 : index
    %get3A_12 = arith.constant 0 : index
    %get3A_13 = arith.constant 0 : index
    %get3A_14 = vector.load %arg1[%get3A_11, %get3A_12, %get3A_13] : memref<2x2000x64xbf16, #tpu.memory_space<vmem>>, vector<1x2000x64xbf16>
    %get3A_15 = vector.shape_cast %get3A_14 : vector<1x2000x64xbf16> to vector<2000x64xbf16>
    %get3A_16 = arith.constant 1 : index
    %get3A_17 = arith.constant 0 : index
    %get3A_18 = arith.constant 0 : index
    %get3A_19 = vector.load %arg1[%get3A_16, %get3A_17, %get3A_18] : memref<2x2000x64xbf16, #tpu.memory_space<vmem>>, vector<1x2000x64xbf16>
    %get3A_20 = vector.shape_cast %get3A_19 : vector<1x2000x64xbf16> to vector<2000x64xbf16>
    %concatenate3A = tpu.concatenate %get3A_15, %get3A_20 in 1 : vector<2000x64xbf16>, vector<2000x64xbf16> -> vector<2000x128xbf16>
    %convert_element_type3A = arith.extf %concatenate3A : vector<2000x128xbf16> to vector<2000x128xf32>
    %mul3A = vector.broadcast %rsqrt3A : vector<2000x1xf32> to vector<2000x128xf32>
    %mul3A_21 = arith.mulf %convert_element_type3A, %mul3A : vector<2000x128xf32>
    %get3A_22 = arith.constant 0 : index
    %get3A_23 = arith.constant 0 : index
    %get3A_24 = vector.load %arg3[%get3A_22, %get3A_23] : memref<1x128xf32, #tpu.memory_space<vmem>>, vector<1x128xf32>
    %add3A_25 = vector.broadcast %get3A_24 : vector<1x128xf32> to vector<2000x128xf32>
    %add3A_26 = arith.addf %mul3A_21, %add3A_25 : vector<2000x128xf32>
    %max3A_27 = arith.constant 0.000000e+00 : f32
    %max3A_28 = vector.broadcast %max3A_27 : f32 to vector<2000x128xf32>
    %max3A_29 = arith.maximumf %add3A_26, %max3A_28 : vector<2000x128xf32>
    %get3A_30 = arith.constant 0 : index
    %get3A_31 = arith.constant 0 : index
    %get3A_32 = vector.load %arg4[%get3A_30, %get3A_31] : memref<128x128xf32, #tpu.memory_space<vmem>>, vector<128x128xf32>
    %dot_general3A = arith.constant dense<0.000000e+00> : vector<2000x128xf32>
    %dot_general3A_33 = tpu.matmul %max3A_29, %get3A_32, %dot_general3A {dimension_numbers = #tpu.dot_dimension_numbers<[1], [0], [0], [1], [0, 0, 1, 1], [], []>, transpose_lhs_hint = false} : vector<2000x128xf32>, vector<128x128xf32>, vector<2000x128xf32> -> vector<2000x128xf32>
    %mul3A_34 = vector.broadcast %rsqrt3A : vector<2000x1xf32> to vector<2000x128xf32>
    %mul3A_35 = arith.mulf %dot_general3A_33, %mul3A_34 : vector<2000x128xf32>
    %convert_element_type3A_36 = arith.truncf %mul3A_35 : vector<2000x128xf32> to vector<2000x128xbf16>
    %slice3A = vector.extract_strided_slice %convert_element_type3A_36 {offsets = [0, 0], sizes = [2000, 64], strides = [1, 1]} : vector<2000x128xbf16> to vector<2000x64xbf16>
    %swap3A = arith.constant 0 : index
    %swap3A_37 = arith.constant 0 : index
    %swap3A_38 = arith.constant 0 : index
    %swap3A_39 = vector.load %arg5[%swap3A, %swap3A_37, %swap3A_38] : memref<2x2000x64xbf16, #tpu.memory_space<vmem>>, vector<1x2000x64xbf16>
    %swap3A_40 = vector.shape_cast %swap3A_39 : vector<1x2000x64xbf16> to vector<2000x64xbf16>
    %swap3A_41 = vector.shape_cast %slice3A : vector<2000x64xbf16> to vector<1x2000x64xbf16>
    tpu.vector_store %arg5[%swap3A, %swap3A_37, %swap3A_38], %swap3A_41 {strides = array<i32>} : memref<2x2000x64xbf16, #tpu.memory_space<vmem>>, vector<1x2000x64xbf16>,
    %slice3A_42 = vector.extract_strided_slice %convert_element_type3A_36 {offsets = [0, 64], sizes = [2000, 64], strides = [1, 1]} : vector<2000x128xbf16> to vector<2000x64xbf16>
    %swap3A_43 = arith.constant 1 : index
    %swap3A_44 = arith.constant 0 : index
    %swap3A_45 = arith.constant 0 : index
    %swap3A_46 = vector.load %arg5[%swap3A_43, %swap3A_44, %swap3A_45] : memref<2x2000x64xbf16, #tpu.memory_space<vmem>>, vector<1x2000x64xbf16>
    %swap3A_47 = vector.shape_cast %swap3A_46 : vector<1x2000x64xbf16> to vector<2000x64xbf16>
    %swap3A_48 = vector.shape_cast %slice3A_42 : vector<2000x64xbf16> to vector<1x2000x64xbf16>
    tpu.vector_store %arg5[%swap3A_43, %swap3A_44, %swap3A_45], %swap3A_48 {strides = array<i32>} : memref<2x2000x64xbf16, #tpu.memory_space<vmem>>, vector<1x2000x64xbf16>,
    return
  }
  func.func @transform_0(%arg0: i32) -> (i32, i32, i32) {
    %c0_i32 = arith.constant 0 : i32
    %c0_i32_0 = arith.constant 0 : i32
    %c0_i32_1 = arith.constant 0 : i32
    return %c0_i32, %arg0, %c0_i32_0 : i32, i32, i32
  }
  func.func @transform_1(%arg0: i32) -> (i32, i32, i32) {
    %c0_i32 = arith.constant 0 : i32
    %c0_i32_0 = arith.constant 0 : i32
    %c0_i32_1 = arith.constant 0 : i32
    return %c0_i32, %arg0, %c0_i32_0 : i32, i32, i32
  }
  func.func @transform_2(%arg0: i32) -> (i32, i32) {
    %c0_i32 = arith.constant 0 : i32
    %c0_i32_0 = arith.constant 0 : i32
    %c0_i32_1 = arith.constant 0 : i32
    return %c0_i32, %c0_i32_0 : i32, i32
  }
  func.func @transform_3(%arg0: i32) -> (i32, i32) {
    %c0_i32 = arith.constant 0 : i32
    %c0_i32_0 = arith.constant 0 : i32
    %c0_i32_1 = arith.constant 0 : i32
    return %c0_i32, %c0_i32_0 : i32, i32
  }
  func.func @transform_4(%arg0: i32) -> (i32, i32, i32) {
    %c0_i32 = arith.constant 0 : i32
    %c0_i32_0 = arith.constant 0 : i32
    %c0_i32_1 = arith.constant 0 : i32
    return %c0_i32, %arg0, %c0_i32_0 : i32, i32, i32
  }
}

module attributes {stable_mosaic.version = 14 : i64} {
  func.func @_fin_body(%arg0: i32, %arg1: memref<2x2000x64xbf16, #tpu.memory_space<vmem>>, %arg2: memref<2x2000x1xf32, #tpu.memory_space<vmem>>, %arg3: memref<1x128xf32, #tpu.memory_space<vmem>>, %arg4: memref<2000x128xf32, #tpu.memory_space<vmem>>) attributes {dimension_semantics = [#tpu.dimension_semantics<arbitrary>], iteration_bounds = array<i64: 5>, scalar_prefetch = 0 : i64, scratch_operands = 0 : i64, tpu.core_type = #tpu.core_type<tc>, window_params = [{transform_indices = @transform_0, window_bounds = array<i64: 2, 2000, 64>}, {transform_indices = @transform_1, window_bounds = array<i64: 2, 2000, 1>}, {pipeline_mode = #tpu.pipeline_mode<synchronous>, transform_indices = @transform_2, window_bounds = array<i64: 1, 128>}, {transform_indices = @transform_3, window_bounds = array<i64: 2000, 128>}]} {
    %get3A = arith.constant 0 : index
    %get3A_0 = arith.constant 0 : index
    %get3A_1 = arith.constant 0 : index
    %get3A_2 = vector.load %arg2[%get3A, %get3A_0, %get3A_1] : memref<2x2000x1xf32, #tpu.memory_space<vmem>>, vector<1x2000x1xf32>
    %get3A_3 = vector.shape_cast %get3A_2 : vector<1x2000x1xf32> to vector<2000x1xf32>
    %get3A_4 = arith.constant 1 : index
    %get3A_5 = arith.constant 0 : index
    %get3A_6 = arith.constant 0 : index
    %get3A_7 = vector.load %arg2[%get3A_4, %get3A_5, %get3A_6] : memref<2x2000x1xf32, #tpu.memory_space<vmem>>, vector<1x2000x1xf32>
    %get3A_8 = vector.shape_cast %get3A_7 : vector<1x2000x1xf32> to vector<2000x1xf32>
    %add3A = arith.addf %get3A_3, %get3A_8 : vector<2000x1xf32>
    %max3A = arith.constant 1.000000e+00 : f32
    %max3A_9 = vector.broadcast %max3A : f32 to vector<2000x1xf32>
    %max3A_10 = arith.maximumf %add3A, %max3A_9 : vector<2000x1xf32>
    %rsqrt3A = math.rsqrt %max3A_10 : vector<2000x1xf32>
    %get3A_11 = arith.constant 0 : index
    %get3A_12 = arith.constant 0 : index
    %get3A_13 = arith.constant 0 : index
    %get3A_14 = vector.load %arg1[%get3A_11, %get3A_12, %get3A_13] : memref<2x2000x64xbf16, #tpu.memory_space<vmem>>, vector<1x2000x64xbf16>
    %get3A_15 = vector.shape_cast %get3A_14 : vector<1x2000x64xbf16> to vector<2000x64xbf16>
    %get3A_16 = arith.constant 1 : index
    %get3A_17 = arith.constant 0 : index
    %get3A_18 = arith.constant 0 : index
    %get3A_19 = vector.load %arg1[%get3A_16, %get3A_17, %get3A_18] : memref<2x2000x64xbf16, #tpu.memory_space<vmem>>, vector<1x2000x64xbf16>
    %get3A_20 = vector.shape_cast %get3A_19 : vector<1x2000x64xbf16> to vector<2000x64xbf16>
    %concatenate3A = tpu.concatenate %get3A_15, %get3A_20 in 1 : vector<2000x64xbf16>, vector<2000x64xbf16> -> vector<2000x128xbf16>
    %convert_element_type3A = arith.extf %concatenate3A : vector<2000x128xbf16> to vector<2000x128xf32>
    %mul3A = vector.broadcast %rsqrt3A : vector<2000x1xf32> to vector<2000x128xf32>
    %mul3A_21 = arith.mulf %convert_element_type3A, %mul3A : vector<2000x128xf32>
    %get3A_22 = arith.constant 0 : index
    %get3A_23 = arith.constant 0 : index
    %get3A_24 = vector.load %arg3[%get3A_22, %get3A_23] : memref<1x128xf32, #tpu.memory_space<vmem>>, vector<1x128xf32>
    %add3A_25 = vector.broadcast %get3A_24 : vector<1x128xf32> to vector<2000x128xf32>
    %add3A_26 = arith.addf %mul3A_21, %add3A_25 : vector<2000x128xf32>
    %max3A_27 = arith.constant 0.000000e+00 : f32
    %max3A_28 = vector.broadcast %max3A_27 : f32 to vector<2000x128xf32>
    %max3A_29 = arith.maximumf %add3A_26, %max3A_28 : vector<2000x128xf32>
    %swap3A = arith.constant 0 : index
    %swap3A_30 = arith.constant 0 : index
    %swap3A_31 = vector.load %arg4[%swap3A, %swap3A_30] : memref<2000x128xf32, #tpu.memory_space<vmem>>, vector<2000x128xf32>
    tpu.vector_store %arg4[%swap3A, %swap3A_30], %max3A_29 {strides = array<i32>} : memref<2000x128xf32, #tpu.memory_space<vmem>>, vector<2000x128xf32>,
    return
  }
  func.func @transform_0(%arg0: i32) -> (i32, i32, i32) {
    %c0_i32 = arith.constant 0 : i32
    %c0_i32_0 = arith.constant 0 : i32
    %c0_i32_1 = arith.constant 0 : i32
    return %c0_i32, %arg0, %c0_i32_0 : i32, i32, i32
  }
  func.func @transform_1(%arg0: i32) -> (i32, i32, i32) {
    %c0_i32 = arith.constant 0 : i32
    %c0_i32_0 = arith.constant 0 : i32
    %c0_i32_1 = arith.constant 0 : i32
    return %c0_i32, %arg0, %c0_i32_0 : i32, i32, i32
  }
  func.func @transform_2(%arg0: i32) -> (i32, i32) {
    %c0_i32 = arith.constant 0 : i32
    %c0_i32_0 = arith.constant 0 : i32
    %c0_i32_1 = arith.constant 0 : i32
    return %c0_i32, %c0_i32_0 : i32, i32
  }
  func.func @transform_3(%arg0: i32) -> (i32, i32) {
    %c0_i32 = arith.constant 0 : i32
    %c0_i32_0 = arith.constant 0 : i32
    return %arg0, %c0_i32 : i32, i32
  }
}

</mosaic_0001>

<sc_bundles>
// kernel: kernel.12.cloned.1.call-start
scs
__scs_entry_jumppad:
0x0: {  	(pc) =	sbr.rel $0x88, $3  }
0x1: {  	(tag) =	ssettag $0x0;
	lr =	simm.s32 $0x1  }
0x2: {  	[smem:$0x3F9B] =	sst lr;
	_ =	strace $0xD0000000  }
0x3: {  	_ = 	snop  }
0x4: {  	_ = 	snop  }
0x5: {  	_ = 	snop  }
0x6: {  	_ = 	snop  }
0x7: {  	_ = 	snop  }
__scs_overlays_trampoline_lowered:
0x8: {  	[smem:$0x3FAA] =	sst s0  }
0x9: {  	[smem:$0x3FAB] =	sst s1  }
0xa: {  	[smem:$0x3FAC] =	sst s2  }
0xb: {  	[smem:$0x3FAD] =	sst s3  }
0xc: {  	[smem:$0x3FAE] =	sst s4  }
0xd: {  	[smem:$0x3FAF] =	sst s5  }
0xe: {  	[smem:$0x3FB0] =	sst s6  }
0xf: {  	[smem:$0x3FB1] =	sst s7  }
0x10: {  	[smem:$0x3FB2] =	sst s8  }
0x11: {  	[smem:$0x3FB3] =	sst s9;
	s0 =	simm.s32 @!p0 $0x0  }
0x12: {  	s1 =	sld [smem:$0x3F99];
	s0 =	simm.s32 @p0 $0x1  }
0x13: {  	[smem:$0x3FB4] =	sst s0;
	s0 =	simm.s32 @!p1 $0x0  }
0x14: {  	s2 =	sld [smem:$0x3F98];
	s0 =	simm.s32 @p1 $0x1  }
0x15: {  	[smem:$0x3FB5] =	sst s0;
	s0 =	simm.s32 @!p2 $0x0  }
0x16: {  	s3 =	sld [smem:$0x3FDB];
	s0 =	simm.s32 @p2 $0x1  }
0x17: {  	s4 =	simm.s32 $0x1BF5;
	[smem:$0x3FB7] =	sst s0  }
0x18: {  	s0 =	sld [smem:$0x3F9A];
	_ =	swait.ge [sflag:s4], $0x0  }
0x19: {  	s7 =	sld [smem:$0x3F9B]  }
0x1a: {  	s8 =	sadd.s32 $0xFFFFE003, lr  }
0x1b: {  	s9 =	sadd.s32 $0xFFFFFEF7, lr;
	s5 =	simm.s32 $0xFFFFFFFF;
	p2 =	slt.u32 s8, $0xFFFFF086  }
0x1c: {  	p1 =	slt.u32 s9, $0xF7A;
	s5 =	simm.s32 @!p2 $0x0  }
0x1d: {  	s5 =	simm.s32 @p1 $0x1;
	p0 =	seq.s32 s7, s2  }
0x1e: {  	s7 =	smul.u32 @!p0 $0xF7A, s2;
	p2 =	seq.s32 @!p0 s5, $0x0  }
0x1f: {  	s9 =	smul.u32 $0xF7A, s1;
	s8 =	simm.s32 @!p0 $0x1BF5;
	p2 =	por !p2, p0  }
0x20: {  	[sflag:s8] =	ssyncset.s32 @!p0 $0xFFFFF086;
	s6 =	sadd.s32 @!p0 s3, s7;
	s7 =	simm.s32 @!p0 $0x108  }
0x21: {  	s3 =	sadd.s32 s3, s9;
	s6 =	sadd.s32 @!p0 $0x88, s6;
	s7 =	simm.s32 @p2 $0x1082  }
0x22: {  	[simem:s7], [sflag:s8] =	dma.local @!p0 [hbm:s6], $0xF7A  }
0x23: {  	s9 =	sor.u32 $0xD0000000, s2;
	s6 =	simm.s32 $0x108;
	_ =	swait.ge @!p0 [sflag:s8], $0x0  }
0x24: {  	s3 =	sadd.s32 $0x88, s3;
	s6 =	simm.s32 @!p1 $0x1082;
	[sflag:s4] =	ssyncset.s32 $0xFFFFF086  }
0x25: {  	[simem:s6], [sflag:s4] =	dma.local [hbm:s3], $0xF7A  }
0x26: {  	[smem:$0x3F9B] =	sst s1;
	(tag) =	ssettag s2;
	_ =	strace s9  }
0x27: {  	s1 =	sld [smem:$0x3FAB]  }
0x28: {  	s2 =	sld [smem:$0x3FAC]  }
0x29: {  	s4 =	sld [smem:$0x3FAE]  }
0x2a: {  	p0 =	seq.s32 s5, $0x0;
	s5 =	sld [smem:$0x3FAF]  }
0x2b: {  	s6 =	sld [smem:$0x3FB0]  }
0x2c: {  	s7 =	sld [smem:$0x3FB1]  }
0x2d: {  	s3 =	simm.s32 $0x108;
	s8 =	sld [smem:$0x3FB2]  }
0x2e: {  	s3 =	simm.s32 @!p0 $0x1082;
	s9 =	sld [smem:$0x3FB3]  }
0x2f: {  	lr =	sadd.s32 s0, s3;
	s0 =	sld [smem:$0x3FAA]  }
0x30: {  	s3 =	sld [smem:$0x3FAD]  }
0x31: {  	[smem:$0x3FB6] =	sst s10  }
0x32: {  	s10 =	sld [smem:$0x3FB4];
	_ =	sdelay $0x3  }
0x33: {  	p0 =	seq.s32 s10, $0x1;
	s10 =	sld [smem:$0x3FB6];
	_ =	sdelay $0x3  }
0x34: {  	[smem:$0x3FB6] =	sst s10  }
0x35: {  	s10 =	sld [smem:$0x3FB5];
	_ =	sdelay $0x3  }
0x36: {  	p1 =	seq.s32 s10, $0x1;
	s10 =	sld [smem:$0x3FB6];
	_ =	sdelay $0x3  }
0x37: {  	[smem:$0x3FB6] =	sst s10  }
0x38: {  	s10 =	sld [smem:$0x3FB7]  }
0x39: {  	_ = 	snop;
	(pc) =	sbr.ind lr, $3  }
0x3a: {  	_ = 	snop  }
0x3b: {  	_ = 	snop  }
0x3c: {  	p2 =	seq.s32 s10, $0x1;
	s10 =	sld [smem:$0x3FB6]  }
0x3d: {  	_ =	shalt  }
0x3e: {  	_ =	shalt  }
0x3f: {  	_ =	shalt  }
0x40: {  	_ =	shalt  }
0x41: {  	_ =	shalt  }
0x42: {  	_ =	shalt  }
0x43: {  	_ =	shalt  }
0x44: {  	_ =	shalt  }
0x45: {  	_ =	shalt  }
0x46: {  	_ =	shalt  }
0x47: {  	_ =	shalt  }
0x48: {  	_ =	shalt  }
0x49: {  	_ =	shalt  }
0x4a: {  	_ =	shalt  }
0x4b: {  	_ =	shalt  }
0x4c: {  	_ =	shalt  }
0x4d: {  	_ =	shalt  }
0x4e: {  	_ =	shalt  }
0x4f: {  	_ =	shalt  }
0x50: {  	_ =	shalt  }
0x51: {  	_ =	shalt  }
0x52: {  	_ =	shalt  }
0x53: {  	_ =	shalt  }
0x54: {  	_ =	shalt  }
0x55: {  	_ =	shalt  }
0x56: {  	_ =	shalt  }
0x57: {  	_ =	shalt  }
0x58: {  	_ =	shalt  }
0x59: {  	_ =	shalt  }
0x5a: {  	_ =	shalt  }
0x5b: {  	_ =	shalt  }
0x5c: {  	_ =	shalt  }
0x5d: {  	_ =	shalt  }
0x5e: {  	_ =	shalt  }
0x5f: {  	_ =	shalt  }
0x60: {  	_ =	shalt  }
0x61: {  	_ =	shalt  }
0x62: {  	_ =	shalt  }
0x63: {  	_ =	shalt  }
0x64: {  	_ =	shalt  }
0x65: {  	_ =	shalt  }
0x66: {  	_ =	shalt  }
0x67: {  	_ =	shalt  }
0x68: {  	_ =	shalt  }
0x69: {  	_ =	shalt  }
0x6a: {  	_ =	shalt  }
0x6b: {  	_ =	shalt  }
0x6c: {  	_ =	shalt  }
0x6d: {  	_ =	shalt  }
0x6e: {  	_ =	shalt  }
0x6f: {  	_ =	shalt  }
0x70: {  	_ =	shalt  }
0x71: {  	_ =	shalt  }
0x72: {  	_ =	shalt  }
0x73: {  	_ =	shalt  }
0x74: {  	_ =	shalt  }
0x75: {  	_ =	shalt  }
0x76: {  	_ =	shalt  }
0x77: {  	_ =	shalt  }
0x78: {  	_ =	shalt  }
0x79: {  	_ =	shalt  }
0x7a: {  	_ =	shalt  }
0x7b: {  	_ =	shalt  }
0x7c: {  	_ =	shalt  }
0x7d: {  	_ =	shalt  }
0x7e: {  	_ =	shalt  }
0x7f: {  	_ =	shalt  }
0x80: {  	_ =	shalt  }
0x81: {  	_ =	shalt  }
0x82: {  	_ =	shalt  }
0x83: {  	_ =	shalt  }
0x84: {  	_ =	shalt  }
0x85: {  	_ =	shalt  }
0x86: {  	_ =	shalt  }
0x87: {  	_ =	shalt  }
.Lfunc_end0:
.L_simem_size_0:
called_computation.1_lowered:
.L_overlay_start_0:
0x88: {  	s2 =	sld [smem:$0x3FD9]  }
0x89: {  	s3 =	sld [smem:$0x3FFE];
	_ =	sdelay $0x1  }
0x8a: {  	s1 =	srdreg.scid  }
0x8b: {  	s0 =	sand.u32 $0x1, s1  }
0x8c: {  	s17 =	sshll.u32 s0, $0xA;
	s2 =	sadd.s32 s3, s2  }
0x8d: {  	s2 =	sadd.s32 s2, s17  }
0x8e: {  	[smem:$0x3FC2] =	sst s2  }
0x8f: {  	_ = 	snop  }
0x90: {  	s2 =	sld [smem:$0x3FD0];
	(tm) =	ssettm $0x1  }
0x91: {  	s18 =	sld [smem:$0x3FFB];
	_ =	sdelay $0x3  }
0x92: {  	_ =	strace s18  }
0x93: {  	s3 =	sld [smem:$0x3FFC];
	_ =	sdelay $0x3  }
0x94: {  	_ =	strace s3  }
0x95: {  	s3 =	sld [smem:$0x3FFD];
	_ =	sdelay $0x3  }
0x96: {  	_ =	strace s3  }
0x97: {  	_ =	strace $0x8FFFFFFF  }
0x98: {  	s19 =	sld [smem:$0x3FDB];
	_ =	sdelay $0x1  }
0x99: {  	s4 =	simm.s32 $_scs_section_size  }
0x9a: {  	s5 =	simm.s32 $_size__tile_overlayer_lowered;
	s6 =	simm.s32 $_tile_overlayer_lowered  }
0x9b: {  	s22 =	simm.s32 $0x1BFF;
	s21 =	sshll.u32 s6, $0x1;
	s3 =	sadd.s32 s4, s19  }
0x9c: {  	s7 =	simm.s32 $0x0;
	s20 =	sshll.u32 s5, $0x1;
	s5 =	sadd.s32 s21, s3  }
0x9d: {  	[timem:s7], [sflag:s22] =	dma.local [hbm:s5], s20  }
0x9e: {  	_ =	swait.ge [sflag:s22], s20  }
0x9f: {  	s4 =	ssub.s32 $0x0, s20;
	[sflag:s22] =	ssyncset.done $0x0  }
0xa0: {  	[sflag:s22] =	ssyncadd.s32 s4;
	_ =	sdelay $0x1  }
0xa1: {  	s23 =	simm.s32 $0x1B8B  }
0xa2: {  	_ =	swait.ge [sflag:s23], $0x1  }
0xa3: {  	[sflag:s23] =	ssyncset.done $0x0  }
0xa4: {  	s25 =	simm.s32 $0x1B8E;
	s24 =	sld [smem:$0x3FFE];
	[sflag:s23] =	ssyncadd.s32 $0xFFFFFFFF  }
0xa5: {  	s26 =	simm.s32 $execute0_lowered;
	[smem:$0x3FD2] =	sst s25  }
0xa6: {  	s5 =	sshll.u32 s26, $0x1;
	_ =	strace $0x80000049;
	[dreg:$0x1] =	wrdreg $0xFFFFFFFF  }
0xa7: {  	s28 =	simm.s32 $_size_execute0_lowered;
	s3 =	sadd.s32 s3, s5;
	[dreg:$0x0] =	wrdreg $0x0  }
0xa8: {  	s5 =	sshll.u32 s28, $0x1;
	[dreg:$0x2] =	wrdreg s3  }
0xa9: {  	[dreg:$0x3] =	wrdreg s5  }
0xaa: {  	[dreg:$0x4] =	wrdreg $0xC0  }
0xab: {  	_ =	task [dreg:s7], $0x5FFFF  }
0xac: {  	[dreg:$0x1] =	wrdreg $0xFFFFFFFF  }
0xad: {  	[dreg:$0x0] =	wrdreg $0x60  }
0xae: {  	[dreg:$0x2] =	wrdreg s24  }
0xaf: {  	[dreg:$0x3] =	wrdreg s2  }
0xb0: {  	[dreg:$0x4] =	wrdreg $0x102000  }
0xb1: {  	[dreg:$0x5] =	wrdreg $0x9  }
0xb2: {  	_ =	task.clear_ibuf [dreg:s7], $0x6FFFF;
	_ =	strace $0x90000049  }
0xb3: {  	s29 =	simm.s32 $0x9;
	_ =	strace $0x8000004B  }
0xb4: {  	_ =	swait.ge [sflag:s29], $0x1  }
0xb5: {  	[sflag:s29] =	ssyncadd.s32 $0xFFFFFFFF  }
0xb6: {  	_ =	strace $0x9000004B  }
0xb7: {  	_ =	sfence  }
0xb8: {  	s30 =	sld [smem:$0x0];
	_ =	sdelay $0x2  }
0xb9: {  	s31 =	sshll.u32 s1, $0xD;
	s1 =	sshrl.u32 s1, $0x2  }
0xba: {  	s3 =	sand.u32 $0x4000, s31;
	s1 =	sadd.s32 s1, s30  }
0xbb: {  	s0 =	sor.u32 s3, s0;
	s1 =	sshll.u32 s1, $0x11  }
0xbc: {  	s0 =	sor.u32 s1, s0  }
0xbd: {  	s0 =	sadd.s32 $0x8F2B, s0  }
0xbe: {  	[sflag:s0] =	ssyncadd.remote.s32 $0x1  }
0xbf: {  	_ =	sfence.sel $0xFFFF  }
0xc0: {  	[dreg:$0x0] =	wrdreg $0xFFFFFFFF;
	(pc) =	sbr.abs _section_cstart, $3  }
0xc1: {  	[dreg:$0x1] =	wrdreg $0xFFFFFFFF  }
0xc2: {  	_ =	task.clear_ibuf [dreg:s7], $0x2FFFF;
	_ =	strace $0x9FFFFFFF  }
0xc3: {  	(tm) =	ssettm $0x7FFFFFFF  }
tec
execute0_lowered:
.L_overlay_start_1:
0x0: {  	(tag) =	ssettag $0x1  }
0x1: {  	s0 =	rddreg [dreg:$0x0]  }
0x2: {  	s2 =	rddreg [dreg:$0x1]  }
0x3: {  	s1 =	rddreg [dreg:$0x2];
	s3 =	srdreg.scid  }
0x4: {  	s11 =	stileid.u32;
	s14 =	simm.s32 $0x80;
	s15 =	simm.s32 $0xA200  }
0x5: {  	s18 =	simm.s32 $0xC200;
	s22 =	simm.s32 $0xE200;
	s28 =	simm.s32 $0x5  }
0x6: {  	s29 =	simm.s32 $0x6;
	s30 =	simm.s32 $0x0;
	s6 =	smul.u32 $0xA20, s11  }
0x7: {  	s4 =	sand.u32 $0x1, s3;
	s3 =	simm.s32 $0x0;
	s8 =	smul.u32 $0xA000, s11  }
0x8: {  	s31 =	sshll.u32 s11, $0x6;
	s5 =	smul.u32 $0x9C40, s4;
	[smem:$0x7FF] =	sst s3  }
0x9: {  	s7 =	ssub.s32 $0x2, s4;
	s10 =	smul.u32 $0xA0000, s4;
	s4 =	sadd.s32 $0x16A00, s0  }
0xa: {  	s12 =	sor.u32 $0x1C07, s31;
	_ =	strace $0x8000004A;
	s24 =	sshrl.u32 s7, $0x1  }
0xb: {  	s6 =	sadd.s32 s6, s0;
	s26 =	sshrl.u32 s8, $0x1;
	s9 =	sadd.s32 s5, s0  }
.Ltmp0:
0xc: {  	s25 =	ssub.s32 s7, s24;
	s5 =	sadd.s32 $0x1C00, s6;
	(pc) =	sbr.rel .LBB2_1-.Ltmp0, $4  }
0xd: {  	s8 =	sadd.s32 s8, s10;
	s6 =	sadd.s32 $0xBE00, s6;
	s13 =	sadd.s32 s26, s1  }
0xe: {  	s10 =	simm.s32 $0x7;
	s24 =	simm.s32 $0xF200;
	s26 =	simm.s32 $0x3  }
0xf: {  	s8 =	sshrl.u32 s8, $0x4;
	s7 =	sadd.s32 $0x17400, s9;
	s9 =	smax.u32 s25, $0x1  }
0x10: {  	s13 =	sshrl.u32 s13, $0x3;
	s25 =	simm.s32 $0x1;
	s8 =	sadd.s32 s2, s8  }
.LBB2_4:
0x11: {  	_ =	swait.ge [sflag:s29], $0x1000  }
0x12: {  	[sflag:s29] =	ssyncset.done $0x0  }
0x13: {  	[sflag:s29] =	ssyncadd.s32 $0xFFFFF000  }
0x14: {  	[spmem:s1] =	stream.indirect.scatter.add.bf16 [tilespmem:s24], [sflag:$0x7], $0x20, s2, s14, $0xb8;
	[tilespmem:$0x15200] =	vst v63  }
0x15: {  	_ =	swait.ge [sflag:s10], $0x1000  }
0x16: {  	s30 =	sadd.s32 $0x1, s30;
	[sflag:s10] =	ssyncset.done $0x0  }
0x17: {  	p0 =	sne.s32 s30, s9;
	[sflag:s10] =	ssyncadd.s32 $0xFFFFF000  }
.Ltmp1:
0x18: {  	[bflag:$0x0] =	sbarrier.arrive $0xFFFF;
	(pc) =	sbr.rel @!p0 .LBB2_5-.Ltmp1, $4  }
0x19: {  	[hbm:s8], [sflag:s12] =	dma.local [spmem:s13], $0xA00  }
0x1a: {  	_ =	swait.ge [sflag:s10], $0xA00  }
0x1b: {  	[sflag:s10] =	ssyncset.done $0x0  }
0x1c: {  	[sflag:s10] =	ssyncadd.s32 $0xFFFFF600  }
.LBB2_1:
0x1d: {  	[tilespmem:s3], [sflag:$0x7] =	stream.linear.gather [hbm4b:s5+s3], $0x5100, $0x38;
	[tilespmem:$0x15200] =	vst v63  }
0x1e: {  	_ =	swait.ge [sflag:s10], $0x5100  }
0x1f: {  	[sflag:s10] =	ssyncset.done $0x0  }
0x20: {  	s0 =	simm.s32 $0x5100;
	[sflag:s10] =	ssyncadd.s32 $0xFFFFAF00  }
0x21: {  	[tilespmem:s0], [sflag:$0x7] =	stream.linear.gather [hbm4b:s6+s3], $0x5100, $0x38;
	[tilespmem:$0x15200] =	vst v63  }
0x22: {  	_ =	swait.ge [sflag:s10], $0x5100  }
0x23: {  	[sflag:s10] =	ssyncset.done $0x0  }
0x24: {  	[sflag:s10] =	ssyncadd.s32 $0xFFFFAF00  }
0x25: {  	[spmem:s13], [sflag:s12] =	dma.local [hbm:s4], $0xA00  }
0x26: {  	_ =	swait.ge [sflag:s10], $0xA00  }
0x27: {  	[sflag:s10] =	ssyncset.done $0x0  }
0x28: {  	[sflag:s10] =	ssyncadd.s32 $0xFFFFF600  }
0x29: {  	[bflag:$0x0] =	sbarrier.arrive $0xFFFF  }
0x2a: {  	[tilespmem:s15], [sflag:$0x1] =	stream.indirect.gather [hbm4b:s7+s14], $0x20, s3, s14, $0xb8;
	[tilespmem:$0x15200] =	vst v63  }
0x2b: {  	s17 =	simm.s32 $0xB200  }
0x2c: {  	[tilespmem:s17], [sflag:$0x2] =	stream.indirect.gather [hbm4b:s7+s14], $0x20, s14, s14, $0xb8;
	[tilespmem:$0x15200] =	vst v63  }
0x2d: {  	s19 =	simm.s32 $0x100  }
0x2e: {  	[tilespmem:s18], [sflag:$0x3] =	stream.indirect.gather [hbm4b:s7+s14], $0x20, s19, s14, $0xb8;
	[tilespmem:$0x15200] =	vst v63  }
0x2f: {  	s20 =	simm.s32 $0x180;
	s2 =	simm.s32 $0xD200  }
0x30: {  	[tilespmem:s2], [sflag:$0x4] =	stream.indirect.gather [hbm4b:s7+s14], $0x20, s20, s14, $0xb8;
	[tilespmem:$0x15200] =	vst v63  }
0x31: {  	s21 =	simm.s32 $0x200  }
0x32: {  	[tilespmem:s22], [sflag:$0x5] =	stream.indirect.gather [hbm4b:s7+s14], $0x20, s21, s14, $0xb8;
	[tilespmem:$0x15200] =	vst v63  }
0x33: {  	s23 =	simm.s32 $0x280;
	s31 =	simm.s32 $0x0  }
0x34: {  	[tilespmem:s24], [sflag:$0x6] =	stream.indirect.gather [hbm4b:s7+s14], $0x20, s23, s14, $0xb8;
	[tilespmem:$0x15200] =	vst v63  }
.LBB2_2:
0x35: {  	_ =	swait.ge [sflag:s25], $0x1000  }
0x36: {  	s0 =	sshra.s32 s31, $0x2;
	[sflag:s25] =	ssyncset.done $0x0  }
0x37: {  	s2 =	sadd.s32 $0x5100, s0;
	[sflag:s25] =	ssyncadd.s32 $0xFFFFF000  }
0x38: {  	[spmem:s1] =	stream.indirect.scatter.add.bf16 [tilespmem:s15], [sflag:$0x7], $0x20, s2, s14, $0xb8;
	[tilespmem:$0x15200] =	vst v63  }
0x39: {  	_ =	swait.ge [sflag:s10], $0x1000  }
0x3a: {  	p0 =	seq.s32 s31, $0x13800;
	[sflag:s10] =	ssyncset.done $0x0  }
0x3b: {  	s2 =	simm.s32 @p0 $0x2;
	[sflag:s10] =	ssyncadd.s32 $0xFFFFF000  }
0x3c: {  	_ =	swait.ge @p0 [sflag:s2], $0x1000  }
0x3d: {  	[sflag:s2] =	ssyncset.done @p0 $0x0  }
0x3e: {  	[sflag:s2] =	ssyncadd.s32 @p0 $0xFFFFF000;
	s2 =	sshra.s32 @p0 s31, $0x2  }
0x3f: {  	s16 =	simm.s32 @p0 $0x80;
	s17 =	simm.s32 @p0 $0xB200;
	s11 =	sadd.s32 @p0 $0x5180, s2  }
0x40: {  	[spmem:s1] =	stream.indirect.scatter.add.bf16 @p0 [tilespmem:s17], [sflag:$0x7], $0x20, s11, s16, $0xb8;
	[tilespmem:$0x15200] =	vst v63  }
0x41: {  	s11 =	simm.s32 @p0 $0x7  }
0x42: {  	_ =	swait.ge @p0 [sflag:s11], $0x1000  }
0x43: {  	s20 =	simm.s32 @!p0 $0x80;
	s17 =	sshra.s32 @!p0 s31, $0x2;
	[sflag:s11] =	ssyncset.done @p0 $0x0  }
0x44: {  	s21 =	simm.s32 @!p0 $0xA200;
	s19 =	sadd.s32 @!p0 $0x300, s17;
	[sflag:s11] =	ssyncadd.s32 @p0 $0xFFFFF000  }
0x45: {  	[tilespmem:s21], [sflag:$0x1] =	stream.indirect.gather @!p0 [hbm4b:s7+s20], $0x20, s19, s20, $0xb8;
	[tilespmem:$0x15200] =	vst v63  }
0x46: {  	s19 =	simm.s32 @!p0 $0x2  }
0x47: {  	_ =	swait.ge @!p0 [sflag:s19], $0x1000  }
0x48: {  	[sflag:s19] =	ssyncset.done @!p0 $0x0  }
0x49: {  	s21 =	simm.s32 @!p0 $0xB200;
	[sflag:s19] =	ssyncadd.s32 @!p0 $0xFFFFF000;
	s19 =	sadd.s32 @!p0 $0x5180, s17  }
0x4a: {  	[spmem:s1] =	stream.indirect.scatter.add.bf16 @!p0 [tilespmem:s21], [sflag:$0x7], $0x20, s19, s20, $0xb8;
	[tilespmem:$0x15200] =	vst v63  }
0x4b: {  	s19 =	simm.s32 @!p0 $0x7  }
0x4c: {  	_ =	swait.ge @!p0 [sflag:s19], $0x1000  }
0x4d: {  	[sflag:s19] =	ssyncset.done @!p0 $0x0  }
0x4e: {  	s23 =	sadd.s32 @!p0 $0x380, s17;
	[sflag:s19] =	ssyncadd.s32 @!p0 $0xFFFFF000  }
0x4f: {  	[tilespmem:s21], [sflag:$0x2] =	stream.indirect.gather @!p0 [hbm4b:s7+s20], $0x20, s23, s20, $0xb8;
	[tilespmem:$0x15200] =	vst v63  }
0x50: {  	_ =	swait.ge [sflag:s26], $0x1000  }
0x51: {  	[sflag:s26] =	ssyncset.done $0x0  }
0x52: {  	s23 =	sadd.s32 $0x5200, s0;
	[sflag:s26] =	ssyncadd.s32 $0xFFFFF000  }
0x53: {  	[spmem:s1] =	stream.indirect.scatter.add.bf16 [tilespmem:s18], [sflag:$0x7], $0x20, s23, s14, $0xb8;
	[tilespmem:$0x15200] =	vst v63  }
0x54: {  	_ =	swait.ge [sflag:s10], $0x1000  }
0x55: {  	[sflag:s10] =	ssyncset.done $0x0  }
0x56: {  	s21 =	simm.s32 @p0 $0x4;
	[sflag:s10] =	ssyncadd.s32 $0xFFFFF000  }
0x57: {  	_ =	swait.ge @p0 [sflag:s21], $0x1000  }
0x58: {  	[sflag:s21] =	ssyncset.done @p0 $0x0  }
0x59: {  	s2 =	sadd.s32 @p0 $0x5280, s2;
	[sflag:s21] =	ssyncadd.s32 @p0 $0xFFFFF000;
	s21 =	simm.s32 @p0 $0xD200  }
0x5a: {  	[spmem:s1] =	stream.indirect.scatter.add.bf16 @p0 [tilespmem:s21], [sflag:$0x7], $0x20, s2, s16, $0xb8;
	[tilespmem:$0x15200] =	vst v63  }
0x5b: {  	_ =	swait.ge @p0 [sflag:s11], $0x1000  }
0x5c: {  	[sflag:s11] =	ssyncset.done @p0 $0x0  }
0x5d: {  	s2 =	sadd.s32 @!p0 $0x400, s17;
	[sflag:s11] =	ssyncadd.s32 @p0 $0xFFFFF000;
	s11 =	simm.s32 @!p0 $0xC200  }
0x5e: {  	[tilespmem:s11], [sflag:$0x3] =	stream.indirect.gather @!p0 [hbm4b:s7+s20], $0x20, s2, s20, $0xb8;
	[tilespmem:$0x15200] =	vst v63  }
0x5f: {  	s2 =	simm.s32 @!p0 $0x4  }
0x60: {  	_ =	swait.ge @!p0 [sflag:s2], $0x1000  }
0x61: {  	[sflag:s2] =	ssyncset.done @!p0 $0x0  }
0x62: {  	s11 =	simm.s32 @!p0 $0xD200;
	[sflag:s2] =	ssyncadd.s32 @!p0 $0xFFFFF000;
	s2 =	sadd.s32 @!p0 $0x5280, s17  }
0x63: {  	[spmem:s1] =	stream.indirect.scatter.add.bf16 @!p0 [tilespmem:s11], [sflag:$0x7], $0x20, s2, s20, $0xb8;
	[tilespmem:$0x15200] =	vst v63  }
0x64: {  	_ =	swait.ge @!p0 [sflag:s19], $0x1000  }
0x65: {  	[sflag:s19] =	ssyncset.done @!p0 $0x0  }
0x66: {  	s2 =	sadd.s32 @!p0 $0x480, s17;
	[sflag:s19] =	ssyncadd.s32 @!p0 $0xFFFFF000  }
0x67: {  	[tilespmem:s11], [sflag:$0x4] =	stream.indirect.gather @!p0 [hbm4b:s7+s20], $0x20, s2, s20, $0xb8;
	[tilespmem:$0x15200] =	vst v63  }
0x68: {  	_ =	swait.ge [sflag:s28], $0x1000  }
0x69: {  	[sflag:s28] =	ssyncset.done $0x0  }
.Ltmp2:
0x6a: {  	s23 =	sadd.s32 $0x5300, s0;
	[sflag:s28] =	ssyncadd.s32 $0xFFFFF000;
	(pc) =	sbr.rel @p0 .LBB2_4-.Ltmp2, $4  }
0x6b: {  	[spmem:s1] =	stream.indirect.scatter.add.bf16 [tilespmem:s22], [sflag:$0x7], $0x20, s23, s14, $0xb8;
	[tilespmem:$0x15200] =	vst v63  }
0x6c: {  	_ =	swait.ge [sflag:s10], $0x1000  }
0x6d: {  	[sflag:s10] =	ssyncset.done $0x0  }
0x6e: {  	s2 =	sadd.s32 $0x5380, s0;
	[sflag:s10] =	ssyncadd.s32 $0xFFFFF000  }
0x6f: {  	s11 =	sadd.s32 $0x500, s0  }
0x70: {  	[tilespmem:s22], [sflag:$0x5] =	stream.indirect.gather [hbm4b:s7+s14], $0x20, s11, s14, $0xb8;
	[tilespmem:$0x15200] =	vst v63  }
0x71: {  	_ =	swait.ge [sflag:s29], $0x1000  }
0x72: {  	[sflag:s29] =	ssyncset.done $0x0  }
0x73: {  	[sflag:s29] =	ssyncadd.s32 $0xFFFFF000  }
0x74: {  	[spmem:s1] =	stream.indirect.scatter.add.bf16 [tilespmem:s24], [sflag:$0x7], $0x20, s2, s14, $0xb8;
	[tilespmem:$0x15200] =	vst v63  }
.Ltmp3:
0x75: {  	_ = 	snop;
	(pc) =	sbr.rel .LBB2_2-.Ltmp3, $4  }
0x76: {  	_ =	swait.ge [sflag:s10], $0x1000  }
0x77: {  	[sflag:s10] =	ssyncset.done $0x0  }
0x78: {  	s23 =	sadd.s32 $0x580, s0;
	s31 =	sadd.s32 $0xC00, s31;
	[sflag:s10] =	ssyncadd.s32 $0xFFFFF000  }
0x79: {  	[tilespmem:s24], [sflag:$0x6] =	stream.indirect.gather [hbm4b:s7+s14], $0x20, s23, s14, $0xb8;
	[tilespmem:$0x15200] =	vst v63  }
.LBB2_5:
0x7a: {  	_ =	sfence.sel $0x180000  }
0x7b: {  	[bflag:$0x0] =	sbarrier.arrive $0xFFFF  }
0x7c: {  	_ =	strace $0x9000004A  }
0x7d: {  	s0 =	stileid.u32;
	[bflag:$0x2] =	sbarrier.arrive $0xFFFF  }
0x7e: {  	p0 =	sne.s32 s0, $0x0;
	s0 =	rddreg [dreg:$0x3]  }
0x7f: {  	s0 =	sadd.s32 @!p0 $0x100000, s0  }
0x80: {  	[sflag:s0] =	ssyncadd.tile.s32 @!p0 $0x1;
	_ =	shalt  }
.Lfunc_end2:
_tile_overlayer_lowered:
.L_overlay_start_2:
0x81: {  	(tag) =	ssettag $0x2  }
0x82: {  	s0 =	rddreg [dreg:$0x0];
	s2 =	stileid.u32  }
0x83: {  	s1 =	rddreg [dreg:$0x1];
	p0 =	sne.s32 s2, $0x0  }
0x84: {  	s3 =	rddreg [dreg:$0x2];
	[bflag:$0x3] =	sbarrier.arrive $0xFFFF;
	s2 =	simm.s32 @!p0 $0x1C07  }
0x85: {  	[timem:s3], [sflag:s2] =	dma.local @!p0 [hbm:s0], s1  }
0x86: {  	s0 =	simm.s32 @!p0 $0x7  }
0x87: {  	_ =	swait.ge @!p0 [sflag:s0], s1  }
0x88: {  	s1 =	ssub.s32 @!p0 $0x0, s1;
	[sflag:s0] =	ssyncset.done @!p0 $0x0  }
0x89: {  	[sflag:s0] =	ssyncadd.s32 @!p0 s1  }
0x8a: {  	[bflag:$0x3] =	sbarrier.arrive $0xFFFF  }
0x8b: {  	_ =	shalt  }

// kernel: kernel.15.cloned.1.call-start
scs
__scs_entry_jumppad:
0x0: {  	(pc) =	sbr.rel $0x88, $3  }
0x1: {  	(tag) =	ssettag $0x0;
	lr =	simm.s32 $0x1  }
0x2: {  	[smem:$0x3F9B] =	sst lr;
	_ =	strace $0xD0000000  }
0x3: {  	_ = 	snop  }
0x4: {  	_ = 	snop  }
0x5: {  	_ = 	snop  }
0x6: {  	_ = 	snop  }
0x7: {  	_ = 	snop  }
__scs_overlays_trampoline_lowered:
0x8: {  	[smem:$0x3FAA] =	sst s0  }
0x9: {  	[smem:$0x3FAB] =	sst s1  }
0xa: {  	[smem:$0x3FAC] =	sst s2  }
0xb: {  	[smem:$0x3FAD] =	sst s3  }
0xc: {  	[smem:$0x3FAE] =	sst s4  }
0xd: {  	[smem:$0x3FAF] =	sst s5  }
0xe: {  	[smem:$0x3FB0] =	sst s6  }
0xf: {  	[smem:$0x3FB1] =	sst s7  }
0x10: {  	[smem:$0x3FB2] =	sst s8  }
0x11: {  	[smem:$0x3FB3] =	sst s9;
	s0 =	simm.s32 @!p0 $0x0  }
0x12: {  	s1 =	sld [smem:$0x3F99];
	s0 =	simm.s32 @p0 $0x1  }
0x13: {  	[smem:$0x3FB4] =	sst s0;
	s0 =	simm.s32 @!p1 $0x0  }
0x14: {  	s2 =	sld [smem:$0x3F98];
	s0 =	simm.s32 @p1 $0x1  }
0x15: {  	[smem:$0x3FB5] =	sst s0;
	s0 =	simm.s32 @!p2 $0x0  }
0x16: {  	s3 =	sld [smem:$0x3FDB];
	s0 =	simm.s32 @p2 $0x1  }
0x17: {  	s4 =	simm.s32 $0x1BF5;
	[smem:$0x3FB7] =	sst s0  }
0x18: {  	s0 =	sld [smem:$0x3F9A];
	_ =	swait.ge [sflag:s4], $0x0  }
0x19: {  	s7 =	sld [smem:$0x3F9B]  }
0x1a: {  	s8 =	sadd.s32 $0xFFFFE003, lr  }
0x1b: {  	s9 =	sadd.s32 $0xFFFFFEF7, lr;
	s5 =	simm.s32 $0xFFFFFFFF;
	p2 =	slt.u32 s8, $0xFFFFF086  }
0x1c: {  	p1 =	slt.u32 s9, $0xF7A;
	s5 =	simm.s32 @!p2 $0x0  }
0x1d: {  	s5 =	simm.s32 @p1 $0x1;
	p0 =	seq.s32 s7, s2  }
0x1e: {  	s7 =	smul.u32 @!p0 $0xF7A, s2;
	p2 =	seq.s32 @!p0 s5, $0x0  }
0x1f: {  	s9 =	smul.u32 $0xF7A, s1;
	s8 =	simm.s32 @!p0 $0x1BF5;
	p2 =	por !p2, p0  }
0x20: {  	[sflag:s8] =	ssyncset.s32 @!p0 $0xFFFFF086;
	s6 =	sadd.s32 @!p0 s3, s7;
	s7 =	simm.s32 @!p0 $0x108  }
0x21: {  	s3 =	sadd.s32 s3, s9;
	s6 =	sadd.s32 @!p0 $0x88, s6;
	s7 =	simm.s32 @p2 $0x1082  }
0x22: {  	[simem:s7], [sflag:s8] =	dma.local @!p0 [hbm:s6], $0xF7A  }
0x23: {  	s9 =	sor.u32 $0xD0000000, s2;
	s6 =	simm.s32 $0x108;
	_ =	swait.ge @!p0 [sflag:s8], $0x0  }
0x24: {  	s3 =	sadd.s32 $0x88, s3;
	s6 =	simm.s32 @!p1 $0x1082;
	[sflag:s4] =	ssyncset.s32 $0xFFFFF086  }
0x25: {  	[simem:s6], [sflag:s4] =	dma.local [hbm:s3], $0xF7A  }
0x26: {  	[smem:$0x3F9B] =	sst s1;
	(tag) =	ssettag s2;
	_ =	strace s9  }
0x27: {  	s1 =	sld [smem:$0x3FAB]  }
0x28: {  	s2 =	sld [smem:$0x3FAC]  }
0x29: {  	s4 =	sld [smem:$0x3FAE]  }
0x2a: {  	p0 =	seq.s32 s5, $0x0;
	s5 =	sld [smem:$0x3FAF]  }
0x2b: {  	s6 =	sld [smem:$0x3FB0]  }
0x2c: {  	s7 =	sld [smem:$0x3FB1]  }
0x2d: {  	s3 =	simm.s32 $0x108;
	s8 =	sld [smem:$0x3FB2]  }
0x2e: {  	s3 =	simm.s32 @!p0 $0x1082;
	s9 =	sld [smem:$0x3FB3]  }
0x2f: {  	lr =	sadd.s32 s0, s3;
	s0 =	sld [smem:$0x3FAA]  }
0x30: {  	s3 =	sld [smem:$0x3FAD]  }
0x31: {  	[smem:$0x3FB6] =	sst s10  }
0x32: {  	s10 =	sld [smem:$0x3FB4];
	_ =	sdelay $0x3  }
0x33: {  	p0 =	seq.s32 s10, $0x1;
	s10 =	sld [smem:$0x3FB6];
	_ =	sdelay $0x3  }
0x34: {  	[smem:$0x3FB6] =	sst s10  }
0x35: {  	s10 =	sld [smem:$0x3FB5];
	_ =	sdelay $0x3  }
0x36: {  	p1 =	seq.s32 s10, $0x1;
	s10 =	sld [smem:$0x3FB6];
	_ =	sdelay $0x3  }
0x37: {  	[smem:$0x3FB6] =	sst s10  }
0x38: {  	s10 =	sld [smem:$0x3FB7]  }
0x39: {  	_ = 	snop;
	(pc) =	sbr.ind lr, $3  }
0x3a: {  	_ = 	snop  }
0x3b: {  	_ = 	snop  }
0x3c: {  	p2 =	seq.s32 s10, $0x1;
	s10 =	sld [smem:$0x3FB6]  }
0x3d: {  	_ =	shalt  }
0x3e: {  	_ =	shalt  }
0x3f: {  	_ =	shalt  }
0x40: {  	_ =	shalt  }
0x41: {  	_ =	shalt  }
0x42: {  	_ =	shalt  }
0x43: {  	_ =	shalt  }
0x44: {  	_ =	shalt  }
0x45: {  	_ =	shalt  }
0x46: {  	_ =	shalt  }
0x47: {  	_ =	shalt  }
0x48: {  	_ =	shalt  }
0x49: {  	_ =	shalt  }
0x4a: {  	_ =	shalt  }
0x4b: {  	_ =	shalt  }
0x4c: {  	_ =	shalt  }
0x4d: {  	_ =	shalt  }
0x4e: {  	_ =	shalt  }
0x4f: {  	_ =	shalt  }
0x50: {  	_ =	shalt  }
0x51: {  	_ =	shalt  }
0x52: {  	_ =	shalt  }
0x53: {  	_ =	shalt  }
0x54: {  	_ =	shalt  }
0x55: {  	_ =	shalt  }
0x56: {  	_ =	shalt  }
0x57: {  	_ =	shalt  }
0x58: {  	_ =	shalt  }
0x59: {  	_ =	shalt  }
0x5a: {  	_ =	shalt  }
0x5b: {  	_ =	shalt  }
0x5c: {  	_ =	shalt  }
0x5d: {  	_ =	shalt  }
0x5e: {  	_ =	shalt  }
0x5f: {  	_ =	shalt  }
0x60: {  	_ =	shalt  }
0x61: {  	_ =	shalt  }
0x62: {  	_ =	shalt  }
0x63: {  	_ =	shalt  }
0x64: {  	_ =	shalt  }
0x65: {  	_ =	shalt  }
0x66: {  	_ =	shalt  }
0x67: {  	_ =	shalt  }
0x68: {  	_ =	shalt  }
0x69: {  	_ =	shalt  }
0x6a: {  	_ =	shalt  }
0x6b: {  	_ =	shalt  }
0x6c: {  	_ =	shalt  }
0x6d: {  	_ =	shalt  }
0x6e: {  	_ =	shalt  }
0x6f: {  	_ =	shalt  }
0x70: {  	_ =	shalt  }
0x71: {  	_ =	shalt  }
0x72: {  	_ =	shalt  }
0x73: {  	_ =	shalt  }
0x74: {  	_ =	shalt  }
0x75: {  	_ =	shalt  }
0x76: {  	_ =	shalt  }
0x77: {  	_ =	shalt  }
0x78: {  	_ =	shalt  }
0x79: {  	_ =	shalt  }
0x7a: {  	_ =	shalt  }
0x7b: {  	_ =	shalt  }
0x7c: {  	_ =	shalt  }
0x7d: {  	_ =	shalt  }
0x7e: {  	_ =	shalt  }
0x7f: {  	_ =	shalt  }
0x80: {  	_ =	shalt  }
0x81: {  	_ =	shalt  }
0x82: {  	_ =	shalt  }
0x83: {  	_ =	shalt  }
0x84: {  	_ =	shalt  }
0x85: {  	_ =	shalt  }
0x86: {  	_ =	shalt  }
0x87: {  	_ =	shalt  }
.Lfunc_end0:
.L_simem_size_0:
called_computation.2_lowered:
.L_overlay_start_0:
0x88: {  	s2 =	sld [smem:$0x3FD9]  }
0x89: {  	s3 =	sld [smem:$0x3FFE];
	_ =	sdelay $0x1  }
0x8a: {  	s1 =	srdreg.scid  }
0x8b: {  	s0 =	sand.u32 $0x1, s1  }
0x8c: {  	s17 =	sshll.u32 s0, $0xA;
	s2 =	sadd.s32 s3, s2  }
0x8d: {  	s2 =	sadd.s32 s2, s17  }
0x8e: {  	[smem:$0x3FC2] =	sst s2  }
0x8f: {  	_ = 	snop  }
0x90: {  	s2 =	sld [smem:$0x3FD0];
	(tm) =	ssettm $0x1  }
0x91: {  	s18 =	sld [smem:$0x3FFB];
	_ =	sdelay $0x3  }
0x92: {  	_ =	strace s18  }
0x93: {  	s3 =	sld [smem:$0x3FFC];
	_ =	sdelay $0x3  }
0x94: {  	_ =	strace s3  }
0x95: {  	s3 =	sld [smem:$0x3FFD];
	_ =	sdelay $0x3  }
0x96: {  	_ =	strace s3  }
0x97: {  	_ =	strace $0x8FFFFFFF  }
0x98: {  	s19 =	sld [smem:$0x3FDB];
	_ =	sdelay $0x1  }
0x99: {  	s4 =	simm.s32 $_scs_section_size  }
0x9a: {  	s5 =	simm.s32 $_size__tile_overlayer_lowered;
	s6 =	simm.s32 $_tile_overlayer_lowered  }
0x9b: {  	s22 =	simm.s32 $0x1BFF;
	s21 =	sshll.u32 s6, $0x1;
	s3 =	sadd.s32 s4, s19  }
0x9c: {  	s7 =	simm.s32 $0x0;
	s20 =	sshll.u32 s5, $0x1;
	s5 =	sadd.s32 s21, s3  }
0x9d: {  	[timem:s7], [sflag:s22] =	dma.local [hbm:s5], s20  }
0x9e: {  	_ =	swait.ge [sflag:s22], s20  }
0x9f: {  	s4 =	ssub.s32 $0x0, s20;
	[sflag:s22] =	ssyncset.done $0x0  }
0xa0: {  	[sflag:s22] =	ssyncadd.s32 s4;
	_ =	sdelay $0x1  }
0xa1: {  	s23 =	simm.s32 $0x1B8B  }
0xa2: {  	_ =	swait.ge [sflag:s23], $0x1  }
0xa3: {  	[sflag:s23] =	ssyncset.done $0x0  }
0xa4: {  	s25 =	simm.s32 $0x1B8E;
	s24 =	sld [smem:$0x3FFE];
	[sflag:s23] =	ssyncadd.s32 $0xFFFFFFFF  }
0xa5: {  	s26 =	simm.s32 $execute0_lowered;
	[smem:$0x3FD2] =	sst s25  }
0xa6: {  	s5 =	sshll.u32 s26, $0x1;
	_ =	strace $0x8000004C;
	[dreg:$0x1] =	wrdreg $0xFFFFFFFF  }
0xa7: {  	s28 =	simm.s32 $_size_execute0_lowered;
	s3 =	sadd.s32 s3, s5;
	[dreg:$0x0] =	wrdreg $0x0  }
0xa8: {  	s5 =	sshll.u32 s28, $0x1;
	[dreg:$0x2] =	wrdreg s3  }
0xa9: {  	[dreg:$0x3] =	wrdreg s5  }
0xaa: {  	[dreg:$0x4] =	wrdreg $0xC0  }
0xab: {  	_ =	task [dreg:s7], $0x5FFFF  }
0xac: {  	[dreg:$0x1] =	wrdreg $0xFFFFFFFF  }
0xad: {  	[dreg:$0x0] =	wrdreg $0x60  }
0xae: {  	[dreg:$0x2] =	wrdreg s24  }
0xaf: {  	[dreg:$0x3] =	wrdreg s2  }
0xb0: {  	[dreg:$0x4] =	wrdreg $0x102000  }
0xb1: {  	[dreg:$0x5] =	wrdreg $0x9  }
0xb2: {  	_ =	task.clear_ibuf [dreg:s7], $0x6FFFF;
	_ =	strace $0x9000004C  }
0xb3: {  	s29 =	simm.s32 $0x9;
	_ =	strace $0x8000004E  }
0xb4: {  	_ =	swait.ge [sflag:s29], $0x1  }
0xb5: {  	[sflag:s29] =	ssyncadd.s32 $0xFFFFFFFF  }
0xb6: {  	_ =	strace $0x9000004E  }
0xb7: {  	_ =	sfence  }
0xb8: {  	s30 =	sld [smem:$0x0];
	_ =	sdelay $0x2  }
0xb9: {  	s31 =	sshll.u32 s1, $0xD;
	s1 =	sshrl.u32 s1, $0x2  }
0xba: {  	s3 =	sand.u32 $0x4000, s31;
	s1 =	sadd.s32 s1, s30  }
0xbb: {  	s0 =	sor.u32 s3, s0;
	s1 =	sshll.u32 s1, $0x11  }
0xbc: {  	s0 =	sor.u32 s1, s0  }
0xbd: {  	s0 =	sadd.s32 $0x8F2B, s0  }
0xbe: {  	[sflag:s0] =	ssyncadd.remote.s32 $0x1  }
0xbf: {  	_ =	sfence.sel $0xFFFF  }
0xc0: {  	[dreg:$0x0] =	wrdreg $0xFFFFFFFF;
	(pc) =	sbr.abs _section_cstart, $3  }
0xc1: {  	[dreg:$0x1] =	wrdreg $0xFFFFFFFF  }
0xc2: {  	_ =	task.clear_ibuf [dreg:s7], $0x2FFFF;
	_ =	strace $0x9FFFFFFF  }
0xc3: {  	(tm) =	ssettm $0x7FFFFFFF  }
tec
execute0_lowered:
.L_overlay_start_1:
0x0: {  	(tag) =	ssettag $0x1  }
0x1: {  	s0 =	rddreg [dreg:$0x0]  }
0x2: {  	s2 =	rddreg [dreg:$0x1]  }
0x3: {  	s1 =	rddreg [dreg:$0x2];
	s3 =	srdreg.scid  }
0x4: {  	s11 =	stileid.u32;
	s14 =	simm.s32 $0x80;
	s15 =	simm.s32 $0xA200  }
0x5: {  	s18 =	simm.s32 $0xC200;
	s22 =	simm.s32 $0xE200;
	s28 =	simm.s32 $0x5  }
0x6: {  	s29 =	simm.s32 $0x6;
	s30 =	simm.s32 $0x0;
	s6 =	smul.u32 $0xA20, s11  }
0x7: {  	s4 =	sand.u32 $0x1, s3;
	s3 =	simm.s32 $0x0;
	s8 =	smul.u32 $0xA000, s11  }
0x8: {  	s31 =	sshll.u32 s11, $0x6;
	s5 =	smul.u32 $0x9C40, s4;
	[smem:$0x7FF] =	sst s3  }
0x9: {  	s7 =	ssub.s32 $0x2, s4;
	s10 =	smul.u32 $0xA0000, s4;
	s4 =	sadd.s32 $0x16A00, s0  }
0xa: {  	s12 =	sor.u32 $0x1C07, s31;
	_ =	strace $0x8000004D;
	s24 =	sshrl.u32 s7, $0x1  }
0xb: {  	s6 =	sadd.s32 s6, s0;
	s26 =	sshrl.u32 s8, $0x1;
	s9 =	sadd.s32 s5, s0  }
.Ltmp0:
0xc: {  	s25 =	ssub.s32 s7, s24;
	s5 =	sadd.s32 $0x1C00, s6;
	(pc) =	sbr.rel .LBB2_1-.Ltmp0, $4  }
0xd: {  	s8 =	sadd.s32 s8, s10;
	s6 =	sadd.s32 $0xBE00, s6;
	s13 =	sadd.s32 s26, s1  }
0xe: {  	s10 =	simm.s32 $0x7;
	s24 =	simm.s32 $0xF200;
	s26 =	simm.s32 $0x3  }
0xf: {  	s8 =	sshrl.u32 s8, $0x4;
	s7 =	sadd.s32 $0x17400, s9;
	s9 =	smax.u32 s25, $0x1  }
0x10: {  	s13 =	sshrl.u32 s13, $0x3;
	s25 =	simm.s32 $0x1;
	s8 =	sadd.s32 s2, s8  }
.LBB2_4:
0x11: {  	_ =	swait.ge [sflag:s29], $0x1000  }
0x12: {  	[sflag:s29] =	ssyncset.done $0x0  }
0x13: {  	[sflag:s29] =	ssyncadd.s32 $0xFFFFF000  }
0x14: {  	[spmem:s1] =	stream.indirect.scatter.add.bf16 [tilespmem:s24], [sflag:$0x7], $0x20, s2, s14, $0xb8;
	[tilespmem:$0x15200] =	vst v63  }
0x15: {  	_ =	swait.ge [sflag:s10], $0x1000  }
0x16: {  	s30 =	sadd.s32 $0x1, s30;
	[sflag:s10] =	ssyncset.done $0x0  }
0x17: {  	p0 =	sne.s32 s30, s9;
	[sflag:s10] =	ssyncadd.s32 $0xFFFFF000  }
.Ltmp1:
0x18: {  	[bflag:$0x0] =	sbarrier.arrive $0xFFFF;
	(pc) =	sbr.rel @!p0 .LBB2_5-.Ltmp1, $4  }
0x19: {  	[hbm:s8], [sflag:s12] =	dma.local [spmem:s13], $0xA00  }
0x1a: {  	_ =	swait.ge [sflag:s10], $0xA00  }
0x1b: {  	[sflag:s10] =	ssyncset.done $0x0  }
0x1c: {  	[sflag:s10] =	ssyncadd.s32 $0xFFFFF600  }
.LBB2_1:
0x1d: {  	[tilespmem:s3], [sflag:$0x7] =	stream.linear.gather [hbm4b:s5+s3], $0x5100, $0x38;
	[tilespmem:$0x15200] =	vst v63  }
0x1e: {  	_ =	swait.ge [sflag:s10], $0x5100  }
0x1f: {  	[sflag:s10] =	ssyncset.done $0x0  }
0x20: {  	s0 =	simm.s32 $0x5100;
	[sflag:s10] =	ssyncadd.s32 $0xFFFFAF00  }
0x21: {  	[tilespmem:s0], [sflag:$0x7] =	stream.linear.gather [hbm4b:s6+s3], $0x5100, $0x38;
	[tilespmem:$0x15200] =	vst v63  }
0x22: {  	_ =	swait.ge [sflag:s10], $0x5100  }
0x23: {  	[sflag:s10] =	ssyncset.done $0x0  }
0x24: {  	[sflag:s10] =	ssyncadd.s32 $0xFFFFAF00  }
0x25: {  	[spmem:s13], [sflag:s12] =	dma.local [hbm:s4], $0xA00  }
0x26: {  	_ =	swait.ge [sflag:s10], $0xA00  }
0x27: {  	[sflag:s10] =	ssyncset.done $0x0  }
0x28: {  	[sflag:s10] =	ssyncadd.s32 $0xFFFFF600  }
0x29: {  	[bflag:$0x0] =	sbarrier.arrive $0xFFFF  }
0x2a: {  	[tilespmem:s15], [sflag:$0x1] =	stream.indirect.gather [hbm4b:s7+s14], $0x20, s3, s14, $0xb8;
	[tilespmem:$0x15200] =	vst v63  }
0x2b: {  	s17 =	simm.s32 $0xB200  }
0x2c: {  	[tilespmem:s17], [sflag:$0x2] =	stream.indirect.gather [hbm4b:s7+s14], $0x20, s14, s14, $0xb8;
	[tilespmem:$0x15200] =	vst v63  }
0x2d: {  	s19 =	simm.s32 $0x100  }
0x2e: {  	[tilespmem:s18], [sflag:$0x3] =	stream.indirect.gather [hbm4b:s7+s14], $0x20, s19, s14, $0xb8;
	[tilespmem:$0x15200] =	vst v63  }
0x2f: {  	s20 =	simm.s32 $0x180;
	s2 =	simm.s32 $0xD200  }
0x30: {  	[tilespmem:s2], [sflag:$0x4] =	stream.indirect.gather [hbm4b:s7+s14], $0x20, s20, s14, $0xb8;
	[tilespmem:$0x15200] =	vst v63  }
0x31: {  	s21 =	simm.s32 $0x200  }
0x32: {  	[tilespmem:s22], [sflag:$0x5] =	stream.indirect.gather [hbm4b:s7+s14], $0x20, s21, s14, $0xb8;
	[tilespmem:$0x15200] =	vst v63  }
0x33: {  	s23 =	simm.s32 $0x280;
	s31 =	simm.s32 $0x0  }
0x34: {  	[tilespmem:s24], [sflag:$0x6] =	stream.indirect.gather [hbm4b:s7+s14], $0x20, s23, s14, $0xb8;
	[tilespmem:$0x15200] =	vst v63  }
.LBB2_2:
0x35: {  	_ =	swait.ge [sflag:s25], $0x1000  }
0x36: {  	s0 =	sshra.s32 s31, $0x2;
	[sflag:s25] =	ssyncset.done $0x0  }
0x37: {  	s2 =	sadd.s32 $0x5100, s0;
	[sflag:s25] =	ssyncadd.s32 $0xFFFFF000  }
0x38: {  	[spmem:s1] =	stream.indirect.scatter.add.bf16 [tilespmem:s15], [sflag:$0x7], $0x20, s2, s14, $0xb8;
	[tilespmem:$0x15200] =	vst v63  }
0x39: {  	_ =	swait.ge [sflag:s10], $0x1000  }
0x3a: {  	p0 =	seq.s32 s31, $0x13800;
	[sflag:s10] =	ssyncset.done $0x0  }
0x3b: {  	s2 =	simm.s32 @p0 $0x2;
	[sflag:s10] =	ssyncadd.s32 $0xFFFFF000  }
0x3c: {  	_ =	swait.ge @p0 [sflag:s2], $0x1000  }
0x3d: {  	[sflag:s2] =	ssyncset.done @p0 $0x0  }
0x3e: {  	[sflag:s2] =	ssyncadd.s32 @p0 $0xFFFFF000;
	s2 =	sshra.s32 @p0 s31, $0x2  }
0x3f: {  	s16 =	simm.s32 @p0 $0x80;
	s17 =	simm.s32 @p0 $0xB200;
	s11 =	sadd.s32 @p0 $0x5180, s2  }
0x40: {  	[spmem:s1] =	stream.indirect.scatter.add.bf16 @p0 [tilespmem:s17], [sflag:$0x7], $0x20, s11, s16, $0xb8;
	[tilespmem:$0x15200] =	vst v63  }
0x41: {  	s11 =	simm.s32 @p0 $0x7  }
0x42: {  	_ =	swait.ge @p0 [sflag:s11], $0x1000  }
0x43: {  	s20 =	simm.s32 @!p0 $0x80;
	s17 =	sshra.s32 @!p0 s31, $0x2;
	[sflag:s11] =	ssyncset.done @p0 $0x0  }
0x44: {  	s21 =	simm.s32 @!p0 $0xA200;
	s19 =	sadd.s32 @!p0 $0x300, s17;
	[sflag:s11] =	ssyncadd.s32 @p0 $0xFFFFF000  }
0x45: {  	[tilespmem:s21], [sflag:$0x1] =	stream.indirect.gather @!p0 [hbm4b:s7+s20], $0x20, s19, s20, $0xb8;
	[tilespmem:$0x15200] =	vst v63  }
0x46: {  	s19 =	simm.s32 @!p0 $0x2  }
0x47: {  	_ =	swait.ge @!p0 [sflag:s19], $0x1000  }
0x48: {  	[sflag:s19] =	ssyncset.done @!p0 $0x0  }
0x49: {  	s21 =	simm.s32 @!p0 $0xB200;
	[sflag:s19] =	ssyncadd.s32 @!p0 $0xFFFFF000;
	s19 =	sadd.s32 @!p0 $0x5180, s17  }
0x4a: {  	[spmem:s1] =	stream.indirect.scatter.add.bf16 @!p0 [tilespmem:s21], [sflag:$0x7], $0x20, s19, s20, $0xb8;
	[tilespmem:$0x15200] =	vst v63  }
0x4b: {  	s19 =	simm.s32 @!p0 $0x7  }
0x4c: {  	_ =	swait.ge @!p0 [sflag:s19], $0x1000  }
0x4d: {  	[sflag:s19] =	ssyncset.done @!p0 $0x0  }
0x4e: {  	s23 =	sadd.s32 @!p0 $0x380, s17;
	[sflag:s19] =	ssyncadd.s32 @!p0 $0xFFFFF000  }
0x4f: {  	[tilespmem:s21], [sflag:$0x2] =	stream.indirect.gather @!p0 [hbm4b:s7+s20], $0x20, s23, s20, $0xb8;
	[tilespmem:$0x15200] =	vst v63  }
0x50: {  	_ =	swait.ge [sflag:s26], $0x1000  }
0x51: {  	[sflag:s26] =	ssyncset.done $0x0  }
0x52: {  	s23 =	sadd.s32 $0x5200, s0;
	[sflag:s26] =	ssyncadd.s32 $0xFFFFF000  }
0x53: {  	[spmem:s1] =	stream.indirect.scatter.add.bf16 [tilespmem:s18], [sflag:$0x7], $0x20, s23, s14, $0xb8;
	[tilespmem:$0x15200] =	vst v63  }
0x54: {  	_ =	swait.ge [sflag:s10], $0x1000  }
0x55: {  	[sflag:s10] =	ssyncset.done $0x0  }
0x56: {  	s21 =	simm.s32 @p0 $0x4;
	[sflag:s10] =	ssyncadd.s32 $0xFFFFF000  }
0x57: {  	_ =	swait.ge @p0 [sflag:s21], $0x1000  }
0x58: {  	[sflag:s21] =	ssyncset.done @p0 $0x0  }
0x59: {  	s2 =	sadd.s32 @p0 $0x5280, s2;
	[sflag:s21] =	ssyncadd.s32 @p0 $0xFFFFF000;
	s21 =	simm.s32 @p0 $0xD200  }
0x5a: {  	[spmem:s1] =	stream.indirect.scatter.add.bf16 @p0 [tilespmem:s21], [sflag:$0x7], $0x20, s2, s16, $0xb8;
	[tilespmem:$0x15200] =	vst v63  }
0x5b: {  	_ =	swait.ge @p0 [sflag:s11], $0x1000  }
0x5c: {  	[sflag:s11] =	ssyncset.done @p0 $0x0  }
0x5d: {  	s2 =	sadd.s32 @!p0 $0x400, s17;
	[sflag:s11] =	ssyncadd.s32 @p0 $0xFFFFF000;
	s11 =	simm.s32 @!p0 $0xC200  }
0x5e: {  	[tilespmem:s11], [sflag:$0x3] =	stream.indirect.gather @!p0 [hbm4b:s7+s20], $0x20, s2, s20, $0xb8;
	[tilespmem:$0x15200] =	vst v63  }
0x5f: {  	s2 =	simm.s32 @!p0 $0x4  }
0x60: {  	_ =	swait.ge @!p0 [sflag:s2], $0x1000  }
0x61: {  	[sflag:s2] =	ssyncset.done @!p0 $0x0  }
0x62: {  	s11 =	simm.s32 @!p0 $0xD200;
	[sflag:s2] =	ssyncadd.s32 @!p0 $0xFFFFF000;
	s2 =	sadd.s32 @!p0 $0x5280, s17  }
0x63: {  	[spmem:s1] =	stream.indirect.scatter.add.bf16 @!p0 [tilespmem:s11], [sflag:$0x7], $0x20, s2, s20, $0xb8;
	[tilespmem:$0x15200] =	vst v63  }
0x64: {  	_ =	swait.ge @!p0 [sflag:s19], $0x1000  }
0x65: {  	[sflag:s19] =	ssyncset.done @!p0 $0x0  }
0x66: {  	s2 =	sadd.s32 @!p0 $0x480, s17;
	[sflag:s19] =	ssyncadd.s32 @!p0 $0xFFFFF000  }
0x67: {  	[tilespmem:s11], [sflag:$0x4] =	stream.indirect.gather @!p0 [hbm4b:s7+s20], $0x20, s2, s20, $0xb8;
	[tilespmem:$0x15200] =	vst v63  }
0x68: {  	_ =	swait.ge [sflag:s28], $0x1000  }
0x69: {  	[sflag:s28] =	ssyncset.done $0x0  }
.Ltmp2:
0x6a: {  	s23 =	sadd.s32 $0x5300, s0;
	[sflag:s28] =	ssyncadd.s32 $0xFFFFF000;
	(pc) =	sbr.rel @p0 .LBB2_4-.Ltmp2, $4  }
0x6b: {  	[spmem:s1] =	stream.indirect.scatter.add.bf16 [tilespmem:s22], [sflag:$0x7], $0x20, s23, s14, $0xb8;
	[tilespmem:$0x15200] =	vst v63  }
0x6c: {  	_ =	swait.ge [sflag:s10], $0x1000  }
0x6d: {  	[sflag:s10] =	ssyncset.done $0x0  }
0x6e: {  	s2 =	sadd.s32 $0x5380, s0;
	[sflag:s10] =	ssyncadd.s32 $0xFFFFF000  }
0x6f: {  	s11 =	sadd.s32 $0x500, s0  }
0x70: {  	[tilespmem:s22], [sflag:$0x5] =	stream.indirect.gather [hbm4b:s7+s14], $0x20, s11, s14, $0xb8;
	[tilespmem:$0x15200] =	vst v63  }
0x71: {  	_ =	swait.ge [sflag:s29], $0x1000  }
0x72: {  	[sflag:s29] =	ssyncset.done $0x0  }
0x73: {  	[sflag:s29] =	ssyncadd.s32 $0xFFFFF000  }
0x74: {  	[spmem:s1] =	stream.indirect.scatter.add.bf16 [tilespmem:s24], [sflag:$0x7], $0x20, s2, s14, $0xb8;
	[tilespmem:$0x15200] =	vst v63  }
.Ltmp3:
0x75: {  	_ = 	snop;
	(pc) =	sbr.rel .LBB2_2-.Ltmp3, $4  }
0x76: {  	_ =	swait.ge [sflag:s10], $0x1000  }
0x77: {  	[sflag:s10] =	ssyncset.done $0x0  }
0x78: {  	s23 =	sadd.s32 $0x580, s0;
	s31 =	sadd.s32 $0xC00, s31;
	[sflag:s10] =	ssyncadd.s32 $0xFFFFF000  }
0x79: {  	[tilespmem:s24], [sflag:$0x6] =	stream.indirect.gather [hbm4b:s7+s14], $0x20, s23, s14, $0xb8;
	[tilespmem:$0x15200] =	vst v63  }
.LBB2_5:
0x7a: {  	_ =	sfence.sel $0x180000  }
0x7b: {  	[bflag:$0x0] =	sbarrier.arrive $0xFFFF  }
0x7c: {  	_ =	strace $0x9000004D  }
0x7d: {  	s0 =	stileid.u32;
	[bflag:$0x2] =	sbarrier.arrive $0xFFFF  }
0x7e: {  	p0 =	sne.s32 s0, $0x0;
	s0 =	rddreg [dreg:$0x3]  }
0x7f: {  	s0 =	sadd.s32 @!p0 $0x100000, s0  }
0x80: {  	[sflag:s0] =	ssyncadd.tile.s32 @!p0 $0x1;
	_ =	shalt  }
.Lfunc_end2:
_tile_overlayer_lowered:
.L_overlay_start_2:
0x81: {  	(tag) =	ssettag $0x2  }
0x82: {  	s0 =	rddreg [dreg:$0x0];
	s2 =	stileid.u32  }
0x83: {  	s1 =	rddreg [dreg:$0x1];
	p0 =	sne.s32 s2, $0x0  }
0x84: {  	s3 =	rddreg [dreg:$0x2];
	[bflag:$0x3] =	sbarrier.arrive $0xFFFF;
	s2 =	simm.s32 @!p0 $0x1C07  }
0x85: {  	[timem:s3], [sflag:s2] =	dma.local @!p0 [hbm:s0], s1  }
0x86: {  	s0 =	simm.s32 @!p0 $0x7  }
0x87: {  	_ =	swait.ge @!p0 [sflag:s0], s1  }
0x88: {  	s1 =	ssub.s32 @!p0 $0x0, s1;
	[sflag:s0] =	ssyncset.done @!p0 $0x0  }
0x89: {  	[sflag:s0] =	ssyncadd.s32 @!p0 s1  }
0x8a: {  	[bflag:$0x3] =	sbarrier.arrive $0xFFFF  }
0x8b: {  	_ =	shalt  }

// kernel: kernel.9.cloned.1.call-start
scs
__scs_entry_jumppad:
0x0: {  	(pc) =	sbr.rel $0x88, $3  }
0x1: {  	(tag) =	ssettag $0x0;
	lr =	simm.s32 $0x1  }
0x2: {  	[smem:$0x3F9B] =	sst lr;
	_ =	strace $0xD0000000  }
0x3: {  	_ = 	snop  }
0x4: {  	_ = 	snop  }
0x5: {  	_ = 	snop  }
0x6: {  	_ = 	snop  }
0x7: {  	_ = 	snop  }
__scs_overlays_trampoline_lowered:
0x8: {  	[smem:$0x3FAA] =	sst s0  }
0x9: {  	[smem:$0x3FAB] =	sst s1  }
0xa: {  	[smem:$0x3FAC] =	sst s2  }
0xb: {  	[smem:$0x3FAD] =	sst s3  }
0xc: {  	[smem:$0x3FAE] =	sst s4  }
0xd: {  	[smem:$0x3FAF] =	sst s5  }
0xe: {  	[smem:$0x3FB0] =	sst s6  }
0xf: {  	[smem:$0x3FB1] =	sst s7  }
0x10: {  	[smem:$0x3FB2] =	sst s8  }
0x11: {  	[smem:$0x3FB3] =	sst s9;
	s0 =	simm.s32 @!p0 $0x0  }
0x12: {  	s1 =	sld [smem:$0x3F99];
	s0 =	simm.s32 @p0 $0x1  }
0x13: {  	[smem:$0x3FB4] =	sst s0;
	s0 =	simm.s32 @!p1 $0x0  }
0x14: {  	s2 =	sld [smem:$0x3F98];
	s0 =	simm.s32 @p1 $0x1  }
0x15: {  	[smem:$0x3FB5] =	sst s0;
	s0 =	simm.s32 @!p2 $0x0  }
0x16: {  	s3 =	sld [smem:$0x3FDB];
	s0 =	simm.s32 @p2 $0x1  }
0x17: {  	s4 =	simm.s32 $0x1BF5;
	[smem:$0x3FB7] =	sst s0  }
0x18: {  	s0 =	sld [smem:$0x3F9A];
	_ =	swait.ge [sflag:s4], $0x0  }
0x19: {  	s7 =	sld [smem:$0x3F9B]  }
0x1a: {  	s8 =	sadd.s32 $0xFFFFE003, lr  }
0x1b: {  	s9 =	sadd.s32 $0xFFFFFEF7, lr;
	s5 =	simm.s32 $0xFFFFFFFF;
	p2 =	slt.u32 s8, $0xFFFFF086  }
0x1c: {  	p1 =	slt.u32 s9, $0xF7A;
	s5 =	simm.s32 @!p2 $0x0  }
0x1d: {  	s5 =	simm.s32 @p1 $0x1;
	p0 =	seq.s32 s7, s2  }
0x1e: {  	s7 =	smul.u32 @!p0 $0xF7A, s2;
	p2 =	seq.s32 @!p0 s5, $0x0  }
0x1f: {  	s9 =	smul.u32 $0xF7A, s1;
	s8 =	simm.s32 @!p0 $0x1BF5;
	p2 =	por !p2, p0  }
0x20: {  	[sflag:s8] =	ssyncset.s32 @!p0 $0xFFFFF086;
	s6 =	sadd.s32 @!p0 s3, s7;
	s7 =	simm.s32 @!p0 $0x108  }
0x21: {  	s3 =	sadd.s32 s3, s9;
	s6 =	sadd.s32 @!p0 $0x88, s6;
	s7 =	simm.s32 @p2 $0x1082  }
0x22: {  	[simem:s7], [sflag:s8] =	dma.local @!p0 [hbm:s6], $0xF7A  }
0x23: {  	s9 =	sor.u32 $0xD0000000, s2;
	s6 =	simm.s32 $0x108;
	_ =	swait.ge @!p0 [sflag:s8], $0x0  }
0x24: {  	s3 =	sadd.s32 $0x88, s3;
	s6 =	simm.s32 @!p1 $0x1082;
	[sflag:s4] =	ssyncset.s32 $0xFFFFF086  }
0x25: {  	[simem:s6], [sflag:s4] =	dma.local [hbm:s3], $0xF7A  }
0x26: {  	[smem:$0x3F9B] =	sst s1;
	(tag) =	ssettag s2;
	_ =	strace s9  }
0x27: {  	s1 =	sld [smem:$0x3FAB]  }
0x28: {  	s2 =	sld [smem:$0x3FAC]  }
0x29: {  	s4 =	sld [smem:$0x3FAE]  }
0x2a: {  	p0 =	seq.s32 s5, $0x0;
	s5 =	sld [smem:$0x3FAF]  }
0x2b: {  	s6 =	sld [smem:$0x3FB0]  }
0x2c: {  	s7 =	sld [smem:$0x3FB1]  }
0x2d: {  	s3 =	simm.s32 $0x108;
	s8 =	sld [smem:$0x3FB2]  }
0x2e: {  	s3 =	simm.s32 @!p0 $0x1082;
	s9 =	sld [smem:$0x3FB3]  }
0x2f: {  	lr =	sadd.s32 s0, s3;
	s0 =	sld [smem:$0x3FAA]  }
0x30: {  	s3 =	sld [smem:$0x3FAD]  }
0x31: {  	[smem:$0x3FB6] =	sst s10  }
0x32: {  	s10 =	sld [smem:$0x3FB4];
	_ =	sdelay $0x3  }
0x33: {  	p0 =	seq.s32 s10, $0x1;
	s10 =	sld [smem:$0x3FB6];
	_ =	sdelay $0x3  }
0x34: {  	[smem:$0x3FB6] =	sst s10  }
0x35: {  	s10 =	sld [smem:$0x3FB5];
	_ =	sdelay $0x3  }
0x36: {  	p1 =	seq.s32 s10, $0x1;
	s10 =	sld [smem:$0x3FB6];
	_ =	sdelay $0x3  }
0x37: {  	[smem:$0x3FB6] =	sst s10  }
0x38: {  	s10 =	sld [smem:$0x3FB7]  }
0x39: {  	_ = 	snop;
	(pc) =	sbr.ind lr, $3  }
0x3a: {  	_ = 	snop  }
0x3b: {  	_ = 	snop  }
0x3c: {  	p2 =	seq.s32 s10, $0x1;
	s10 =	sld [smem:$0x3FB6]  }
0x3d: {  	_ =	shalt  }
0x3e: {  	_ =	shalt  }
0x3f: {  	_ =	shalt  }
0x40: {  	_ =	shalt  }
0x41: {  	_ =	shalt  }
0x42: {  	_ =	shalt  }
0x43: {  	_ =	shalt  }
0x44: {  	_ =	shalt  }
0x45: {  	_ =	shalt  }
0x46: {  	_ =	shalt  }
0x47: {  	_ =	shalt  }
0x48: {  	_ =	shalt  }
0x49: {  	_ =	shalt  }
0x4a: {  	_ =	shalt  }
0x4b: {  	_ =	shalt  }
0x4c: {  	_ =	shalt  }
0x4d: {  	_ =	shalt  }
0x4e: {  	_ =	shalt  }
0x4f: {  	_ =	shalt  }
0x50: {  	_ =	shalt  }
0x51: {  	_ =	shalt  }
0x52: {  	_ =	shalt  }
0x53: {  	_ =	shalt  }
0x54: {  	_ =	shalt  }
0x55: {  	_ =	shalt  }
0x56: {  	_ =	shalt  }
0x57: {  	_ =	shalt  }
0x58: {  	_ =	shalt  }
0x59: {  	_ =	shalt  }
0x5a: {  	_ =	shalt  }
0x5b: {  	_ =	shalt  }
0x5c: {  	_ =	shalt  }
0x5d: {  	_ =	shalt  }
0x5e: {  	_ =	shalt  }
0x5f: {  	_ =	shalt  }
0x60: {  	_ =	shalt  }
0x61: {  	_ =	shalt  }
0x62: {  	_ =	shalt  }
0x63: {  	_ =	shalt  }
0x64: {  	_ =	shalt  }
0x65: {  	_ =	shalt  }
0x66: {  	_ =	shalt  }
0x67: {  	_ =	shalt  }
0x68: {  	_ =	shalt  }
0x69: {  	_ =	shalt  }
0x6a: {  	_ =	shalt  }
0x6b: {  	_ =	shalt  }
0x6c: {  	_ =	shalt  }
0x6d: {  	_ =	shalt  }
0x6e: {  	_ =	shalt  }
0x6f: {  	_ =	shalt  }
0x70: {  	_ =	shalt  }
0x71: {  	_ =	shalt  }
0x72: {  	_ =	shalt  }
0x73: {  	_ =	shalt  }
0x74: {  	_ =	shalt  }
0x75: {  	_ =	shalt  }
0x76: {  	_ =	shalt  }
0x77: {  	_ =	shalt  }
0x78: {  	_ =	shalt  }
0x79: {  	_ =	shalt  }
0x7a: {  	_ =	shalt  }
0x7b: {  	_ =	shalt  }
0x7c: {  	_ =	shalt  }
0x7d: {  	_ =	shalt  }
0x7e: {  	_ =	shalt  }
0x7f: {  	_ =	shalt  }
0x80: {  	_ =	shalt  }
0x81: {  	_ =	shalt  }
0x82: {  	_ =	shalt  }
0x83: {  	_ =	shalt  }
0x84: {  	_ =	shalt  }
0x85: {  	_ =	shalt  }
0x86: {  	_ =	shalt  }
0x87: {  	_ =	shalt  }
.Lfunc_end0:
.L_simem_size_0:
called_computation_lowered:
.L_overlay_start_0:
0x88: {  	s2 =	sld [smem:$0x3FD9]  }
0x89: {  	s3 =	sld [smem:$0x3FFE];
	_ =	sdelay $0x1  }
0x8a: {  	s1 =	srdreg.scid  }
0x8b: {  	s0 =	sand.u32 $0x1, s1  }
0x8c: {  	s17 =	sshll.u32 s0, $0xA;
	s2 =	sadd.s32 s3, s2  }
0x8d: {  	s2 =	sadd.s32 s2, s17  }
0x8e: {  	[smem:$0x3FC2] =	sst s2  }
0x8f: {  	_ = 	snop  }
0x90: {  	s2 =	sld [smem:$0x3FD0];
	(tm) =	ssettm $0x1  }
0x91: {  	s18 =	sld [smem:$0x3FFB];
	_ =	sdelay $0x3  }
0x92: {  	_ =	strace s18  }
0x93: {  	s3 =	sld [smem:$0x3FFC];
	_ =	sdelay $0x3  }
0x94: {  	_ =	strace s3  }
0x95: {  	s3 =	sld [smem:$0x3FFD];
	_ =	sdelay $0x3  }
0x96: {  	_ =	strace s3  }
0x97: {  	_ =	strace $0x8FFFFFFF  }
0x98: {  	s19 =	sld [smem:$0x3FDB];
	_ =	sdelay $0x1  }
0x99: {  	s4 =	simm.s32 $_scs_section_size  }
0x9a: {  	s5 =	simm.s32 $_size__tile_overlayer_lowered;
	s6 =	simm.s32 $_tile_overlayer_lowered  }
0x9b: {  	s22 =	simm.s32 $0x1BFF;
	s21 =	sshll.u32 s6, $0x1;
	s3 =	sadd.s32 s4, s19  }
0x9c: {  	s7 =	simm.s32 $0x0;
	s20 =	sshll.u32 s5, $0x1;
	s5 =	sadd.s32 s21, s3  }
0x9d: {  	[timem:s7], [sflag:s22] =	dma.local [hbm:s5], s20  }
0x9e: {  	_ =	swait.ge [sflag:s22], s20  }
0x9f: {  	s4 =	ssub.s32 $0x0, s20;
	[sflag:s22] =	ssyncset.done $0x0  }
0xa0: {  	[sflag:s22] =	ssyncadd.s32 s4;
	_ =	sdelay $0x1  }
0xa1: {  	s23 =	simm.s32 $0x1B8B  }
0xa2: {  	_ =	swait.ge [sflag:s23], $0x1  }
0xa3: {  	[sflag:s23] =	ssyncset.done $0x0  }
0xa4: {  	s25 =	simm.s32 $0x1B8E;
	s24 =	sld [smem:$0x3FFE];
	[sflag:s23] =	ssyncadd.s32 $0xFFFFFFFF  }
0xa5: {  	s26 =	simm.s32 $execute0_lowered;
	[smem:$0x3FD2] =	sst s25  }
0xa6: {  	s5 =	sshll.u32 s26, $0x1;
	_ =	strace $0x80000046;
	[dreg:$0x1] =	wrdreg $0xFFFFFFFF  }
0xa7: {  	s28 =	simm.s32 $_size_execute0_lowered;
	s3 =	sadd.s32 s3, s5;
	[dreg:$0x0] =	wrdreg $0x0  }
0xa8: {  	s5 =	sshll.u32 s28, $0x1;
	[dreg:$0x2] =	wrdreg s3  }
0xa9: {  	[dreg:$0x3] =	wrdreg s5  }
0xaa: {  	[dreg:$0x4] =	wrdreg $0xC0  }
0xab: {  	_ =	task [dreg:s7], $0x5FFFF  }
0xac: {  	[dreg:$0x1] =	wrdreg $0xFFFFFFFF  }
0xad: {  	[dreg:$0x0] =	wrdreg $0x60  }
0xae: {  	[dreg:$0x2] =	wrdreg s2  }
0xaf: {  	[dreg:$0x3] =	wrdreg s24  }
0xb0: {  	[dreg:$0x4] =	wrdreg $0x2F000  }
0xb1: {  	[dreg:$0x5] =	wrdreg $0x9  }
0xb2: {  	_ =	task.clear_ibuf [dreg:s7], $0x6FFFF;
	_ =	strace $0x90000046  }
0xb3: {  	s29 =	simm.s32 $0x9;
	_ =	strace $0x80000048  }
0xb4: {  	_ =	swait.ge [sflag:s29], $0x1  }
0xb5: {  	[sflag:s29] =	ssyncadd.s32 $0xFFFFFFFF  }
0xb6: {  	_ =	strace $0x90000048  }
0xb7: {  	_ =	sfence  }
0xb8: {  	s30 =	sld [smem:$0x0];
	_ =	sdelay $0x2  }
0xb9: {  	s31 =	sshll.u32 s1, $0xD;
	s1 =	sshrl.u32 s1, $0x2  }
0xba: {  	s3 =	sand.u32 $0x4000, s31;
	s1 =	sadd.s32 s1, s30  }
0xbb: {  	s0 =	sor.u32 s3, s0;
	s1 =	sshll.u32 s1, $0x11  }
0xbc: {  	s0 =	sor.u32 s1, s0  }
0xbd: {  	s0 =	sadd.s32 $0x8F2B, s0  }
0xbe: {  	[sflag:s0] =	ssyncadd.remote.s32 $0x1  }
0xbf: {  	_ =	sfence.sel $0xFFFF  }
0xc0: {  	[dreg:$0x0] =	wrdreg $0xFFFFFFFF;
	(pc) =	sbr.abs _section_cstart, $3  }
0xc1: {  	[dreg:$0x1] =	wrdreg $0xFFFFFFFF  }
0xc2: {  	_ =	task.clear_ibuf [dreg:s7], $0x2FFFF;
	_ =	strace $0x9FFFFFFF  }
0xc3: {  	(tm) =	ssettm $0x7FFFFFFF  }
tec
execute0_lowered:
.L_overlay_start_1:
0x0: {  	(tag) =	ssettag $0x1  }
0x1: {  	s4 =	rddreg [dreg:$0x0]  }
0x2: {  	s5 =	rddreg [dreg:$0x1]  }
0x3: {  	s2 =	rddreg [dreg:$0x2]  }
0x4: {  	s0 =	rddreg [dreg:$0x3];
	s6 =	srdreg.scid  }
0x5: {  	s1 =	stileid.u32;
	s3 =	simm.s32 $0x0;
	s11 =	simm.s32 $0x2C00  }
0x6: {  	s12 =	simm.s32 $0x1;
	s15 =	simm.s32 $0x20;
	s16 =	simm.s32 $0x10  }
0x7: {  	s17 =	simm.s32 $0x0;
	s6 =	sand.u32 $0x1, s6;
	s7 =	smul.u32 $0x500, s1  }
0x8: {  	[smem:$0x7FF] =	sst s3;
	s9 =	smul.u32 $0xA00, s1;
	s13 =	sshll.u32 s1, $0x6  }
0x9: {  	s8 =	sshll.u32 s6, $0x7;
	_ =	strace $0x80000047;
	s30 =	sshll.u32 s6, $0x4  }
0xa: {  	s6 =	ssub.s32 $0x2, s6;
	s13 =	sor.u32 $0x1C02, s13;
	s7 =	sor.u32 s8, s7  }
0xb: {  	s8 =	sor.u32 s1, s30;
	s10 =	sshrl.u32 s6, $0x1;
	s31 =	sshrl.u32 s9, $0x2  }
0xc: {  	s9 =	simm.s32 $0x2C80;
	s7 =	sshrl.u32 s7, $0x3;
	s8 =	smul.u32 $0x580, s8  }
0xd: {  	s10 =	ssub.s32 s6, s10;
	s7 =	sadd.s32 s7, s5;
	s5 =	sadd.s32 s31, s2  }
0xe: {  	s4 =	sadd.s32 s4, s8;
	s6 =	sadd.s32 $0x16000, s7;
	s7 =	smax.u32 s10, $0x1  }
0xf: {  	v0 =	vimm.f32 $1.000000000e+00;
	v1 =	vimm.f32 $0.0e+00;
	s8 =	simm.s32 $0x2;
	s10 =	simm.s32 $0x80;
	s14 =	sshrl.u32 s5, $0x3  }
.LBB2_1:
0x10: {  	[tilespmem:s3], [sflag:$0x2] =	stream.linear.gather [hbm4b:s4+s3], $0x2880, $0x38;
	[tilespmem:$0x3180] =	vst v63  }
0x11: {  	_ =	swait.ge [sflag:s8], $0x2880  }
0x12: {  	[sflag:s8] =	ssyncset.done $0x0  }
0x13: {  	[sflag:s8] =	ssyncadd.s32 $0xFFFFD780  }
0x14: {  	[tilespmem:$0x2C00] =	vst v0  }
0x15: {  	[tilespmem:$0x2C10] =	vst v0  }
0x16: {  	[tilespmem:$0x2C20] =	vst v0  }
0x17: {  	[tilespmem:$0x2C30] =	vst v0  }
0x18: {  	[tilespmem:$0x2C40] =	vst v0  }
0x19: {  	[tilespmem:$0x2C50] =	vst v0  }
0x1a: {  	[tilespmem:$0x2C60] =	vst v0  }
0x1b: {  	[tilespmem:$0x2C70] =	vst v0  }
0x1c: {  	[tilespmem:$0x2C80] =	vst v1  }
0x1d: {  	[tilespmem:$0x2C90] =	vst v1  }
0x1e: {  	[tilespmem:$0x2CA0] =	vst v1  }
0x1f: {  	[tilespmem:$0x2CB0] =	vst v1  }
0x20: {  	[tilespmem:$0x2CC0] =	vst v1  }
0x21: {  	[tilespmem:$0x2CD0] =	vst v1  }
0x22: {  	[tilespmem:$0x2CE0] =	vst v1  }
0x23: {  	[tilespmem:$0x2CF0] =	vst v1  }
0x24: {  	[tilespmem:$0x2D00] =	vst v1  }
0x25: {  	[tilespmem:$0x2D10] =	vst v1  }
0x26: {  	[tilespmem:$0x2D20] =	vst v1  }
0x27: {  	[tilespmem:$0x2D30] =	vst v1  }
0x28: {  	[tilespmem:$0x2D40] =	vst v1  }
0x29: {  	[tilespmem:$0x2D50] =	vst v1  }
0x2a: {  	[tilespmem:$0x2D60] =	vst v1  }
0x2b: {  	[tilespmem:$0x2D70] =	vst v1  }
0x2c: {  	[tilespmem:$0x2D80] =	vst v1  }
0x2d: {  	[tilespmem:$0x2D90] =	vst v1  }
0x2e: {  	[tilespmem:$0x2DA0] =	vst v1  }
0x2f: {  	[tilespmem:$0x2DB0] =	vst v1  }
0x30: {  	[tilespmem:$0x2DC0] =	vst v1  }
0x31: {  	[tilespmem:$0x2DD0] =	vst v1  }
0x32: {  	[tilespmem:$0x2DE0] =	vst v1  }
0x33: {  	[tilespmem:$0x2DF0] =	vst v1  }
0x34: {  	[tilespmem:$0x2E00] =	vst v1  }
0x35: {  	[tilespmem:$0x2E10] =	vst v1  }
0x36: {  	[tilespmem:$0x2E20] =	vst v1  }
0x37: {  	[tilespmem:$0x2E30] =	vst v1  }
0x38: {  	[tilespmem:$0x2E40] =	vst v1  }
0x39: {  	[tilespmem:$0x2E50] =	vst v1  }
0x3a: {  	[tilespmem:$0x2E60] =	vst v1  }
0x3b: {  	[tilespmem:$0x2E70] =	vst v1  }
0x3c: {  	[tilespmem:$0x2E80] =	vst v1  }
0x3d: {  	[tilespmem:$0x2E90] =	vst v1  }
0x3e: {  	[tilespmem:$0x2EA0] =	vst v1  }
0x3f: {  	[tilespmem:$0x2EB0] =	vst v1  }
0x40: {  	[tilespmem:$0x2EC0] =	vst v1  }
0x41: {  	[tilespmem:$0x2ED0] =	vst v1  }
0x42: {  	[tilespmem:$0x2EE0] =	vst v1  }
0x43: {  	[tilespmem:$0x2EF0] =	vst v1  }
0x44: {  	[spmem:s5] =	stream.linear.scatter [tilespmem:s9], [sflag:$0x2], $0x280, $0x38;
	[tilespmem:$0x3180] =	vst v63  }
0x45: {  	_ =	swait.ge [sflag:s8], $0x280  }
0x46: {  	[sflag:s8] =	ssyncset.done $0x0  }
0x47: {  	[sflag:s8] =	ssyncadd.s32 $0xFFFFFD80  }
0x48: {  	s18 =	simm.s32 $0x0;
	[bflag:$0x0] =	sbarrier.arrive $0xFFFF  }
.LBB2_2:
0x49: {  	p0 =	sne.s32 s18, $0xA000  }
.Ltmp0:
0x4a: {  	_ = 	snop;
	(pc) =	sbr.rel @p0 .LBB2_2-.Ltmp0, $3  }
0x4b: {  	_ =	sdelay $0x1  }
0x4c: {  	s19 =	sshra.s32 s18, $0x2;
	s18 =	sadd.s32 $0x200, s18  }
0x4d: {  	[spmem:s2] =	stream.indirect.scatter.add.f32 [tilespmem:s11], [sflag:$0x1], $0x1, s19, s10, $0xb8;
	[tilespmem:$0x3180] =	vst v63  }
0x4e: {  	_ =	swait.ge [sflag:s12], $0x80  }
0x4f: {  	s18 =	simm.s32 $0x50;
	[sflag:s12] =	ssyncset.done $0x0  }
.LBB2_4:
0x50: {  	p0 =	sne.s32 s18, $0x1;
	s18 =	sadd.s32 $0xFFFFFFFF, s18;
	[sflag:s12] =	ssyncadd.s32 $0xFFFFFF80  }
.Ltmp1:
0x51: {  	(pc) =	sbr.rel @p0 .LBB2_4-.Ltmp1, $3  }
0x52: {  	_ =	sdelay $0x1  }
0x53: {  	_ =	swait.ge [sflag:s12], $0x80  }
0x54: {  	[sflag:s12] =	ssyncset.done $0x0  }
0x55: {  	s17 =	sadd.s32 $0x1, s17  }
0x56: {  	[sflag:s12] =	ssyncadd.s32 $0xFFFFFF80;
	p0 =	sne.s32 s17, s7  }
.Ltmp2:
0x57: {  	[bflag:$0x0] =	sbarrier.arrive $0xFFFF;
	(pc) =	sbr.rel @p0 .LBB2_1-.Ltmp2, $4  }
0x58: {  	[hbm:s6@s15], [sflag:s13] =	dma.strided [spmem:s14@s16], $0x50, s12, $0x10   }
0x59: {  	_ =	swait.ge [sflag:s8], $0x50  }
0x5a: {  	[sflag:s8] =	ssyncset.done $0x0  }
0x5b: {  	[sflag:s8] =	ssyncadd.s32 $0xFFFFFFB0  }
0x5c: {  	_ =	sfence.sel $0x180000  }
0x5d: {  	[bflag:$0x0] =	sbarrier.arrive $0xFFFF  }
0x5e: {  	p0 =	sne.s32 s1, $0x0;
	_ =	strace $0x90000047  }
0x5f: {  	s0 =	sadd.s32 @!p0 $0x100000, s0;
	[bflag:$0x2] =	sbarrier.arrive $0xFFFF  }
0x60: {  	[sflag:s0] =	ssyncadd.tile.s32 @!p0 $0x1;
	_ =	shalt  }
.Lfunc_end2:
_tile_overlayer_lowered:
.L_overlay_start_2:
0x61: {  	(tag) =	ssettag $0x2  }
0x62: {  	s0 =	rddreg [dreg:$0x0];
	s2 =	stileid.u32  }
0x63: {  	s1 =	rddreg [dreg:$0x1];
	p0 =	sne.s32 s2, $0x0  }
0x64: {  	s3 =	rddreg [dreg:$0x2];
	[bflag:$0x3] =	sbarrier.arrive $0xFFFF;
	s2 =	simm.s32 @!p0 $0x1C02  }
0x65: {  	[timem:s3], [sflag:s2] =	dma.local @!p0 [hbm:s0], s1  }
0x66: {  	s0 =	simm.s32 @!p0 $0x2  }
0x67: {  	_ =	swait.ge @!p0 [sflag:s0], s1  }
0x68: {  	s1 =	ssub.s32 @!p0 $0x0, s1;
	[sflag:s0] =	ssyncset.done @!p0 $0x0  }
0x69: {  	[sflag:s0] =	ssyncadd.s32 @!p0 s1  }
0x6a: {  	[bflag:$0x3] =	sbarrier.arrive $0xFFFF  }
0x6b: {  	_ =	shalt  }

</sc_bundles>
